<compile_context>
chip_gen: v7x
topology: tpu7x:2x2x1
jax: 0.10.2.dev20260603
libtpu: 0.0.44.dev20260713+nightly
codegen_flags: <defaults>
</compile_context>

<pallas_src>
import dataclasses
import functools

import jax
import jax.numpy as jnp
from jax import lax
from jax.experimental import pallas as pl
from jax.experimental.pallas import tpu as pltpu
from jax.experimental.pallas import tpu_sc as plsc

LANES = 16
NUM_CORES = 2
NUM_SUBCORES = 16
NUM_WORKERS = NUM_CORES * NUM_SUBCORES
ROWS_PER_BLOCK = 4
NBUF = 6


def kernel(x, permutation):
    batch, dim = x.shape
    perm = permutation.astype(jnp.int32)

    rows_per_worker = batch // NUM_WORKERS
    nblk = rows_per_worker // ROWS_PER_BLOCK
    main_blk = (nblk // NBUF) * NBUF
    tail = nblk - main_blk
    assert tail < NBUF

    mesh = plsc.VectorSubcoreMesh(core_axis_name="c", subcore_axis_name="s")

    cp = pltpu.CompilerParams()
    if "needs_layout_passes" in pltpu.CompilerParams.__dataclass_fields__:
        cp = dataclasses.replace(cp, needs_layout_passes=False)

    @functools.partial(
        pl.kernel,
        out_type=jax.ShapeDtypeStruct((batch, dim), jnp.float32),
        mesh=mesh,
        scratch_types=[
            pltpu.VMEM((dim,), jnp.int32),
            pltpu.VMEM((NBUF, ROWS_PER_BLOCK, dim), jnp.float32),
            pltpu.VMEM((NBUF, ROWS_PER_BLOCK, dim), jnp.float32),
            pltpu.SemaphoreType.DMA((NBUF,)),
            pltpu.SemaphoreType.DMA((NBUF,)),
            pltpu.SemaphoreType.DMA,
        ],
        compiler_params=cp,
    )
    def permute_kernel(
        x_hbm, p_hbm, o_hbm, perm_v, inb, outb, in_sems, out_sems, p_sem
    ):
        perm_copy = pltpu.async_copy(p_hbm, perm_v, p_sem)

        wid = lax.axis_index("s") * NUM_CORES + lax.axis_index("c")
        row_base = wid * rows_per_worker

        row_ids = [jnp.full((LANES,), r, jnp.int32) for r in range(ROWS_PER_BLOCK)]

        def start_in(b, blk):
            src = x_hbm.at[pl.ds(row_base + blk * ROWS_PER_BLOCK, ROWS_PER_BLOCK)]
            pltpu.async_copy(src, inb.at[b], in_sems.at[b])

        def wait_in(b, blk):
            src = x_hbm.at[pl.ds(row_base + blk * ROWS_PER_BLOCK, ROWS_PER_BLOCK)]
            pltpu.make_async_copy(src, inb.at[b], in_sems.at[b]).wait()

        def start_out(b, blk):
            dst = o_hbm.at[pl.ds(row_base + blk * ROWS_PER_BLOCK, ROWS_PER_BLOCK)]
            pltpu.async_copy(outb.at[b], dst, out_sems.at[b])

        def wait_out(b, blk):
            dst = o_hbm.at[pl.ds(row_base + blk * ROWS_PER_BLOCK, ROWS_PER_BLOCK)]
            pltpu.make_async_copy(outb.at[b], dst, out_sems.at[b]).wait()

        def compute(b):
            @plsc.parallel_loop(0, dim, step=LANES, unroll=2)
            def _(j):
                idx = perm_v[pl.ds(j, LANES)]
                for r in range(ROWS_PER_BLOCK):
                    val = plsc.load_gather(inb.at[b], [row_ids[r], idx])
                    outb[b, r, pl.ds(j, LANES)] = val

        for b in range(min(NBUF, nblk)):
            start_in(b, b)
        perm_copy.wait()

        @pl.loop(0, main_blk, step=NBUF)
        def _(i0):
            for b in range(NBUF):
                blk = i0 + b
                wait_in(b, blk)

                @pl.when(i0 > 0)
                def _():
                    wait_out(b, blk - NBUF)

                compute(b)
                start_out(b, blk)

                @pl.when(blk + NBUF < nblk)
                def _():
                    start_in(b, blk + NBUF)

        for t in range(tail):
            blk = main_blk + t
            wait_in(t, blk)
            if blk - NBUF >= 0:
                wait_out(t, blk - NBUF)
            compute(t)
            start_out(t, blk)

        for k in range(min(NBUF, nblk)):
            blk = nblk - min(NBUF, nblk) + k
            wait_out(blk % NBUF, blk)

    return permute_kernel(x, perm)

# --- scband reference (transcript-rebuilt; emitter-appended) ---
"""Pipeline reference for scband-random-permutation-81415400063426 (READ-ONLY COPY).

The authoritative reference and input builder live on the scoring server;
editing this copy changes nothing except your own understanding.
"""

import jax, jax.numpy as jnp
import numpy as np

INPUT_DIM = 2048
BATCH = 16384

def setup_inputs(seed: int = 0) -> dict:
    key = jax.random.key(seed)
    kx, kp = jax.random.split(key)
    x = jax.random.normal(kx, (BATCH, INPUT_DIM), dtype=jnp.float32)
    # fixed random permutation created at module init (torch.randperm equivalent)
    permutation = jax.random.permutation(kp, INPUT_DIM).astype(jnp.int64)
    return {"x": x, "permutation": permutation}

def reference(x, permutation):
    # forward: x[:, self.permutation] -> gather along feature axis
    return jnp.take(x, permutation, axis=1)

if __name__ == "__main__":
    import jax
    _d = setup_inputs()
    print(jax.jit(kernel)(*tuple(_d.values())))

</pallas_src>

<mosaic_0001>
#map = affine_map<(d0, d1) -> (0, 0)>
#map1 = affine_map<(d0, d1) -> (0)>
module attributes {stable_mosaic.version = 14 : i64} {
  func.func @permute_kernel(%arg0: i32, %arg1: i32, %arg2: memref<16384x2048xf32, #tpu.memory_space<hbm>>, %arg3: memref<2048xi32, #tpu.memory_space<hbm>>, %arg4: memref<16384x2048xf32, #tpu.memory_space<hbm>>, %arg5: memref<2048xi32, #tpu.memory_space<vmem>>, %arg6: memref<6x4x2048xf32, #tpu.memory_space<vmem>>, %arg7: memref<6x4x2048xf32, #tpu.memory_space<vmem>>, %arg8: memref<6x!tpu.dma_semaphore, #tpu.memory_space<semaphore_mem>>, %arg9: memref<6x!tpu.dma_semaphore, #tpu.memory_space<semaphore_mem>>, %arg10: memref<!tpu.dma_semaphore, #tpu.memory_space<semaphore_mem>>) attributes {dimension_semantics = [#tpu.dimension_semantics<core_parallel>, #tpu.dimension_semantics<subcore_parallel>], iteration_bounds = array<i64: 2, 16>, scalar_prefetch = 0 : i64, scratch_operands = 6 : i64, tpu.core_type = #tpu.core_type<sc_vector_subcore>, window_params = [{transform_indices = #map}, {transform_indices = #map1}, {transform_indices = #map}]} {
    tpu.enqueue_dma source(%arg3 : memref<2048xi32, #tpu.memory_space<hbm>>) target(%arg5 : memref<2048xi32, #tpu.memory_space<vmem>>) target_semaphore(%arg10 : memref<!tpu.dma_semaphore, #tpu.memory_space<semaphore_mem>>)
    %mul3A = arith.constant 2 : i32
    %mul3A_0 = arith.muli %arg1, %mul3A : i32
    %add3A = arith.addi %mul3A_0, %arg0 : i32
    %mul3A_1 = arith.constant 512 : i32
    %mul3A_2 = arith.muli %add3A, %mul3A_1 : i32
    %broadcast_in_dim3A = arith.constant 0 : i32
    %broadcast_in_dim3A_3 = vector.broadcast %broadcast_in_dim3A : i32 to vector<16xi32>
    %broadcast_in_dim3A_4 = arith.constant 1 : i32
    %broadcast_in_dim3A_5 = vector.broadcast %broadcast_in_dim3A_4 : i32 to vector<16xi32>
    %broadcast_in_dim3A_6 = arith.constant 2 : i32
    %broadcast_in_dim3A_7 = vector.broadcast %broadcast_in_dim3A_6 : i32 to vector<16xi32>
    %broadcast_in_dim3A_8 = arith.constant 3 : i32
    %broadcast_in_dim3A_9 = vector.broadcast %broadcast_in_dim3A_8 : i32 to vector<16xi32>
    %add3A_10 = arith.constant 0 : i32
    %add3A_11 = arith.addi %mul3A_2, %add3A_10 : i32
    %dma_start3A = arith.constant 0 : i32
    %dma_start3A_12 = arith.constant 0 : i32
    %dma_start3A_13 = arith.constant 0 : i32
    %dma_start3A_14 = arith.constant 0 : i32
    %dma_start3A_15 = tpu.memref_slice %arg6[%dma_start3A, %dma_start3A_13, %dma_start3A_14] : memref<6x4x2048xf32, #tpu.memory_space<vmem>> -> memref<1x4x2048xf32, #tpu.memory_space<vmem>>
    %dma_start3A_16 = tpu.memref_squeeze %dma_start3A_15 : memref<1x4x2048xf32, #tpu.memory_space<vmem>> -> memref<4x2048xf32, #tpu.memory_space<vmem>>
    %dma_start3A_17 = arith.constant 0 : i32
    %dma_start3A_18 = tpu.memref_slice %arg2[%add3A_11, %dma_start3A_17] : memref<16384x2048xf32, #tpu.memory_space<hbm>> -> memref<4x2048xf32, #tpu.memory_space<hbm>>
    %dma_start3A_19 = tpu.memref_slice %arg8[%dma_start3A_12] : memref<6x!tpu.dma_semaphore, #tpu.memory_space<semaphore_mem>> -> memref<1x!tpu.dma_semaphore, #tpu.memory_space<semaphore_mem>>
    %dma_start3A_20 = tpu.memref_squeeze %dma_start3A_19 : memref<1x!tpu.dma_semaphore, #tpu.memory_space<semaphore_mem>> -> memref<!tpu.dma_semaphore, #tpu.memory_space<semaphore_mem>>
    %dma_start3A_21 = arith.constant 0 : i32
    %dma_start3A_22 = arith.constant 0 : i32
    %dma_start3A_23 = tpu.memref_slice %arg6[%dma_start3A, %dma_start3A_21, %dma_start3A_22] : memref<6x4x2048xf32, #tpu.memory_space<vmem>> -> memref<1x4x2048xf32, #tpu.memory_space<vmem>>
    %dma_start3A_24 = tpu.memref_squeeze %dma_start3A_23 : memref<1x4x2048xf32, #tpu.memory_space<vmem>> -> memref<4x2048xf32, #tpu.memory_space<vmem>>
    %dma_start3A_25 = arith.constant 0 : i32
    %dma_start3A_26 = tpu.memref_slice %arg2[%add3A_11, %dma_start3A_25] : memref<16384x2048xf32, #tpu.memory_space<hbm>> -> memref<4x2048xf32, #tpu.memory_space<hbm>>
    tpu.enqueue_dma source(%dma_start3A_26 : memref<4x2048xf32, #tpu.memory_space<hbm>>) target(%dma_start3A_24 : memref<4x2048xf32, #tpu.memory_space<vmem>>) target_semaphore(%dma_start3A_20 : memref<!tpu.dma_semaphore, #tpu.memory_space<semaphore_mem>>)
    %add3A_27 = arith.constant 4 : i32
    %add3A_28 = arith.addi %mul3A_2, %add3A_27 : i32
    %dma_start3A_29 = arith.constant 1 : i32
    %dma_start3A_30 = arith.constant 1 : i32
    %dma_start3A_31 = arith.constant 0 : i32
    %dma_start3A_32 = arith.constant 0 : i32
    %dma_start3A_33 = tpu.memref_slice %arg6[%dma_start3A_29, %dma_start3A_31, %dma_start3A_32] : memref<6x4x2048xf32, #tpu.memory_space<vmem>> -> memref<1x4x2048xf32, #tpu.memory_space<vmem>>
    %dma_start3A_34 = tpu.memref_squeeze %dma_start3A_33 : memref<1x4x2048xf32, #tpu.memory_space<vmem>> -> memref<4x2048xf32, #tpu.memory_space<vmem>>
    %dma_start3A_35 = arith.constant 0 : i32
    %dma_start3A_36 = tpu.memref_slice %arg2[%add3A_28, %dma_start3A_35] : memref<16384x2048xf32, #tpu.memory_space<hbm>> -> memref<4x2048xf32, #tpu.memory_space<hbm>>
    %dma_start3A_37 = tpu.memref_slice %arg8[%dma_start3A_30] : memref<6x!tpu.dma_semaphore, #tpu.memory_space<semaphore_mem>> -> memref<1x!tpu.dma_semaphore, #tpu.memory_space<semaphore_mem>>
    %dma_start3A_38 = tpu.memref_squeeze %dma_start3A_37 : memref<1x!tpu.dma_semaphore, #tpu.memory_space<semaphore_mem>> -> memref<!tpu.dma_semaphore, #tpu.memory_space<semaphore_mem>>
    %dma_start3A_39 = arith.constant 0 : i32
    %dma_start3A_40 = arith.constant 0 : i32
    %dma_start3A_41 = tpu.memref_slice %arg6[%dma_start3A_29, %dma_start3A_39, %dma_start3A_40] : memref<6x4x2048xf32, #tpu.memory_space<vmem>> -> memref<1x4x2048xf32, #tpu.memory_space<vmem>>
    %dma_start3A_42 = tpu.memref_squeeze %dma_start3A_41 : memref<1x4x2048xf32, #tpu.memory_space<vmem>> -> memref<4x2048xf32, #tpu.memory_space<vmem>>
    %dma_start3A_43 = arith.constant 0 : i32
    %dma_start3A_44 = tpu.memref_slice %arg2[%add3A_28, %dma_start3A_43] : memref<16384x2048xf32, #tpu.memory_space<hbm>> -> memref<4x2048xf32, #tpu.memory_space<hbm>>
    tpu.enqueue_dma source(%dma_start3A_44 : memref<4x2048xf32, #tpu.memory_space<hbm>>) target(%dma_start3A_42 : memref<4x2048xf32, #tpu.memory_space<vmem>>) target_semaphore(%dma_start3A_38 : memref<!tpu.dma_semaphore, #tpu.memory_space<semaphore_mem>>)
    %add3A_45 = arith.constant 8 : i32
    %add3A_46 = arith.addi %mul3A_2, %add3A_45 : i32
    %dma_start3A_47 = arith.constant 2 : i32
    %dma_start3A_48 = arith.constant 2 : i32
    %dma_start3A_49 = arith.constant 0 : i32
    %dma_start3A_50 = arith.constant 0 : i32
    %dma_start3A_51 = tpu.memref_slice %arg6[%dma_start3A_47, %dma_start3A_49, %dma_start3A_50] : memref<6x4x2048xf32, #tpu.memory_space<vmem>> -> memref<1x4x2048xf32, #tpu.memory_space<vmem>>
    %dma_start3A_52 = tpu.memref_squeeze %dma_start3A_51 : memref<1x4x2048xf32, #tpu.memory_space<vmem>> -> memref<4x2048xf32, #tpu.memory_space<vmem>>
    %dma_start3A_53 = arith.constant 0 : i32
    %dma_start3A_54 = tpu.memref_slice %arg2[%add3A_46, %dma_start3A_53] : memref<16384x2048xf32, #tpu.memory_space<hbm>> -> memref<4x2048xf32, #tpu.memory_space<hbm>>
    %dma_start3A_55 = tpu.memref_slice %arg8[%dma_start3A_48] : memref<6x!tpu.dma_semaphore, #tpu.memory_space<semaphore_mem>> -> memref<1x!tpu.dma_semaphore, #tpu.memory_space<semaphore_mem>>
    %dma_start3A_56 = tpu.memref_squeeze %dma_start3A_55 : memref<1x!tpu.dma_semaphore, #tpu.memory_space<semaphore_mem>> -> memref<!tpu.dma_semaphore, #tpu.memory_space<semaphore_mem>>
    %dma_start3A_57 = arith.constant 0 : i32
    %dma_start3A_58 = arith.constant 0 : i32
    %dma_start3A_59 = tpu.memref_slice %arg6[%dma_start3A_47, %dma_start3A_57, %dma_start3A_58] : memref<6x4x2048xf32, #tpu.memory_space<vmem>> -> memref<1x4x2048xf32, #tpu.memory_space<vmem>>
    %dma_start3A_60 = tpu.memref_squeeze %dma_start3A_59 : memref<1x4x2048xf32, #tpu.memory_space<vmem>> -> memref<4x2048xf32, #tpu.memory_space<vmem>>
    %dma_start3A_61 = arith.constant 0 : i32
    %dma_start3A_62 = tpu.memref_slice %arg2[%add3A_46, %dma_start3A_61] : memref<16384x2048xf32, #tpu.memory_space<hbm>> -> memref<4x2048xf32, #tpu.memory_space<hbm>>
    tpu.enqueue_dma source(%dma_start3A_62 : memref<4x2048xf32, #tpu.memory_space<hbm>>) target(%dma_start3A_60 : memref<4x2048xf32, #tpu.memory_space<vmem>>) target_semaphore(%dma_start3A_56 : memref<!tpu.dma_semaphore, #tpu.memory_space<semaphore_mem>>)
    %add3A_63 = arith.constant 12 : i32
    %add3A_64 = arith.addi %mul3A_2, %add3A_63 : i32
    %dma_start3A_65 = arith.constant 3 : i32
    %dma_start3A_66 = arith.constant 3 : i32
    %dma_start3A_67 = arith.constant 0 : i32
    %dma_start3A_68 = arith.constant 0 : i32
    %dma_start3A_69 = tpu.memref_slice %arg6[%dma_start3A_65, %dma_start3A_67, %dma_start3A_68] : memref<6x4x2048xf32, #tpu.memory_space<vmem>> -> memref<1x4x2048xf32, #tpu.memory_space<vmem>>
    %dma_start3A_70 = tpu.memref_squeeze %dma_start3A_69 : memref<1x4x2048xf32, #tpu.memory_space<vmem>> -> memref<4x2048xf32, #tpu.memory_space<vmem>>
    %dma_start3A_71 = arith.constant 0 : i32
    %dma_start3A_72 = tpu.memref_slice %arg2[%add3A_64, %dma_start3A_71] : memref<16384x2048xf32, #tpu.memory_space<hbm>> -> memref<4x2048xf32, #tpu.memory_space<hbm>>
    %dma_start3A_73 = tpu.memref_slice %arg8[%dma_start3A_66] : memref<6x!tpu.dma_semaphore, #tpu.memory_space<semaphore_mem>> -> memref<1x!tpu.dma_semaphore, #tpu.memory_space<semaphore_mem>>
    %dma_start3A_74 = tpu.memref_squeeze %dma_start3A_73 : memref<1x!tpu.dma_semaphore, #tpu.memory_space<semaphore_mem>> -> memref<!tpu.dma_semaphore, #tpu.memory_space<semaphore_mem>>
    %dma_start3A_75 = arith.constant 0 : i32
    %dma_start3A_76 = arith.constant 0 : i32
    %dma_start3A_77 = tpu.memref_slice %arg6[%dma_start3A_65, %dma_start3A_75, %dma_start3A_76] : memref<6x4x2048xf32, #tpu.memory_space<vmem>> -> memref<1x4x2048xf32, #tpu.memory_space<vmem>>
    %dma_start3A_78 = tpu.memref_squeeze %dma_start3A_77 : memref<1x4x2048xf32, #tpu.memory_space<vmem>> -> memref<4x2048xf32, #tpu.memory_space<vmem>>
    %dma_start3A_79 = arith.constant 0 : i32
    %dma_start3A_80 = tpu.memref_slice %arg2[%add3A_64, %dma_start3A_79] : memref<16384x2048xf32, #tpu.memory_space<hbm>> -> memref<4x2048xf32, #tpu.memory_space<hbm>>
    tpu.enqueue_dma source(%dma_start3A_80 : memref<4x2048xf32, #tpu.memory_space<hbm>>) target(%dma_start3A_78 : memref<4x2048xf32, #tpu.memory_space<vmem>>) target_semaphore(%dma_start3A_74 : memref<!tpu.dma_semaphore, #tpu.memory_space<semaphore_mem>>)
    %add3A_81 = arith.constant 16 : i32
    %add3A_82 = arith.addi %mul3A_2, %add3A_81 : i32
    %dma_start3A_83 = arith.constant 4 : i32
    %dma_start3A_84 = arith.constant 4 : i32
    %dma_start3A_85 = arith.constant 0 : i32
    %dma_start3A_86 = arith.constant 0 : i32
    %dma_start3A_87 = tpu.memref_slice %arg6[%dma_start3A_83, %dma_start3A_85, %dma_start3A_86] : memref<6x4x2048xf32, #tpu.memory_space<vmem>> -> memref<1x4x2048xf32, #tpu.memory_space<vmem>>
    %dma_start3A_88 = tpu.memref_squeeze %dma_start3A_87 : memref<1x4x2048xf32, #tpu.memory_space<vmem>> -> memref<4x2048xf32, #tpu.memory_space<vmem>>
    %dma_start3A_89 = arith.constant 0 : i32
    %dma_start3A_90 = tpu.memref_slice %arg2[%add3A_82, %dma_start3A_89] : memref<16384x2048xf32, #tpu.memory_space<hbm>> -> memref<4x2048xf32, #tpu.memory_space<hbm>>
    %dma_start3A_91 = tpu.memref_slice %arg8[%dma_start3A_84] : memref<6x!tpu.dma_semaphore, #tpu.memory_space<semaphore_mem>> -> memref<1x!tpu.dma_semaphore, #tpu.memory_space<semaphore_mem>>
    %dma_start3A_92 = tpu.memref_squeeze %dma_start3A_91 : memref<1x!tpu.dma_semaphore, #tpu.memory_space<semaphore_mem>> -> memref<!tpu.dma_semaphore, #tpu.memory_space<semaphore_mem>>
    %dma_start3A_93 = arith.constant 0 : i32
    %dma_start3A_94 = arith.constant 0 : i32
    %dma_start3A_95 = tpu.memref_slice %arg6[%dma_start3A_83, %dma_start3A_93, %dma_start3A_94] : memref<6x4x2048xf32, #tpu.memory_space<vmem>> -> memref<1x4x2048xf32, #tpu.memory_space<vmem>>
    %dma_start3A_96 = tpu.memref_squeeze %dma_start3A_95 : memref<1x4x2048xf32, #tpu.memory_space<vmem>> -> memref<4x2048xf32, #tpu.memory_space<vmem>>
    %dma_start3A_97 = arith.constant 0 : i32
    %dma_start3A_98 = tpu.memref_slice %arg2[%add3A_82, %dma_start3A_97] : memref<16384x2048xf32, #tpu.memory_space<hbm>> -> memref<4x2048xf32, #tpu.memory_space<hbm>>
    tpu.enqueue_dma source(%dma_start3A_98 : memref<4x2048xf32, #tpu.memory_space<hbm>>) target(%dma_start3A_96 : memref<4x2048xf32, #tpu.memory_space<vmem>>) target_semaphore(%dma_start3A_92 : memref<!tpu.dma_semaphore, #tpu.memory_space<semaphore_mem>>)
    %add3A_99 = arith.constant 20 : i32
    %add3A_100 = arith.addi %mul3A_2, %add3A_99 : i32
    %dma_start3A_101 = arith.constant 5 : i32
    %dma_start3A_102 = arith.constant 5 : i32
    %dma_start3A_103 = arith.constant 0 : i32
    %dma_start3A_104 = arith.constant 0 : i32
    %dma_start3A_105 = tpu.memref_slice %arg6[%dma_start3A_101, %dma_start3A_103, %dma_start3A_104] : memref<6x4x2048xf32, #tpu.memory_space<vmem>> -> memref<1x4x2048xf32, #tpu.memory_space<vmem>>
    %dma_start3A_106 = tpu.memref_squeeze %dma_start3A_105 : memref<1x4x2048xf32, #tpu.memory_space<vmem>> -> memref<4x2048xf32, #tpu.memory_space<vmem>>
    %dma_start3A_107 = arith.constant 0 : i32
    %dma_start3A_108 = tpu.memref_slice %arg2[%add3A_100, %dma_start3A_107] : memref<16384x2048xf32, #tpu.memory_space<hbm>> -> memref<4x2048xf32, #tpu.memory_space<hbm>>
    %dma_start3A_109 = tpu.memref_slice %arg8[%dma_start3A_102] : memref<6x!tpu.dma_semaphore, #tpu.memory_space<semaphore_mem>> -> memref<1x!tpu.dma_semaphore, #tpu.memory_space<semaphore_mem>>
    %dma_start3A_110 = tpu.memref_squeeze %dma_start3A_109 : memref<1x!tpu.dma_semaphore, #tpu.memory_space<semaphore_mem>> -> memref<!tpu.dma_semaphore, #tpu.memory_space<semaphore_mem>>
    %dma_start3A_111 = arith.constant 0 : i32
    %dma_start3A_112 = arith.constant 0 : i32
    %dma_start3A_113 = tpu.memref_slice %arg6[%dma_start3A_101, %dma_start3A_111, %dma_start3A_112] : memref<6x4x2048xf32, #tpu.memory_space<vmem>> -> memref<1x4x2048xf32, #tpu.memory_space<vmem>>
    %dma_start3A_114 = tpu.memref_squeeze %dma_start3A_113 : memref<1x4x2048xf32, #tpu.memory_space<vmem>> -> memref<4x2048xf32, #tpu.memory_space<vmem>>
    %dma_start3A_115 = arith.constant 0 : i32
    %dma_start3A_116 = tpu.memref_slice %arg2[%add3A_100, %dma_start3A_115] : memref<16384x2048xf32, #tpu.memory_space<hbm>> -> memref<4x2048xf32, #tpu.memory_space<hbm>>
    tpu.enqueue_dma source(%dma_start3A_116 : memref<4x2048xf32, #tpu.memory_space<hbm>>) target(%dma_start3A_114 : memref<4x2048xf32, #tpu.memory_space<vmem>>) target_semaphore(%dma_start3A_110 : memref<!tpu.dma_semaphore, #tpu.memory_space<semaphore_mem>>)
    tpu.wait_dma2 semaphore(%arg10 : memref<!tpu.dma_semaphore, #tpu.memory_space<semaphore_mem>>) src(%arg3 : memref<2048xi32, #tpu.memory_space<hbm>>) dst(%arg5 : memref<2048xi32, #tpu.memory_space<vmem>>)
    %scan3A = arith.constant 0 : i32
    %scan3A_117 = arith.constant 21 : i32
    %scan3A_118 = arith.addi %scan3A, %scan3A_117 : i32
    %scan3A_119 = arith.constant 1 : i32
    scf.for %scan3A_341 = %scan3A to %scan3A_118 step %scan3A_119  : i32 {
      %mul3A_342 = arith.constant 6 : i32
      %mul3A_343 = arith.muli %scan3A_341, %mul3A_342 : i32
      %add3A_344 = arith.constant 0 : i32
      %add3A_345 = arith.addi %add3A_344, %mul3A_343 : i32
      %add3A_346 = arith.constant 0 : i32
      %add3A_347 = arith.addi %add3A_345, %add3A_346 : i32
      %mul3A_348 = arith.constant 4 : i32
      %mul3A_349 = arith.muli %add3A_347, %mul3A_348 : i32
      %add3A_350 = arith.addi %mul3A_2, %mul3A_349 : i32
      %dma_wait3A_351 = arith.constant 0 : i32
      %dma_wait3A_352 = arith.constant 0 : i32
      %dma_wait3A_353 = arith.constant 0 : i32
      %dma_wait3A_354 = arith.constant 0 : i32
      %dma_wait3A_355 = tpu.memref_slice %arg6[%dma_wait3A_351, %dma_wait3A_353, %dma_wait3A_354] : memref<6x4x2048xf32, #tpu.memory_space<vmem>> -> memref<1x4x2048xf32, #tpu.memory_space<vmem>>
      %dma_wait3A_356 = tpu.memref_squeeze %dma_wait3A_355 : memref<1x4x2048xf32, #tpu.memory_space<vmem>> -> memref<4x2048xf32, #tpu.memory_space<vmem>>
      %dma_wait3A_357 = arith.constant 0 : i32
      %dma_wait3A_358 = tpu.memref_slice %arg2[%add3A_350, %dma_wait3A_357] : memref<16384x2048xf32, #tpu.memory_space<hbm>> -> memref<4x2048xf32, #tpu.memory_space<hbm>>
      %dma_wait3A_359 = tpu.memref_slice %arg8[%dma_wait3A_352] : memref<6x!tpu.dma_semaphore, #tpu.memory_space<semaphore_mem>> -> memref<1x!tpu.dma_semaphore, #tpu.memory_space<semaphore_mem>>
      %dma_wait3A_360 = tpu.memref_squeeze %dma_wait3A_359 : memref<1x!tpu.dma_semaphore, #tpu.memory_space<semaphore_mem>> -> memref<!tpu.dma_semaphore, #tpu.memory_space<semaphore_mem>>
      %dma_wait3A_361 = arith.constant 0 : i32
      %dma_wait3A_362 = arith.constant 0 : i32
      %dma_wait3A_363 = tpu.memref_slice %arg6[%dma_wait3A_351, %dma_wait3A_361, %dma_wait3A_362] : memref<6x4x2048xf32, #tpu.memory_space<vmem>> -> memref<1x4x2048xf32, #tpu.memory_space<vmem>>
      %dma_wait3A_364 = tpu.memref_squeeze %dma_wait3A_363 : memref<1x4x2048xf32, #tpu.memory_space<vmem>> -> memref<4x2048xf32, #tpu.memory_space<vmem>>
      %dma_wait3A_365 = arith.constant 0 : i32
      %dma_wait3A_366 = tpu.memref_slice %arg2[%add3A_350, %dma_wait3A_365] : memref<16384x2048xf32, #tpu.memory_space<hbm>> -> memref<4x2048xf32, #tpu.memory_space<hbm>>
      tpu.wait_dma2 semaphore(%dma_wait3A_360 : memref<!tpu.dma_semaphore, #tpu.memory_space<semaphore_mem>>) src(%dma_wait3A_366 : memref<4x2048xf32, #tpu.memory_space<hbm>>) dst(%dma_wait3A_364 : memref<4x2048xf32, #tpu.memory_space<vmem>>)
      %gt3A = arith.constant 0 : i32
      %gt3A_367 = arith.cmpi sgt, %add3A_345, %gt3A : i32
      %convert_element_type3A = arith.extui %gt3A_367 : i1 to i32
      %cond3A = arith.constant 0 : i32
      %cond3A_368 = arith.cmpi ne, %convert_element_type3A, %cond3A : i32
      scf.if %cond3A_368 {
        %sub3A = arith.constant 6 : i32
        %sub3A_672 = arith.subi %add3A_347, %sub3A : i32
        %mul3A_673 = arith.constant 4 : i32
        %mul3A_674 = arith.muli %sub3A_672, %mul3A_673 : i32
        %add3A_675 = arith.addi %mul3A_2, %mul3A_674 : i32
        %dma_wait3A_676 = arith.constant 0 : i32
        %dma_wait3A_677 = arith.constant 0 : i32
        %dma_wait3A_678 = arith.constant 0 : i32
        %dma_wait3A_679 = arith.constant 0 : i32
        %dma_wait3A_680 = tpu.memref_slice %arg7[%dma_wait3A_676, %dma_wait3A_678, %dma_wait3A_679] : memref<6x4x2048xf32, #tpu.memory_space<vmem>> -> memref<1x4x2048xf32, #tpu.memory_space<vmem>>
        %dma_wait3A_681 = tpu.memref_squeeze %dma_wait3A_680 : memref<1x4x2048xf32, #tpu.memory_space<vmem>> -> memref<4x2048xf32, #tpu.memory_space<vmem>>
        %dma_wait3A_682 = arith.constant 0 : i32
        %dma_wait3A_683 = tpu.memref_slice %arg4[%add3A_675, %dma_wait3A_682] : memref<16384x2048xf32, #tpu.memory_space<hbm>> -> memref<4x2048xf32, #tpu.memory_space<hbm>>
        %dma_wait3A_684 = tpu.memref_slice %arg9[%dma_wait3A_677] : memref<6x!tpu.dma_semaphore, #tpu.memory_space<semaphore_mem>> -> memref<1x!tpu.dma_semaphore, #tpu.memory_space<semaphore_mem>>
        %dma_wait3A_685 = tpu.memref_squeeze %dma_wait3A_684 : memref<1x!tpu.dma_semaphore, #tpu.memory_space<semaphore_mem>> -> memref<!tpu.dma_semaphore, #tpu.memory_space<semaphore_mem>>
        %dma_wait3A_686 = arith.constant 0 : i32
        %dma_wait3A_687 = tpu.memref_slice %arg4[%add3A_675, %dma_wait3A_686] : memref<16384x2048xf32, #tpu.memory_space<hbm>> -> memref<4x2048xf32, #tpu.memory_space<hbm>>
        %dma_wait3A_688 = arith.constant 0 : i32
        %dma_wait3A_689 = arith.constant 0 : i32
        %dma_wait3A_690 = tpu.memref_slice %arg7[%dma_wait3A_676, %dma_wait3A_688, %dma_wait3A_689] : memref<6x4x2048xf32, #tpu.memory_space<vmem>> -> memref<1x4x2048xf32, #tpu.memory_space<vmem>>
        %dma_wait3A_691 = tpu.memref_squeeze %dma_wait3A_690 : memref<1x4x2048xf32, #tpu.memory_space<vmem>> -> memref<4x2048xf32, #tpu.memory_space<vmem>>
        tpu.wait_dma2 semaphore(%dma_wait3A_685 : memref<!tpu.dma_semaphore, #tpu.memory_space<semaphore_mem>>) src(%dma_wait3A_691 : memref<4x2048xf32, #tpu.memory_space<vmem>>) dst(%dma_wait3A_687 : memref<4x2048xf32, #tpu.memory_space<hbm>>)
      } else {
      }
      %parallel_loop3A_369 = arith.constant 0 : i32
      %parallel_loop3A_370 = arith.constant 2048 : i32
      %parallel_loop3A_371 = arith.constant 16 : i32
      scf.for %parallel_loop3A_672 = %parallel_loop3A_369 to %parallel_loop3A_370 step %parallel_loop3A_371  : i32 {
        %parallel_loop3A_673 = arith.index_cast %parallel_loop3A_672 : i32 to index
        %parallel_loop3A_674 = tpu.vector_load %arg5[%parallel_loop3A_673] {strides = array<i32>} : memref<2048xi32, #tpu.memory_space<vmem>>, vector<16xi32>,
        %parallel_loop3A_675 = arith.constant 0 : i32
        %parallel_loop3A_676 = arith.constant 0 : i32
        %parallel_loop3A_677 = arith.constant 0 : i32
        %parallel_loop3A_678 = tpu.memref_slice %arg6[%parallel_loop3A_675, %parallel_loop3A_676, %parallel_loop3A_677] : memref<6x4x2048xf32, #tpu.memory_space<vmem>> -> memref<1x4x2048xf32, #tpu.memory_space<vmem>>
        %parallel_loop3A_679 = tpu.memref_squeeze %parallel_loop3A_678 : memref<1x4x2048xf32, #tpu.memory_space<vmem>> -> memref<4x2048xf32, #tpu.memory_space<vmem>>
        %parallel_loop3A_680 = tpu.vector_load_idx %parallel_loop3A_679[%broadcast_in_dim3A_3, %parallel_loop3A_674] : memref<4x2048xf32, #tpu.memory_space<vmem>>[vector<16xi32>, vector<16xi32>], vector<16xf32>,
        %parallel_loop3A_681 = arith.constant 0 : i32
        %parallel_loop3A_682 = arith.constant 0 : i32
        %parallel_loop3A_683 = arith.index_cast %parallel_loop3A_681 : i32 to index
        %parallel_loop3A_684 = arith.index_cast %parallel_loop3A_682 : i32 to index
        %parallel_loop3A_685 = arith.index_cast %parallel_loop3A_672 : i32 to index
        %parallel_loop3A_686 = tpu.vector_load %arg7[%parallel_loop3A_683, %parallel_loop3A_684, %parallel_loop3A_685] {strides = array<i32>} : memref<6x4x2048xf32, #tpu.memory_space<vmem>>, vector<16xf32>,
        tpu.vector_store %arg7[%parallel_loop3A_683, %parallel_loop3A_684, %parallel_loop3A_685], %parallel_loop3A_680 {strides = array<i32>} : memref<6x4x2048xf32, #tpu.memory_space<vmem>>, vector<16xf32>,
        %parallel_loop3A_687 = arith.constant 0 : i32
        %parallel_loop3A_688 = arith.constant 0 : i32
        %parallel_loop3A_689 = arith.constant 0 : i32
        %parallel_loop3A_690 = tpu.memref_slice %arg6[%parallel_loop3A_687, %parallel_loop3A_688, %parallel_loop3A_689] : memref<6x4x2048xf32, #tpu.memory_space<vmem>> -> memref<1x4x2048xf32, #tpu.memory_space<vmem>>
        %parallel_loop3A_691 = tpu.memref_squeeze %parallel_loop3A_690 : memref<1x4x2048xf32, #tpu.memory_space<vmem>> -> memref<4x2048xf32, #tpu.memory_space<vmem>>
        %parallel_loop3A_692 = tpu.vector_load_idx %parallel_loop3A_691[%broadcast_in_dim3A_5, %parallel_loop3A_674] : memref<4x2048xf32, #tpu.memory_space<vmem>>[vector<16xi32>, vector<16xi32>], vector<16xf32>,
        %parallel_loop3A_693 = arith.constant 0 : i32
        %parallel_loop3A_694 = arith.constant 1 : i32
        %parallel_loop3A_695 = arith.index_cast %parallel_loop3A_693 : i32 to index
        %parallel_loop3A_696 = arith.index_cast %parallel_loop3A_694 : i32 to index
        %parallel_loop3A_697 = arith.index_cast %parallel_loop3A_672 : i32 to index
        %parallel_loop3A_698 = tpu.vector_load %arg7[%parallel_loop3A_695, %parallel_loop3A_696, %parallel_loop3A_697] {strides = array<i32>} : memref<6x4x2048xf32, #tpu.memory_space<vmem>>, vector<16xf32>,
        tpu.vector_store %arg7[%parallel_loop3A_695, %parallel_loop3A_696, %parallel_loop3A_697], %parallel_loop3A_692 {strides = array<i32>} : memref<6x4x2048xf32, #tpu.memory_space<vmem>>, vector<16xf32>,
        %parallel_loop3A_699 = arith.constant 0 : i32
        %parallel_loop3A_700 = arith.constant 0 : i32
        %parallel_loop3A_701 = arith.constant 0 : i32
        %parallel_loop3A_702 = tpu.memref_slice %arg6[%parallel_loop3A_699, %parallel_loop3A_700, %parallel_loop3A_701] : memref<6x4x2048xf32, #tpu.memory_space<vmem>> -> memref<1x4x2048xf32, #tpu.memory_space<vmem>>
        %parallel_loop3A_703 = tpu.memref_squeeze %parallel_loop3A_702 : memref<1x4x2048xf32, #tpu.memory_space<vmem>> -> memref<4x2048xf32, #tpu.memory_space<vmem>>
        %parallel_loop3A_704 = tpu.vector_load_idx %parallel_loop3A_703[%broadcast_in_dim3A_7, %parallel_loop3A_674] : memref<4x2048xf32, #tpu.memory_space<vmem>>[vector<16xi32>, vector<16xi32>], vector<16xf32>,
        %parallel_loop3A_705 = arith.constant 0 : i32
        %parallel_loop3A_706 = arith.constant 2 : i32
        %parallel_loop3A_707 = arith.index_cast %parallel_loop3A_705 : i32 to index
        %parallel_loop3A_708 = arith.index_cast %parallel_loop3A_706 : i32 to index
        %parallel_loop3A_709 = arith.index_cast %parallel_loop3A_672 : i32 to index
        %parallel_loop3A_710 = tpu.vector_load %arg7[%parallel_loop3A_707, %parallel_loop3A_708, %parallel_loop3A_709] {strides = array<i32>} : memref<6x4x2048xf32, #tpu.memory_space<vmem>>, vector<16xf32>,
        tpu.vector_store %arg7[%parallel_loop3A_707, %parallel_loop3A_708, %parallel_loop3A_709], %parallel_loop3A_704 {strides = array<i32>} : memref<6x4x2048xf32, #tpu.memory_space<vmem>>, vector<16xf32>,
        %parallel_loop3A_711 = arith.constant 0 : i32
        %parallel_loop3A_712 = arith.constant 0 : i32
        %parallel_loop3A_713 = arith.constant 0 : i32
        %parallel_loop3A_714 = tpu.memref_slice %arg6[%parallel_loop3A_711, %parallel_loop3A_712, %parallel_loop3A_713] : memref<6x4x2048xf32, #tpu.memory_space<vmem>> -> memref<1x4x2048xf32, #tpu.memory_space<vmem>>
        %parallel_loop3A_715 = tpu.memref_squeeze %parallel_loop3A_714 : memref<1x4x2048xf32, #tpu.memory_space<vmem>> -> memref<4x2048xf32, #tpu.memory_space<vmem>>
        %parallel_loop3A_716 = tpu.vector_load_idx %parallel_loop3A_715[%broadcast_in_dim3A_9, %parallel_loop3A_674] : memref<4x2048xf32, #tpu.memory_space<vmem>>[vector<16xi32>, vector<16xi32>], vector<16xf32>,
        %parallel_loop3A_717 = arith.constant 0 : i32
        %parallel_loop3A_718 = arith.constant 3 : i32
        %parallel_loop3A_719 = arith.index_cast %parallel_loop3A_717 : i32 to index
        %parallel_loop3A_720 = arith.index_cast %parallel_loop3A_718 : i32 to index
        %parallel_loop3A_721 = arith.index_cast %parallel_loop3A_672 : i32 to index
        %parallel_loop3A_722 = tpu.vector_load %arg7[%parallel_loop3A_719, %parallel_loop3A_720, %parallel_loop3A_721] {strides = array<i32>} : memref<6x4x2048xf32, #tpu.memory_space<vmem>>, vector<16xf32>,
        tpu.vector_store %arg7[%parallel_loop3A_719, %parallel_loop3A_720, %parallel_loop3A_721], %parallel_loop3A_716 {strides = array<i32>} : memref<6x4x2048xf32, #tpu.memory_space<vmem>>, vector<16xf32>,
      } {sc.loop_unroll_factor = 2 : i64, sc.parallel_access}
      %mul3A_372 = arith.constant 4 : i32
      %mul3A_373 = arith.muli %add3A_347, %mul3A_372 : i32
      %add3A_374 = arith.addi %mul3A_2, %mul3A_373 : i32
      %dma_start3A_375 = arith.constant 0 : i32
      %dma_start3A_376 = arith.constant 0 : i32
      %dma_start3A_377 = arith.constant 0 : i32
      %dma_start3A_378 = arith.constant 0 : i32
      %dma_start3A_379 = tpu.memref_slice %arg7[%dma_start3A_375, %dma_start3A_377, %dma_start3A_378] : memref<6x4x2048xf32, #tpu.memory_space<vmem>> -> memref<1x4x2048xf32, #tpu.memory_space<vmem>>
      %dma_start3A_380 = tpu.memref_squeeze %dma_start3A_379 : memref<1x4x2048xf32, #tpu.memory_space<vmem>> -> memref<4x2048xf32, #tpu.memory_space<vmem>>
      %dma_start3A_381 = arith.constant 0 : i32
      %dma_start3A_382 = tpu.memref_slice %arg4[%add3A_374, %dma_start3A_381] : memref<16384x2048xf32, #tpu.memory_space<hbm>> -> memref<4x2048xf32, #tpu.memory_space<hbm>>
      %dma_start3A_383 = tpu.memref_slice %arg9[%dma_start3A_376] : memref<6x!tpu.dma_semaphore, #tpu.memory_space<semaphore_mem>> -> memref<1x!tpu.dma_semaphore, #tpu.memory_space<semaphore_mem>>
      %dma_start3A_384 = tpu.memref_squeeze %dma_start3A_383 : memref<1x!tpu.dma_semaphore, #tpu.memory_space<semaphore_mem>> -> memref<!tpu.dma_semaphore, #tpu.memory_space<semaphore_mem>>
      %dma_start3A_385 = arith.constant 0 : i32
      %dma_start3A_386 = tpu.memref_slice %arg4[%add3A_374, %dma_start3A_385] : memref<16384x2048xf32, #tpu.memory_space<hbm>> -> memref<4x2048xf32, #tpu.memory_space<hbm>>
      %dma_start3A_387 = arith.constant 0 : i32
      %dma_start3A_388 = arith.constant 0 : i32
      %dma_start3A_389 = tpu.memref_slice %arg7[%dma_start3A_375, %dma_start3A_387, %dma_start3A_388] : memref<6x4x2048xf32, #tpu.memory_space<vmem>> -> memref<1x4x2048xf32, #tpu.memory_space<vmem>>
      %dma_start3A_390 = tpu.memref_squeeze %dma_start3A_389 : memref<1x4x2048xf32, #tpu.memory_space<vmem>> -> memref<4x2048xf32, #tpu.memory_space<vmem>>
      tpu.enqueue_dma source(%dma_start3A_390 : memref<4x2048xf32, #tpu.memory_space<vmem>>) target(%dma_start3A_386 : memref<4x2048xf32, #tpu.memory_space<hbm>>) target_semaphore(%dma_start3A_384 : memref<!tpu.dma_semaphore, #tpu.memory_space<semaphore_mem>>)
      %add3A_391 = arith.constant 6 : i32
      %add3A_392 = arith.addi %add3A_347, %add3A_391 : i32
      %lt3A = arith.constant 128 : i32
      %lt3A_393 = arith.cmpi slt, %add3A_392, %lt3A : i32
      %convert_element_type3A_394 = arith.extui %lt3A_393 : i1 to i32
      %cond3A_395 = arith.constant 0 : i32
      %cond3A_396 = arith.cmpi ne, %convert_element_type3A_394, %cond3A_395 : i32
      scf.if %cond3A_396 {
        %add3A_672 = arith.constant 6 : i32
        %add3A_673 = arith.addi %add3A_347, %add3A_672 : i32
        %mul3A_674 = arith.constant 4 : i32
        %mul3A_675 = arith.muli %add3A_673, %mul3A_674 : i32
        %add3A_676 = arith.addi %mul3A_2, %mul3A_675 : i32
        %dma_start3A_677 = arith.constant 0 : i32
        %dma_start3A_678 = arith.constant 0 : i32
        %dma_start3A_679 = arith.constant 0 : i32
        %dma_start3A_680 = arith.constant 0 : i32
        %dma_start3A_681 = tpu.memref_slice %arg6[%dma_start3A_677, %dma_start3A_679, %dma_start3A_680] : memref<6x4x2048xf32, #tpu.memory_space<vmem>> -> memref<1x4x2048xf32, #tpu.memory_space<vmem>>
        %dma_start3A_682 = tpu.memref_squeeze %dma_start3A_681 : memref<1x4x2048xf32, #tpu.memory_space<vmem>> -> memref<4x2048xf32, #tpu.memory_space<vmem>>
        %dma_start3A_683 = arith.constant 0 : i32
        %dma_start3A_684 = tpu.memref_slice %arg2[%add3A_676, %dma_start3A_683] : memref<16384x2048xf32, #tpu.memory_space<hbm>> -> memref<4x2048xf32, #tpu.memory_space<hbm>>
        %dma_start3A_685 = tpu.memref_slice %arg8[%dma_start3A_678] : memref<6x!tpu.dma_semaphore, #tpu.memory_space<semaphore_mem>> -> memref<1x!tpu.dma_semaphore, #tpu.memory_space<semaphore_mem>>
        %dma_start3A_686 = tpu.memref_squeeze %dma_start3A_685 : memref<1x!tpu.dma_semaphore, #tpu.memory_space<semaphore_mem>> -> memref<!tpu.dma_semaphore, #tpu.memory_space<semaphore_mem>>
        %dma_start3A_687 = arith.constant 0 : i32
        %dma_start3A_688 = arith.constant 0 : i32
        %dma_start3A_689 = tpu.memref_slice %arg6[%dma_start3A_677, %dma_start3A_687, %dma_start3A_688] : memref<6x4x2048xf32, #tpu.memory_space<vmem>> -> memref<1x4x2048xf32, #tpu.memory_space<vmem>>
        %dma_start3A_690 = tpu.memref_squeeze %dma_start3A_689 : memref<1x4x2048xf32, #tpu.memory_space<vmem>> -> memref<4x2048xf32, #tpu.memory_space<vmem>>
        %dma_start3A_691 = arith.constant 0 : i32
        %dma_start3A_692 = tpu.memref_slice %arg2[%add3A_676, %dma_start3A_691] : memref<16384x2048xf32, #tpu.memory_space<hbm>> -> memref<4x2048xf32, #tpu.memory_space<hbm>>
        tpu.enqueue_dma source(%dma_start3A_692 : memref<4x2048xf32, #tpu.memory_space<hbm>>) target(%dma_start3A_690 : memref<4x2048xf32, #tpu.memory_space<vmem>>) target_semaphore(%dma_start3A_686 : memref<!tpu.dma_semaphore, #tpu.memory_space<semaphore_mem>>)
      } else {
      }
      %add3A_397 = arith.constant 1 : i32
      %add3A_398 = arith.addi %add3A_345, %add3A_397 : i32
      %mul3A_399 = arith.constant 4 : i32
      %mul3A_400 = arith.muli %add3A_398, %mul3A_399 : i32
      %add3A_401 = arith.addi %mul3A_2, %mul3A_400 : i32
      %dma_wait3A_402 = arith.constant 1 : i32
      %dma_wait3A_403 = arith.constant 1 : i32
      %dma_wait3A_404 = arith.constant 0 : i32
      %dma_wait3A_405 = arith.constant 0 : i32
      %dma_wait3A_406 = tpu.memref_slice %arg6[%dma_wait3A_402, %dma_wait3A_404, %dma_wait3A_405] : memref<6x4x2048xf32, #tpu.memory_space<vmem>> -> memref<1x4x2048xf32, #tpu.memory_space<vmem>>
      %dma_wait3A_407 = tpu.memref_squeeze %dma_wait3A_406 : memref<1x4x2048xf32, #tpu.memory_space<vmem>> -> memref<4x2048xf32, #tpu.memory_space<vmem>>
      %dma_wait3A_408 = arith.constant 0 : i32
      %dma_wait3A_409 = tpu.memref_slice %arg2[%add3A_401, %dma_wait3A_408] : memref<16384x2048xf32, #tpu.memory_space<hbm>> -> memref<4x2048xf32, #tpu.memory_space<hbm>>
      %dma_wait3A_410 = tpu.memref_slice %arg8[%dma_wait3A_403] : memref<6x!tpu.dma_semaphore, #tpu.memory_space<semaphore_mem>> -> memref<1x!tpu.dma_semaphore, #tpu.memory_space<semaphore_mem>>
      %dma_wait3A_411 = tpu.memref_squeeze %dma_wait3A_410 : memref<1x!tpu.dma_semaphore, #tpu.memory_space<semaphore_mem>> -> memref<!tpu.dma_semaphore, #tpu.memory_space<semaphore_mem>>
      %dma_wait3A_412 = arith.constant 0 : i32
      %dma_wait3A_413 = arith.constant 0 : i32
      %dma_wait3A_414 = tpu.memref_slice %arg6[%dma_wait3A_402, %dma_wait3A_412, %dma_wait3A_413] : memref<6x4x2048xf32, #tpu.memory_space<vmem>> -> memref<1x4x2048xf32, #tpu.memory_space<vmem>>
      %dma_wait3A_415 = tpu.memref_squeeze %dma_wait3A_414 : memref<1x4x2048xf32, #tpu.memory_space<vmem>> -> memref<4x2048xf32, #tpu.memory_space<vmem>>
      %dma_wait3A_416 = arith.constant 0 : i32
      %dma_wait3A_417 = tpu.memref_slice %arg2[%add3A_401, %dma_wait3A_416] : memref<16384x2048xf32, #tpu.memory_space<hbm>> -> memref<4x2048xf32, #tpu.memory_space<hbm>>
      tpu.wait_dma2 semaphore(%dma_wait3A_411 : memref<!tpu.dma_semaphore, #tpu.memory_space<semaphore_mem>>) src(%dma_wait3A_417 : memref<4x2048xf32, #tpu.memory_space<hbm>>) dst(%dma_wait3A_415 : memref<4x2048xf32, #tpu.memory_space<vmem>>)
      %gt3A_418 = arith.constant 0 : i32
      %gt3A_419 = arith.cmpi sgt, %add3A_345, %gt3A_418 : i32
      %convert_element_type3A_420 = arith.extui %gt3A_419 : i1 to i32
      %cond3A_421 = arith.constant 0 : i32
      %cond3A_422 = arith.cmpi ne, %convert_element_type3A_420, %cond3A_421 : i32
      scf.if %cond3A_422 {
        %sub3A = arith.constant 6 : i32
        %sub3A_672 = arith.subi %add3A_398, %sub3A : i32
        %mul3A_673 = arith.constant 4 : i32
        %mul3A_674 = arith.muli %sub3A_672, %mul3A_673 : i32
        %add3A_675 = arith.addi %mul3A_2, %mul3A_674 : i32
        %dma_wait3A_676 = arith.constant 1 : i32
        %dma_wait3A_677 = arith.constant 1 : i32
        %dma_wait3A_678 = arith.constant 0 : i32
        %dma_wait3A_679 = arith.constant 0 : i32
        %dma_wait3A_680 = tpu.memref_slice %arg7[%dma_wait3A_676, %dma_wait3A_678, %dma_wait3A_679] : memref<6x4x2048xf32, #tpu.memory_space<vmem>> -> memref<1x4x2048xf32, #tpu.memory_space<vmem>>
        %dma_wait3A_681 = tpu.memref_squeeze %dma_wait3A_680 : memref<1x4x2048xf32, #tpu.memory_space<vmem>> -> memref<4x2048xf32, #tpu.memory_space<vmem>>
        %dma_wait3A_682 = arith.constant 0 : i32
        %dma_wait3A_683 = tpu.memref_slice %arg4[%add3A_675, %dma_wait3A_682] : memref<16384x2048xf32, #tpu.memory_space<hbm>> -> memref<4x2048xf32, #tpu.memory_space<hbm>>
        %dma_wait3A_684 = tpu.memref_slice %arg9[%dma_wait3A_677] : memref<6x!tpu.dma_semaphore, #tpu.memory_space<semaphore_mem>> -> memref<1x!tpu.dma_semaphore, #tpu.memory_space<semaphore_mem>>
        %dma_wait3A_685 = tpu.memref_squeeze %dma_wait3A_684 : memref<1x!tpu.dma_semaphore, #tpu.memory_space<semaphore_mem>> -> memref<!tpu.dma_semaphore, #tpu.memory_space<semaphore_mem>>
        %dma_wait3A_686 = arith.constant 0 : i32
        %dma_wait3A_687 = tpu.memref_slice %arg4[%add3A_675, %dma_wait3A_686] : memref<16384x2048xf32, #tpu.memory_space<hbm>> -> memref<4x2048xf32, #tpu.memory_space<hbm>>
        %dma_wait3A_688 = arith.constant 0 : i32
        %dma_wait3A_689 = arith.constant 0 : i32
        %dma_wait3A_690 = tpu.memref_slice %arg7[%dma_wait3A_676, %dma_wait3A_688, %dma_wait3A_689] : memref<6x4x2048xf32, #tpu.memory_space<vmem>> -> memref<1x4x2048xf32, #tpu.memory_space<vmem>>
        %dma_wait3A_691 = tpu.memref_squeeze %dma_wait3A_690 : memref<1x4x2048xf32, #tpu.memory_space<vmem>> -> memref<4x2048xf32, #tpu.memory_space<vmem>>
        tpu.wait_dma2 semaphore(%dma_wait3A_685 : memref<!tpu.dma_semaphore, #tpu.memory_space<semaphore_mem>>) src(%dma_wait3A_691 : memref<4x2048xf32, #tpu.memory_space<vmem>>) dst(%dma_wait3A_687 : memref<4x2048xf32, #tpu.memory_space<hbm>>)
      } else {
      }
      %parallel_loop3A_423 = arith.constant 0 : i32
      %parallel_loop3A_424 = arith.constant 2048 : i32
      %parallel_loop3A_425 = arith.constant 16 : i32
      scf.for %parallel_loop3A_672 = %parallel_loop3A_423 to %parallel_loop3A_424 step %parallel_loop3A_425  : i32 {
        %parallel_loop3A_673 = arith.index_cast %parallel_loop3A_672 : i32 to index
        %parallel_loop3A_674 = tpu.vector_load %arg5[%parallel_loop3A_673] {strides = array<i32>} : memref<2048xi32, #tpu.memory_space<vmem>>, vector<16xi32>,
        %parallel_loop3A_675 = arith.constant 1 : i32
        %parallel_loop3A_676 = arith.constant 0 : i32
        %parallel_loop3A_677 = arith.constant 0 : i32
        %parallel_loop3A_678 = tpu.memref_slice %arg6[%parallel_loop3A_675, %parallel_loop3A_676, %parallel_loop3A_677] : memref<6x4x2048xf32, #tpu.memory_space<vmem>> -> memref<1x4x2048xf32, #tpu.memory_space<vmem>>
        %parallel_loop3A_679 = tpu.memref_squeeze %parallel_loop3A_678 : memref<1x4x2048xf32, #tpu.memory_space<vmem>> -> memref<4x2048xf32, #tpu.memory_space<vmem>>
        %parallel_loop3A_680 = tpu.vector_load_idx %parallel_loop3A_679[%broadcast_in_dim3A_3, %parallel_loop3A_674] : memref<4x2048xf32, #tpu.memory_space<vmem>>[vector<16xi32>, vector<16xi32>], vector<16xf32>,
        %parallel_loop3A_681 = arith.constant 1 : i32
        %parallel_loop3A_682 = arith.constant 0 : i32
        %parallel_loop3A_683 = arith.index_cast %parallel_loop3A_681 : i32 to index
        %parallel_loop3A_684 = arith.index_cast %parallel_loop3A_682 : i32 to index
        %parallel_loop3A_685 = arith.index_cast %parallel_loop3A_672 : i32 to index
        %parallel_loop3A_686 = tpu.vector_load %arg7[%parallel_loop3A_683, %parallel_loop3A_684, %parallel_loop3A_685] {strides = array<i32>} : memref<6x4x2048xf32, #tpu.memory_space<vmem>>, vector<16xf32>,
        tpu.vector_store %arg7[%parallel_loop3A_683, %parallel_loop3A_684, %parallel_loop3A_685], %parallel_loop3A_680 {strides = array<i32>} : memref<6x4x2048xf32, #tpu.memory_space<vmem>>, vector<16xf32>,
        %parallel_loop3A_687 = arith.constant 1 : i32
        %parallel_loop3A_688 = arith.constant 0 : i32
        %parallel_loop3A_689 = arith.constant 0 : i32
        %parallel_loop3A_690 = tpu.memref_slice %arg6[%parallel_loop3A_687, %parallel_loop3A_688, %parallel_loop3A_689] : memref<6x4x2048xf32, #tpu.memory_space<vmem>> -> memref<1x4x2048xf32, #tpu.memory_space<vmem>>
        %parallel_loop3A_691 = tpu.memref_squeeze %parallel_loop3A_690 : memref<1x4x2048xf32, #tpu.memory_space<vmem>> -> memref<4x2048xf32, #tpu.memory_space<vmem>>
        %parallel_loop3A_692 = tpu.vector_load_idx %parallel_loop3A_691[%broadcast_in_dim3A_5, %parallel_loop3A_674] : memref<4x2048xf32, #tpu.memory_space<vmem>>[vector<16xi32>, vector<16xi32>], vector<16xf32>,
        %parallel_loop3A_693 = arith.constant 1 : i32
        %parallel_loop3A_694 = arith.constant 1 : i32
        %parallel_loop3A_695 = arith.index_cast %parallel_loop3A_693 : i32 to index
        %parallel_loop3A_696 = arith.index_cast %parallel_loop3A_694 : i32 to index
        %parallel_loop3A_697 = arith.index_cast %parallel_loop3A_672 : i32 to index
        %parallel_loop3A_698 = tpu.vector_load %arg7[%parallel_loop3A_695, %parallel_loop3A_696, %parallel_loop3A_697] {strides = array<i32>} : memref<6x4x2048xf32, #tpu.memory_space<vmem>>, vector<16xf32>,
        tpu.vector_store %arg7[%parallel_loop3A_695, %parallel_loop3A_696, %parallel_loop3A_697], %parallel_loop3A_692 {strides = array<i32>} : memref<6x4x2048xf32, #tpu.memory_space<vmem>>, vector<16xf32>,
        %parallel_loop3A_699 = arith.constant 1 : i32
        %parallel_loop3A_700 = arith.constant 0 : i32
        %parallel_loop3A_701 = arith.constant 0 : i32
        %parallel_loop3A_702 = tpu.memref_slice %arg6[%parallel_loop3A_699, %parallel_loop3A_700, %parallel_loop3A_701] : memref<6x4x2048xf32, #tpu.memory_space<vmem>> -> memref<1x4x2048xf32, #tpu.memory_space<vmem>>
        %parallel_loop3A_703 = tpu.memref_squeeze %parallel_loop3A_702 : memref<1x4x2048xf32, #tpu.memory_space<vmem>> -> memref<4x2048xf32, #tpu.memory_space<vmem>>
        %parallel_loop3A_704 = tpu.vector_load_idx %parallel_loop3A_703[%broadcast_in_dim3A_7, %parallel_loop3A_674] : memref<4x2048xf32, #tpu.memory_space<vmem>>[vector<16xi32>, vector<16xi32>], vector<16xf32>,
        %parallel_loop3A_705 = arith.constant 1 : i32
        %parallel_loop3A_706 = arith.constant 2 : i32
        %parallel_loop3A_707 = arith.index_cast %parallel_loop3A_705 : i32 to index
        %parallel_loop3A_708 = arith.index_cast %parallel_loop3A_706 : i32 to index
        %parallel_loop3A_709 = arith.index_cast %parallel_loop3A_672 : i32 to index
        %parallel_loop3A_710 = tpu.vector_load %arg7[%parallel_loop3A_707, %parallel_loop3A_708, %parallel_loop3A_709] {strides = array<i32>} : memref<6x4x2048xf32, #tpu.memory_space<vmem>>, vector<16xf32>,
        tpu.vector_store %arg7[%parallel_loop3A_707, %parallel_loop3A_708, %parallel_loop3A_709], %parallel_loop3A_704 {strides = array<i32>} : memref<6x4x2048xf32, #tpu.memory_space<vmem>>, vector<16xf32>,
        %parallel_loop3A_711 = arith.constant 1 : i32
        %parallel_loop3A_712 = arith.constant 0 : i32
        %parallel_loop3A_713 = arith.constant 0 : i32
        %parallel_loop3A_714 = tpu.memref_slice %arg6[%parallel_loop3A_711, %parallel_loop3A_712, %parallel_loop3A_713] : memref<6x4x2048xf32, #tpu.memory_space<vmem>> -> memref<1x4x2048xf32, #tpu.memory_space<vmem>>
        %parallel_loop3A_715 = tpu.memref_squeeze %parallel_loop3A_714 : memref<1x4x2048xf32, #tpu.memory_space<vmem>> -> memref<4x2048xf32, #tpu.memory_space<vmem>>
        %parallel_loop3A_716 = tpu.vector_load_idx %parallel_loop3A_715[%broadcast_in_dim3A_9, %parallel_loop3A_674] : memref<4x2048xf32, #tpu.memory_space<vmem>>[vector<16xi32>, vector<16xi32>], vector<16xf32>,
        %parallel_loop3A_717 = arith.constant 1 : i32
        %parallel_loop3A_718 = arith.constant 3 : i32
        %parallel_loop3A_719 = arith.index_cast %parallel_loop3A_717 : i32 to index
        %parallel_loop3A_720 = arith.index_cast %parallel_loop3A_718 : i32 to index
        %parallel_loop3A_721 = arith.index_cast %parallel_loop3A_672 : i32 to index
        %parallel_loop3A_722 = tpu.vector_load %arg7[%parallel_loop3A_719, %parallel_loop3A_720, %parallel_loop3A_721] {strides = array<i32>} : memref<6x4x2048xf32, #tpu.memory_space<vmem>>, vector<16xf32>,
        tpu.vector_store %arg7[%parallel_loop3A_719, %parallel_loop3A_720, %parallel_loop3A_721], %parallel_loop3A_716 {strides = array<i32>} : memref<6x4x2048xf32, #tpu.memory_space<vmem>>, vector<16xf32>,
      } {sc.loop_unroll_factor = 2 : i64, sc.parallel_access}
      %mul3A_426 = arith.constant 4 : i32
      %mul3A_427 = arith.muli %add3A_398, %mul3A_426 : i32
      %add3A_428 = arith.addi %mul3A_2, %mul3A_427 : i32
      %dma_start3A_429 = arith.constant 1 : i32
      %dma_start3A_430 = arith.constant 1 : i32
      %dma_start3A_431 = arith.constant 0 : i32
      %dma_start3A_432 = arith.constant 0 : i32
      %dma_start3A_433 = tpu.memref_slice %arg7[%dma_start3A_429, %dma_start3A_431, %dma_start3A_432] : memref<6x4x2048xf32, #tpu.memory_space<vmem>> -> memref<1x4x2048xf32, #tpu.memory_space<vmem>>
      %dma_start3A_434 = tpu.memref_squeeze %dma_start3A_433 : memref<1x4x2048xf32, #tpu.memory_space<vmem>> -> memref<4x2048xf32, #tpu.memory_space<vmem>>
      %dma_start3A_435 = arith.constant 0 : i32
      %dma_start3A_436 = tpu.memref_slice %arg4[%add3A_428, %dma_start3A_435] : memref<16384x2048xf32, #tpu.memory_space<hbm>> -> memref<4x2048xf32, #tpu.memory_space<hbm>>
      %dma_start3A_437 = tpu.memref_slice %arg9[%dma_start3A_430] : memref<6x!tpu.dma_semaphore, #tpu.memory_space<semaphore_mem>> -> memref<1x!tpu.dma_semaphore, #tpu.memory_space<semaphore_mem>>
      %dma_start3A_438 = tpu.memref_squeeze %dma_start3A_437 : memref<1x!tpu.dma_semaphore, #tpu.memory_space<semaphore_mem>> -> memref<!tpu.dma_semaphore, #tpu.memory_space<semaphore_mem>>
      %dma_start3A_439 = arith.constant 0 : i32
      %dma_start3A_440 = tpu.memref_slice %arg4[%add3A_428, %dma_start3A_439] : memref<16384x2048xf32, #tpu.memory_space<hbm>> -> memref<4x2048xf32, #tpu.memory_space<hbm>>
      %dma_start3A_441 = arith.constant 0 : i32
      %dma_start3A_442 = arith.constant 0 : i32
      %dma_start3A_443 = tpu.memref_slice %arg7[%dma_start3A_429, %dma_start3A_441, %dma_start3A_442] : memref<6x4x2048xf32, #tpu.memory_space<vmem>> -> memref<1x4x2048xf32, #tpu.memory_space<vmem>>
      %dma_start3A_444 = tpu.memref_squeeze %dma_start3A_443 : memref<1x4x2048xf32, #tpu.memory_space<vmem>> -> memref<4x2048xf32, #tpu.memory_space<vmem>>
      tpu.enqueue_dma source(%dma_start3A_444 : memref<4x2048xf32, #tpu.memory_space<vmem>>) target(%dma_start3A_440 : memref<4x2048xf32, #tpu.memory_space<hbm>>) target_semaphore(%dma_start3A_438 : memref<!tpu.dma_semaphore, #tpu.memory_space<semaphore_mem>>)
      %add3A_445 = arith.constant 6 : i32
      %add3A_446 = arith.addi %add3A_398, %add3A_445 : i32
      %lt3A_447 = arith.constant 128 : i32
      %lt3A_448 = arith.cmpi slt, %add3A_446, %lt3A_447 : i32
      %convert_element_type3A_449 = arith.extui %lt3A_448 : i1 to i32
      %cond3A_450 = arith.constant 0 : i32
      %cond3A_451 = arith.cmpi ne, %convert_element_type3A_449, %cond3A_450 : i32
      scf.if %cond3A_451 {
        %add3A_672 = arith.constant 6 : i32
        %add3A_673 = arith.addi %add3A_398, %add3A_672 : i32
        %mul3A_674 = arith.constant 4 : i32
        %mul3A_675 = arith.muli %add3A_673, %mul3A_674 : i32
        %add3A_676 = arith.addi %mul3A_2, %mul3A_675 : i32
        %dma_start3A_677 = arith.constant 1 : i32
        %dma_start3A_678 = arith.constant 1 : i32
        %dma_start3A_679 = arith.constant 0 : i32
        %dma_start3A_680 = arith.constant 0 : i32
        %dma_start3A_681 = tpu.memref_slice %arg6[%dma_start3A_677, %dma_start3A_679, %dma_start3A_680] : memref<6x4x2048xf32, #tpu.memory_space<vmem>> -> memref<1x4x2048xf32, #tpu.memory_space<vmem>>
        %dma_start3A_682 = tpu.memref_squeeze %dma_start3A_681 : memref<1x4x2048xf32, #tpu.memory_space<vmem>> -> memref<4x2048xf32, #tpu.memory_space<vmem>>
        %dma_start3A_683 = arith.constant 0 : i32
        %dma_start3A_684 = tpu.memref_slice %arg2[%add3A_676, %dma_start3A_683] : memref<16384x2048xf32, #tpu.memory_space<hbm>> -> memref<4x2048xf32, #tpu.memory_space<hbm>>
        %dma_start3A_685 = tpu.memref_slice %arg8[%dma_start3A_678] : memref<6x!tpu.dma_semaphore, #tpu.memory_space<semaphore_mem>> -> memref<1x!tpu.dma_semaphore, #tpu.memory_space<semaphore_mem>>
        %dma_start3A_686 = tpu.memref_squeeze %dma_start3A_685 : memref<1x!tpu.dma_semaphore, #tpu.memory_space<semaphore_mem>> -> memref<!tpu.dma_semaphore, #tpu.memory_space<semaphore_mem>>
        %dma_start3A_687 = arith.constant 0 : i32
        %dma_start3A_688 = arith.constant 0 : i32
        %dma_start3A_689 = tpu.memref_slice %arg6[%dma_start3A_677, %dma_start3A_687, %dma_start3A_688] : memref<6x4x2048xf32, #tpu.memory_space<vmem>> -> memref<1x4x2048xf32, #tpu.memory_space<vmem>>
        %dma_start3A_690 = tpu.memref_squeeze %dma_start3A_689 : memref<1x4x2048xf32, #tpu.memory_space<vmem>> -> memref<4x2048xf32, #tpu.memory_space<vmem>>
        %dma_start3A_691 = arith.constant 0 : i32
        %dma_start3A_692 = tpu.memref_slice %arg2[%add3A_676, %dma_start3A_691] : memref<16384x2048xf32, #tpu.memory_space<hbm>> -> memref<4x2048xf32, #tpu.memory_space<hbm>>
        tpu.enqueue_dma source(%dma_start3A_692 : memref<4x2048xf32, #tpu.memory_space<hbm>>) target(%dma_start3A_690 : memref<4x2048xf32, #tpu.memory_space<vmem>>) target_semaphore(%dma_start3A_686 : memref<!tpu.dma_semaphore, #tpu.memory_space<semaphore_mem>>)
      } else {
      }
      %add3A_452 = arith.constant 2 : i32
      %add3A_453 = arith.addi %add3A_345, %add3A_452 : i32
      %mul3A_454 = arith.constant 4 : i32
      %mul3A_455 = arith.muli %add3A_453, %mul3A_454 : i32
      %add3A_456 = arith.addi %mul3A_2, %mul3A_455 : i32
      %dma_wait3A_457 = arith.constant 2 : i32
      %dma_wait3A_458 = arith.constant 2 : i32
      %dma_wait3A_459 = arith.constant 0 : i32
      %dma_wait3A_460 = arith.constant 0 : i32
      %dma_wait3A_461 = tpu.memref_slice %arg6[%dma_wait3A_457, %dma_wait3A_459, %dma_wait3A_460] : memref<6x4x2048xf32, #tpu.memory_space<vmem>> -> memref<1x4x2048xf32, #tpu.memory_space<vmem>>
      %dma_wait3A_462 = tpu.memref_squeeze %dma_wait3A_461 : memref<1x4x2048xf32, #tpu.memory_space<vmem>> -> memref<4x2048xf32, #tpu.memory_space<vmem>>
      %dma_wait3A_463 = arith.constant 0 : i32
      %dma_wait3A_464 = tpu.memref_slice %arg2[%add3A_456, %dma_wait3A_463] : memref<16384x2048xf32, #tpu.memory_space<hbm>> -> memref<4x2048xf32, #tpu.memory_space<hbm>>
      %dma_wait3A_465 = tpu.memref_slice %arg8[%dma_wait3A_458] : memref<6x!tpu.dma_semaphore, #tpu.memory_space<semaphore_mem>> -> memref<1x!tpu.dma_semaphore, #tpu.memory_space<semaphore_mem>>
      %dma_wait3A_466 = tpu.memref_squeeze %dma_wait3A_465 : memref<1x!tpu.dma_semaphore, #tpu.memory_space<semaphore_mem>> -> memref<!tpu.dma_semaphore, #tpu.memory_space<semaphore_mem>>
      %dma_wait3A_467 = arith.constant 0 : i32
      %dma_wait3A_468 = arith.constant 0 : i32
      %dma_wait3A_469 = tpu.memref_slice %arg6[%dma_wait3A_457, %dma_wait3A_467, %dma_wait3A_468] : memref<6x4x2048xf32, #tpu.memory_space<vmem>> -> memref<1x4x2048xf32, #tpu.memory_space<vmem>>
      %dma_wait3A_470 = tpu.memref_squeeze %dma_wait3A_469 : memref<1x4x2048xf32, #tpu.memory_space<vmem>> -> memref<4x2048xf32, #tpu.memory_space<vmem>>
      %dma_wait3A_471 = arith.constant 0 : i32
      %dma_wait3A_472 = tpu.memref_slice %arg2[%add3A_456, %dma_wait3A_471] : memref<16384x2048xf32, #tpu.memory_space<hbm>> -> memref<4x2048xf32, #tpu.memory_space<hbm>>
      tpu.wait_dma2 semaphore(%dma_wait3A_466 : memref<!tpu.dma_semaphore, #tpu.memory_space<semaphore_mem>>) src(%dma_wait3A_472 : memref<4x2048xf32, #tpu.memory_space<hbm>>) dst(%dma_wait3A_470 : memref<4x2048xf32, #tpu.memory_space<vmem>>)
      %gt3A_473 = arith.constant 0 : i32
      %gt3A_474 = arith.cmpi sgt, %add3A_345, %gt3A_473 : i32
      %convert_element_type3A_475 = arith.extui %gt3A_474 : i1 to i32
      %cond3A_476 = arith.constant 0 : i32
      %cond3A_477 = arith.cmpi ne, %convert_element_type3A_475, %cond3A_476 : i32
      scf.if %cond3A_477 {
        %sub3A = arith.constant 6 : i32
        %sub3A_672 = arith.subi %add3A_453, %sub3A : i32
        %mul3A_673 = arith.constant 4 : i32
        %mul3A_674 = arith.muli %sub3A_672, %mul3A_673 : i32
        %add3A_675 = arith.addi %mul3A_2, %mul3A_674 : i32
        %dma_wait3A_676 = arith.constant 2 : i32
        %dma_wait3A_677 = arith.constant 2 : i32
        %dma_wait3A_678 = arith.constant 0 : i32
        %dma_wait3A_679 = arith.constant 0 : i32
        %dma_wait3A_680 = tpu.memref_slice %arg7[%dma_wait3A_676, %dma_wait3A_678, %dma_wait3A_679] : memref<6x4x2048xf32, #tpu.memory_space<vmem>> -> memref<1x4x2048xf32, #tpu.memory_space<vmem>>
        %dma_wait3A_681 = tpu.memref_squeeze %dma_wait3A_680 : memref<1x4x2048xf32, #tpu.memory_space<vmem>> -> memref<4x2048xf32, #tpu.memory_space<vmem>>
        %dma_wait3A_682 = arith.constant 0 : i32
        %dma_wait3A_683 = tpu.memref_slice %arg4[%add3A_675, %dma_wait3A_682] : memref<16384x2048xf32, #tpu.memory_space<hbm>> -> memref<4x2048xf32, #tpu.memory_space<hbm>>
        %dma_wait3A_684 = tpu.memref_slice %arg9[%dma_wait3A_677] : memref<6x!tpu.dma_semaphore, #tpu.memory_space<semaphore_mem>> -> memref<1x!tpu.dma_semaphore, #tpu.memory_space<semaphore_mem>>
        %dma_wait3A_685 = tpu.memref_squeeze %dma_wait3A_684 : memref<1x!tpu.dma_semaphore, #tpu.memory_space<semaphore_mem>> -> memref<!tpu.dma_semaphore, #tpu.memory_space<semaphore_mem>>
        %dma_wait3A_686 = arith.constant 0 : i32
        %dma_wait3A_687 = tpu.memref_slice %arg4[%add3A_675, %dma_wait3A_686] : memref<16384x2048xf32, #tpu.memory_space<hbm>> -> memref<4x2048xf32, #tpu.memory_space<hbm>>
        %dma_wait3A_688 = arith.constant 0 : i32
        %dma_wait3A_689 = arith.constant 0 : i32
        %dma_wait3A_690 = tpu.memref_slice %arg7[%dma_wait3A_676, %dma_wait3A_688, %dma_wait3A_689] : memref<6x4x2048xf32, #tpu.memory_space<vmem>> -> memref<1x4x2048xf32, #tpu.memory_space<vmem>>
        %dma_wait3A_691 = tpu.memref_squeeze %dma_wait3A_690 : memref<1x4x2048xf32, #tpu.memory_space<vmem>> -> memref<4x2048xf32, #tpu.memory_space<vmem>>
        tpu.wait_dma2 semaphore(%dma_wait3A_685 : memref<!tpu.dma_semaphore, #tpu.memory_space<semaphore_mem>>) src(%dma_wait3A_691 : memref<4x2048xf32, #tpu.memory_space<vmem>>) dst(%dma_wait3A_687 : memref<4x2048xf32, #tpu.memory_space<hbm>>)
      } else {
      }
      %parallel_loop3A_478 = arith.constant 0 : i32
      %parallel_loop3A_479 = arith.constant 2048 : i32
      %parallel_loop3A_480 = arith.constant 16 : i32
      scf.for %parallel_loop3A_672 = %parallel_loop3A_478 to %parallel_loop3A_479 step %parallel_loop3A_480  : i32 {
        %parallel_loop3A_673 = arith.index_cast %parallel_loop3A_672 : i32 to index
        %parallel_loop3A_674 = tpu.vector_load %arg5[%parallel_loop3A_673] {strides = array<i32>} : memref<2048xi32, #tpu.memory_space<vmem>>, vector<16xi32>,
        %parallel_loop3A_675 = arith.constant 2 : i32
        %parallel_loop3A_676 = arith.constant 0 : i32
        %parallel_loop3A_677 = arith.constant 0 : i32
        %parallel_loop3A_678 = tpu.memref_slice %arg6[%parallel_loop3A_675, %parallel_loop3A_676, %parallel_loop3A_677] : memref<6x4x2048xf32, #tpu.memory_space<vmem>> -> memref<1x4x2048xf32, #tpu.memory_space<vmem>>
        %parallel_loop3A_679 = tpu.memref_squeeze %parallel_loop3A_678 : memref<1x4x2048xf32, #tpu.memory_space<vmem>> -> memref<4x2048xf32, #tpu.memory_space<vmem>>
        %parallel_loop3A_680 = tpu.vector_load_idx %parallel_loop3A_679[%broadcast_in_dim3A_3, %parallel_loop3A_674] : memref<4x2048xf32, #tpu.memory_space<vmem>>[vector<16xi32>, vector<16xi32>], vector<16xf32>,
        %parallel_loop3A_681 = arith.constant 2 : i32
        %parallel_loop3A_682 = arith.constant 0 : i32
        %parallel_loop3A_683 = arith.index_cast %parallel_loop3A_681 : i32 to index
        %parallel_loop3A_684 = arith.index_cast %parallel_loop3A_682 : i32 to index
        %parallel_loop3A_685 = arith.index_cast %parallel_loop3A_672 : i32 to index
        %parallel_loop3A_686 = tpu.vector_load %arg7[%parallel_loop3A_683, %parallel_loop3A_684, %parallel_loop3A_685] {strides = array<i32>} : memref<6x4x2048xf32, #tpu.memory_space<vmem>>, vector<16xf32>,
        tpu.vector_store %arg7[%parallel_loop3A_683, %parallel_loop3A_684, %parallel_loop3A_685], %parallel_loop3A_680 {strides = array<i32>} : memref<6x4x2048xf32, #tpu.memory_space<vmem>>, vector<16xf32>,
        %parallel_loop3A_687 = arith.constant 2 : i32
        %parallel_loop3A_688 = arith.constant 0 : i32
        %parallel_loop3A_689 = arith.constant 0 : i32
        %parallel_loop3A_690 = tpu.memref_slice %arg6[%parallel_loop3A_687, %parallel_loop3A_688, %parallel_loop3A_689] : memref<6x4x2048xf32, #tpu.memory_space<vmem>> -> memref<1x4x2048xf32, #tpu.memory_space<vmem>>
        %parallel_loop3A_691 = tpu.memref_squeeze %parallel_loop3A_690 : memref<1x4x2048xf32, #tpu.memory_space<vmem>> -> memref<4x2048xf32, #tpu.memory_space<vmem>>
        %parallel_loop3A_692 = tpu.vector_load_idx %parallel_loop3A_691[%broadcast_in_dim3A_5, %parallel_loop3A_674] : memref<4x2048xf32, #tpu.memory_space<vmem>>[vector<16xi32>, vector<16xi32>], vector<16xf32>,
        %parallel_loop3A_693 = arith.constant 2 : i32
        %parallel_loop3A_694 = arith.constant 1 : i32
        %parallel_loop3A_695 = arith.index_cast %parallel_loop3A_693 : i32 to index
        %parallel_loop3A_696 = arith.index_cast %parallel_loop3A_694 : i32 to index
        %parallel_loop3A_697 = arith.index_cast %parallel_loop3A_672 : i32 to index
        %parallel_loop3A_698 = tpu.vector_load %arg7[%parallel_loop3A_695, %parallel_loop3A_696, %parallel_loop3A_697] {strides = array<i32>} : memref<6x4x2048xf32, #tpu.memory_space<vmem>>, vector<16xf32>,
        tpu.vector_store %arg7[%parallel_loop3A_695, %parallel_loop3A_696, %parallel_loop3A_697], %parallel_loop3A_692 {strides = array<i32>} : memref<6x4x2048xf32, #tpu.memory_space<vmem>>, vector<16xf32>,
        %parallel_loop3A_699 = arith.constant 2 : i32
        %parallel_loop3A_700 = arith.constant 0 : i32
        %parallel_loop3A_701 = arith.constant 0 : i32
        %parallel_loop3A_702 = tpu.memref_slice %arg6[%parallel_loop3A_699, %parallel_loop3A_700, %parallel_loop3A_701] : memref<6x4x2048xf32, #tpu.memory_space<vmem>> -> memref<1x4x2048xf32, #tpu.memory_space<vmem>>
        %parallel_loop3A_703 = tpu.memref_squeeze %parallel_loop3A_702 : memref<1x4x2048xf32, #tpu.memory_space<vmem>> -> memref<4x2048xf32, #tpu.memory_space<vmem>>
        %parallel_loop3A_704 = tpu.vector_load_idx %parallel_loop3A_703[%broadcast_in_dim3A_7, %parallel_loop3A_674] : memref<4x2048xf32, #tpu.memory_space<vmem>>[vector<16xi32>, vector<16xi32>], vector<16xf32>,
        %parallel_loop3A_705 = arith.constant 2 : i32
        %parallel_loop3A_706 = arith.constant 2 : i32
        %parallel_loop3A_707 = arith.index_cast %parallel_loop3A_705 : i32 to index
        %parallel_loop3A_708 = arith.index_cast %parallel_loop3A_706 : i32 to index
        %parallel_loop3A_709 = arith.index_cast %parallel_loop3A_672 : i32 to index
        %parallel_loop3A_710 = tpu.vector_load %arg7[%parallel_loop3A_707, %parallel_loop3A_708, %parallel_loop3A_709] {strides = array<i32>} : memref<6x4x2048xf32, #tpu.memory_space<vmem>>, vector<16xf32>,
        tpu.vector_store %arg7[%parallel_loop3A_707, %parallel_loop3A_708, %parallel_loop3A_709], %parallel_loop3A_704 {strides = array<i32>} : memref<6x4x2048xf32, #tpu.memory_space<vmem>>, vector<16xf32>,
        %parallel_loop3A_711 = arith.constant 2 : i32
        %parallel_loop3A_712 = arith.constant 0 : i32
        %parallel_loop3A_713 = arith.constant 0 : i32
        %parallel_loop3A_714 = tpu.memref_slice %arg6[%parallel_loop3A_711, %parallel_loop3A_712, %parallel_loop3A_713] : memref<6x4x2048xf32, #tpu.memory_space<vmem>> -> memref<1x4x2048xf32, #tpu.memory_space<vmem>>
        %parallel_loop3A_715 = tpu.memref_squeeze %parallel_loop3A_714 : memref<1x4x2048xf32, #tpu.memory_space<vmem>> -> memref<4x2048xf32, #tpu.memory_space<vmem>>
        %parallel_loop3A_716 = tpu.vector_load_idx %parallel_loop3A_715[%broadcast_in_dim3A_9, %parallel_loop3A_674] : memref<4x2048xf32, #tpu.memory_space<vmem>>[vector<16xi32>, vector<16xi32>], vector<16xf32>,
        %parallel_loop3A_717 = arith.constant 2 : i32
        %parallel_loop3A_718 = arith.constant 3 : i32
        %parallel_loop3A_719 = arith.index_cast %parallel_loop3A_717 : i32 to index
        %parallel_loop3A_720 = arith.index_cast %parallel_loop3A_718 : i32 to index
        %parallel_loop3A_721 = arith.index_cast %parallel_loop3A_672 : i32 to index
        %parallel_loop3A_722 = tpu.vector_load %arg7[%parallel_loop3A_719, %parallel_loop3A_720, %parallel_loop3A_721] {strides = array<i32>} : memref<6x4x2048xf32, #tpu.memory_space<vmem>>, vector<16xf32>,
        tpu.vector_store %arg7[%parallel_loop3A_719, %parallel_loop3A_720, %parallel_loop3A_721], %parallel_loop3A_716 {strides = array<i32>} : memref<6x4x2048xf32, #tpu.memory_space<vmem>>, vector<16xf32>,
      } {sc.loop_unroll_factor = 2 : i64, sc.parallel_access}
      %mul3A_481 = arith.constant 4 : i32
      %mul3A_482 = arith.muli %add3A_453, %mul3A_481 : i32
      %add3A_483 = arith.addi %mul3A_2, %mul3A_482 : i32
      %dma_start3A_484 = arith.constant 2 : i32
      %dma_start3A_485 = arith.constant 2 : i32
      %dma_start3A_486 = arith.constant 0 : i32
      %dma_start3A_487 = arith.constant 0 : i32
      %dma_start3A_488 = tpu.memref_slice %arg7[%dma_start3A_484, %dma_start3A_486, %dma_start3A_487] : memref<6x4x2048xf32, #tpu.memory_space<vmem>> -> memref<1x4x2048xf32, #tpu.memory_space<vmem>>
      %dma_start3A_489 = tpu.memref_squeeze %dma_start3A_488 : memref<1x4x2048xf32, #tpu.memory_space<vmem>> -> memref<4x2048xf32, #tpu.memory_space<vmem>>
      %dma_start3A_490 = arith.constant 0 : i32
      %dma_start3A_491 = tpu.memref_slice %arg4[%add3A_483, %dma_start3A_490] : memref<16384x2048xf32, #tpu.memory_space<hbm>> -> memref<4x2048xf32, #tpu.memory_space<hbm>>
      %dma_start3A_492 = tpu.memref_slice %arg9[%dma_start3A_485] : memref<6x!tpu.dma_semaphore, #tpu.memory_space<semaphore_mem>> -> memref<1x!tpu.dma_semaphore, #tpu.memory_space<semaphore_mem>>
      %dma_start3A_493 = tpu.memref_squeeze %dma_start3A_492 : memref<1x!tpu.dma_semaphore, #tpu.memory_space<semaphore_mem>> -> memref<!tpu.dma_semaphore, #tpu.memory_space<semaphore_mem>>
      %dma_start3A_494 = arith.constant 0 : i32
      %dma_start3A_495 = tpu.memref_slice %arg4[%add3A_483, %dma_start3A_494] : memref<16384x2048xf32, #tpu.memory_space<hbm>> -> memref<4x2048xf32, #tpu.memory_space<hbm>>
      %dma_start3A_496 = arith.constant 0 : i32
      %dma_start3A_497 = arith.constant 0 : i32
      %dma_start3A_498 = tpu.memref_slice %arg7[%dma_start3A_484, %dma_start3A_496, %dma_start3A_497] : memref<6x4x2048xf32, #tpu.memory_space<vmem>> -> memref<1x4x2048xf32, #tpu.memory_space<vmem>>
      %dma_start3A_499 = tpu.memref_squeeze %dma_start3A_498 : memref<1x4x2048xf32, #tpu.memory_space<vmem>> -> memref<4x2048xf32, #tpu.memory_space<vmem>>
      tpu.enqueue_dma source(%dma_start3A_499 : memref<4x2048xf32, #tpu.memory_space<vmem>>) target(%dma_start3A_495 : memref<4x2048xf32, #tpu.memory_space<hbm>>) target_semaphore(%dma_start3A_493 : memref<!tpu.dma_semaphore, #tpu.memory_space<semaphore_mem>>)
      %add3A_500 = arith.constant 6 : i32
      %add3A_501 = arith.addi %add3A_453, %add3A_500 : i32
      %lt3A_502 = arith.constant 128 : i32
      %lt3A_503 = arith.cmpi slt, %add3A_501, %lt3A_502 : i32
      %convert_element_type3A_504 = arith.extui %lt3A_503 : i1 to i32
      %cond3A_505 = arith.constant 0 : i32
      %cond3A_506 = arith.cmpi ne, %convert_element_type3A_504, %cond3A_505 : i32
      scf.if %cond3A_506 {
        %add3A_672 = arith.constant 6 : i32
        %add3A_673 = arith.addi %add3A_453, %add3A_672 : i32
        %mul3A_674 = arith.constant 4 : i32
        %mul3A_675 = arith.muli %add3A_673, %mul3A_674 : i32
        %add3A_676 = arith.addi %mul3A_2, %mul3A_675 : i32
        %dma_start3A_677 = arith.constant 2 : i32
        %dma_start3A_678 = arith.constant 2 : i32
        %dma_start3A_679 = arith.constant 0 : i32
        %dma_start3A_680 = arith.constant 0 : i32
        %dma_start3A_681 = tpu.memref_slice %arg6[%dma_start3A_677, %dma_start3A_679, %dma_start3A_680] : memref<6x4x2048xf32, #tpu.memory_space<vmem>> -> memref<1x4x2048xf32, #tpu.memory_space<vmem>>
        %dma_start3A_682 = tpu.memref_squeeze %dma_start3A_681 : memref<1x4x2048xf32, #tpu.memory_space<vmem>> -> memref<4x2048xf32, #tpu.memory_space<vmem>>
        %dma_start3A_683 = arith.constant 0 : i32
        %dma_start3A_684 = tpu.memref_slice %arg2[%add3A_676, %dma_start3A_683] : memref<16384x2048xf32, #tpu.memory_space<hbm>> -> memref<4x2048xf32, #tpu.memory_space<hbm>>
        %dma_start3A_685 = tpu.memref_slice %arg8[%dma_start3A_678] : memref<6x!tpu.dma_semaphore, #tpu.memory_space<semaphore_mem>> -> memref<1x!tpu.dma_semaphore, #tpu.memory_space<semaphore_mem>>
        %dma_start3A_686 = tpu.memref_squeeze %dma_start3A_685 : memref<1x!tpu.dma_semaphore, #tpu.memory_space<semaphore_mem>> -> memref<!tpu.dma_semaphore, #tpu.memory_space<semaphore_mem>>
        %dma_start3A_687 = arith.constant 0 : i32
        %dma_start3A_688 = arith.constant 0 : i32
        %dma_start3A_689 = tpu.memref_slice %arg6[%dma_start3A_677, %dma_start3A_687, %dma_start3A_688] : memref<6x4x2048xf32, #tpu.memory_space<vmem>> -> memref<1x4x2048xf32, #tpu.memory_space<vmem>>
        %dma_start3A_690 = tpu.memref_squeeze %dma_start3A_689 : memref<1x4x2048xf32, #tpu.memory_space<vmem>> -> memref<4x2048xf32, #tpu.memory_space<vmem>>
        %dma_start3A_691 = arith.constant 0 : i32
        %dma_start3A_692 = tpu.memref_slice %arg2[%add3A_676, %dma_start3A_691] : memref<16384x2048xf32, #tpu.memory_space<hbm>> -> memref<4x2048xf32, #tpu.memory_space<hbm>>
        tpu.enqueue_dma source(%dma_start3A_692 : memref<4x2048xf32, #tpu.memory_space<hbm>>) target(%dma_start3A_690 : memref<4x2048xf32, #tpu.memory_space<vmem>>) target_semaphore(%dma_start3A_686 : memref<!tpu.dma_semaphore, #tpu.memory_space<semaphore_mem>>)
      } else {
      }
      %add3A_507 = arith.constant 3 : i32
      %add3A_508 = arith.addi %add3A_345, %add3A_507 : i32
      %mul3A_509 = arith.constant 4 : i32
      %mul3A_510 = arith.muli %add3A_508, %mul3A_509 : i32
      %add3A_511 = arith.addi %mul3A_2, %mul3A_510 : i32
      %dma_wait3A_512 = arith.constant 3 : i32
      %dma_wait3A_513 = arith.constant 3 : i32
      %dma_wait3A_514 = arith.constant 0 : i32
      %dma_wait3A_515 = arith.constant 0 : i32
      %dma_wait3A_516 = tpu.memref_slice %arg6[%dma_wait3A_512, %dma_wait3A_514, %dma_wait3A_515] : memref<6x4x2048xf32, #tpu.memory_space<vmem>> -> memref<1x4x2048xf32, #tpu.memory_space<vmem>>
      %dma_wait3A_517 = tpu.memref_squeeze %dma_wait3A_516 : memref<1x4x2048xf32, #tpu.memory_space<vmem>> -> memref<4x2048xf32, #tpu.memory_space<vmem>>
      %dma_wait3A_518 = arith.constant 0 : i32
      %dma_wait3A_519 = tpu.memref_slice %arg2[%add3A_511, %dma_wait3A_518] : memref<16384x2048xf32, #tpu.memory_space<hbm>> -> memref<4x2048xf32, #tpu.memory_space<hbm>>
      %dma_wait3A_520 = tpu.memref_slice %arg8[%dma_wait3A_513] : memref<6x!tpu.dma_semaphore, #tpu.memory_space<semaphore_mem>> -> memref<1x!tpu.dma_semaphore, #tpu.memory_space<semaphore_mem>>
      %dma_wait3A_521 = tpu.memref_squeeze %dma_wait3A_520 : memref<1x!tpu.dma_semaphore, #tpu.memory_space<semaphore_mem>> -> memref<!tpu.dma_semaphore, #tpu.memory_space<semaphore_mem>>
      %dma_wait3A_522 = arith.constant 0 : i32
      %dma_wait3A_523 = arith.constant 0 : i32
      %dma_wait3A_524 = tpu.memref_slice %arg6[%dma_wait3A_512, %dma_wait3A_522, %dma_wait3A_523] : memref<6x4x2048xf32, #tpu.memory_space<vmem>> -> memref<1x4x2048xf32, #tpu.memory_space<vmem>>
      %dma_wait3A_525 = tpu.memref_squeeze %dma_wait3A_524 : memref<1x4x2048xf32, #tpu.memory_space<vmem>> -> memref<4x2048xf32, #tpu.memory_space<vmem>>
      %dma_wait3A_526 = arith.constant 0 : i32
      %dma_wait3A_527 = tpu.memref_slice %arg2[%add3A_511, %dma_wait3A_526] : memref<16384x2048xf32, #tpu.memory_space<hbm>> -> memref<4x2048xf32, #tpu.memory_space<hbm>>
      tpu.wait_dma2 semaphore(%dma_wait3A_521 : memref<!tpu.dma_semaphore, #tpu.memory_space<semaphore_mem>>) src(%dma_wait3A_527 : memref<4x2048xf32, #tpu.memory_space<hbm>>) dst(%dma_wait3A_525 : memref<4x2048xf32, #tpu.memory_space<vmem>>)
      %gt3A_528 = arith.constant 0 : i32
      %gt3A_529 = arith.cmpi sgt, %add3A_345, %gt3A_528 : i32
      %convert_element_type3A_530 = arith.extui %gt3A_529 : i1 to i32
      %cond3A_531 = arith.constant 0 : i32
      %cond3A_532 = arith.cmpi ne, %convert_element_type3A_530, %cond3A_531 : i32
      scf.if %cond3A_532 {
        %sub3A = arith.constant 6 : i32
        %sub3A_672 = arith.subi %add3A_508, %sub3A : i32
        %mul3A_673 = arith.constant 4 : i32
        %mul3A_674 = arith.muli %sub3A_672, %mul3A_673 : i32
        %add3A_675 = arith.addi %mul3A_2, %mul3A_674 : i32
        %dma_wait3A_676 = arith.constant 3 : i32
        %dma_wait3A_677 = arith.constant 3 : i32
        %dma_wait3A_678 = arith.constant 0 : i32
        %dma_wait3A_679 = arith.constant 0 : i32
        %dma_wait3A_680 = tpu.memref_slice %arg7[%dma_wait3A_676, %dma_wait3A_678, %dma_wait3A_679] : memref<6x4x2048xf32, #tpu.memory_space<vmem>> -> memref<1x4x2048xf32, #tpu.memory_space<vmem>>
        %dma_wait3A_681 = tpu.memref_squeeze %dma_wait3A_680 : memref<1x4x2048xf32, #tpu.memory_space<vmem>> -> memref<4x2048xf32, #tpu.memory_space<vmem>>
        %dma_wait3A_682 = arith.constant 0 : i32
        %dma_wait3A_683 = tpu.memref_slice %arg4[%add3A_675, %dma_wait3A_682] : memref<16384x2048xf32, #tpu.memory_space<hbm>> -> memref<4x2048xf32, #tpu.memory_space<hbm>>
        %dma_wait3A_684 = tpu.memref_slice %arg9[%dma_wait3A_677] : memref<6x!tpu.dma_semaphore, #tpu.memory_space<semaphore_mem>> -> memref<1x!tpu.dma_semaphore, #tpu.memory_space<semaphore_mem>>
        %dma_wait3A_685 = tpu.memref_squeeze %dma_wait3A_684 : memref<1x!tpu.dma_semaphore, #tpu.memory_space<semaphore_mem>> -> memref<!tpu.dma_semaphore, #tpu.memory_space<semaphore_mem>>
        %dma_wait3A_686 = arith.constant 0 : i32
        %dma_wait3A_687 = tpu.memref_slice %arg4[%add3A_675, %dma_wait3A_686] : memref<16384x2048xf32, #tpu.memory_space<hbm>> -> memref<4x2048xf32, #tpu.memory_space<hbm>>
        %dma_wait3A_688 = arith.constant 0 : i32
        %dma_wait3A_689 = arith.constant 0 : i32
        %dma_wait3A_690 = tpu.memref_slice %arg7[%dma_wait3A_676, %dma_wait3A_688, %dma_wait3A_689] : memref<6x4x2048xf32, #tpu.memory_space<vmem>> -> memref<1x4x2048xf32, #tpu.memory_space<vmem>>
        %dma_wait3A_691 = tpu.memref_squeeze %dma_wait3A_690 : memref<1x4x2048xf32, #tpu.memory_space<vmem>> -> memref<4x2048xf32, #tpu.memory_space<vmem>>
        tpu.wait_dma2 semaphore(%dma_wait3A_685 : memref<!tpu.dma_semaphore, #tpu.memory_space<semaphore_mem>>) src(%dma_wait3A_691 : memref<4x2048xf32, #tpu.memory_space<vmem>>) dst(%dma_wait3A_687 : memref<4x2048xf32, #tpu.memory_space<hbm>>)
      } else {
      }
      %parallel_loop3A_533 = arith.constant 0 : i32
      %parallel_loop3A_534 = arith.constant 2048 : i32
      %parallel_loop3A_535 = arith.constant 16 : i32
      scf.for %parallel_loop3A_672 = %parallel_loop3A_533 to %parallel_loop3A_534 step %parallel_loop3A_535  : i32 {
        %parallel_loop3A_673 = arith.index_cast %parallel_loop3A_672 : i32 to index
        %parallel_loop3A_674 = tpu.vector_load %arg5[%parallel_loop3A_673] {strides = array<i32>} : memref<2048xi32, #tpu.memory_space<vmem>>, vector<16xi32>,
        %parallel_loop3A_675 = arith.constant 3 : i32
        %parallel_loop3A_676 = arith.constant 0 : i32
        %parallel_loop3A_677 = arith.constant 0 : i32
        %parallel_loop3A_678 = tpu.memref_slice %arg6[%parallel_loop3A_675, %parallel_loop3A_676, %parallel_loop3A_677] : memref<6x4x2048xf32, #tpu.memory_space<vmem>> -> memref<1x4x2048xf32, #tpu.memory_space<vmem>>
        %parallel_loop3A_679 = tpu.memref_squeeze %parallel_loop3A_678 : memref<1x4x2048xf32, #tpu.memory_space<vmem>> -> memref<4x2048xf32, #tpu.memory_space<vmem>>
        %parallel_loop3A_680 = tpu.vector_load_idx %parallel_loop3A_679[%broadcast_in_dim3A_3, %parallel_loop3A_674] : memref<4x2048xf32, #tpu.memory_space<vmem>>[vector<16xi32>, vector<16xi32>], vector<16xf32>,
        %parallel_loop3A_681 = arith.constant 3 : i32
        %parallel_loop3A_682 = arith.constant 0 : i32
        %parallel_loop3A_683 = arith.index_cast %parallel_loop3A_681 : i32 to index
        %parallel_loop3A_684 = arith.index_cast %parallel_loop3A_682 : i32 to index
        %parallel_loop3A_685 = arith.index_cast %parallel_loop3A_672 : i32 to index
        %parallel_loop3A_686 = tpu.vector_load %arg7[%parallel_loop3A_683, %parallel_loop3A_684, %parallel_loop3A_685] {strides = array<i32>} : memref<6x4x2048xf32, #tpu.memory_space<vmem>>, vector<16xf32>,
        tpu.vector_store %arg7[%parallel_loop3A_683, %parallel_loop3A_684, %parallel_loop3A_685], %parallel_loop3A_680 {strides = array<i32>} : memref<6x4x2048xf32, #tpu.memory_space<vmem>>, vector<16xf32>,
        %parallel_loop3A_687 = arith.constant 3 : i32
        %parallel_loop3A_688 = arith.constant 0 : i32
        %parallel_loop3A_689 = arith.constant 0 : i32
        %parallel_loop3A_690 = tpu.memref_slice %arg6[%parallel_loop3A_687, %parallel_loop3A_688, %parallel_loop3A_689] : memref<6x4x2048xf32, #tpu.memory_space<vmem>> -> memref<1x4x2048xf32, #tpu.memory_space<vmem>>
        %parallel_loop3A_691 = tpu.memref_squeeze %parallel_loop3A_690 : memref<1x4x2048xf32, #tpu.memory_space<vmem>> -> memref<4x2048xf32, #tpu.memory_space<vmem>>
        %parallel_loop3A_692 = tpu.vector_load_idx %parallel_loop3A_691[%broadcast_in_dim3A_5, %parallel_loop3A_674] : memref<4x2048xf32, #tpu.memory_space<vmem>>[vector<16xi32>, vector<16xi32>], vector<16xf32>,
        %parallel_loop3A_693 = arith.constant 3 : i32
        %parallel_loop3A_694 = arith.constant 1 : i32
        %parallel_loop3A_695 = arith.index_cast %parallel_loop3A_693 : i32 to index
        %parallel_loop3A_696 = arith.index_cast %parallel_loop3A_694 : i32 to index
        %parallel_loop3A_697 = arith.index_cast %parallel_loop3A_672 : i32 to index
        %parallel_loop3A_698 = tpu.vector_load %arg7[%parallel_loop3A_695, %parallel_loop3A_696, %parallel_loop3A_697] {strides = array<i32>} : memref<6x4x2048xf32, #tpu.memory_space<vmem>>, vector<16xf32>,
        tpu.vector_store %arg7[%parallel_loop3A_695, %parallel_loop3A_696, %parallel_loop3A_697], %parallel_loop3A_692 {strides = array<i32>} : memref<6x4x2048xf32, #tpu.memory_space<vmem>>, vector<16xf32>,
        %parallel_loop3A_699 = arith.constant 3 : i32
        %parallel_loop3A_700 = arith.constant 0 : i32
        %parallel_loop3A_701 = arith.constant 0 : i32
        %parallel_loop3A_702 = tpu.memref_slice %arg6[%parallel_loop3A_699, %parallel_loop3A_700, %parallel_loop3A_701] : memref<6x4x2048xf32, #tpu.memory_space<vmem>> -> memref<1x4x2048xf32, #tpu.memory_space<vmem>>
        %parallel_loop3A_703 = tpu.memref_squeeze %parallel_loop3A_702 : memref<1x4x2048xf32, #tpu.memory_space<vmem>> -> memref<4x2048xf32, #tpu.memory_space<vmem>>
        %parallel_loop3A_704 = tpu.vector_load_idx %parallel_loop3A_703[%broadcast_in_dim3A_7, %parallel_loop3A_674] : memref<4x2048xf32, #tpu.memory_space<vmem>>[vector<16xi32>, vector<16xi32>], vector<16xf32>,
        %parallel_loop3A_705 = arith.constant 3 : i32
        %parallel_loop3A_706 = arith.constant 2 : i32
        %parallel_loop3A_707 = arith.index_cast %parallel_loop3A_705 : i32 to index
        %parallel_loop3A_708 = arith.index_cast %parallel_loop3A_706 : i32 to index
        %parallel_loop3A_709 = arith.index_cast %parallel_loop3A_672 : i32 to index
        %parallel_loop3A_710 = tpu.vector_load %arg7[%parallel_loop3A_707, %parallel_loop3A_708, %parallel_loop3A_709] {strides = array<i32>} : memref<6x4x2048xf32, #tpu.memory_space<vmem>>, vector<16xf32>,
        tpu.vector_store %arg7[%parallel_loop3A_707, %parallel_loop3A_708, %parallel_loop3A_709], %parallel_loop3A_704 {strides = array<i32>} : memref<6x4x2048xf32, #tpu.memory_space<vmem>>, vector<16xf32>,
        %parallel_loop3A_711 = arith.constant 3 : i32
        %parallel_loop3A_712 = arith.constant 0 : i32
        %parallel_loop3A_713 = arith.constant 0 : i32
        %parallel_loop3A_714 = tpu.memref_slice %arg6[%parallel_loop3A_711, %parallel_loop3A_712, %parallel_loop3A_713] : memref<6x4x2048xf32, #tpu.memory_space<vmem>> -> memref<1x4x2048xf32, #tpu.memory_space<vmem>>
        %parallel_loop3A_715 = tpu.memref_squeeze %parallel_loop3A_714 : memref<1x4x2048xf32, #tpu.memory_space<vmem>> -> memref<4x2048xf32, #tpu.memory_space<vmem>>
        %parallel_loop3A_716 = tpu.vector_load_idx %parallel_loop3A_715[%broadcast_in_dim3A_9, %parallel_loop3A_674] : memref<4x2048xf32, #tpu.memory_space<vmem>>[vector<16xi32>, vector<16xi32>], vector<16xf32>,
        %parallel_loop3A_717 = arith.constant 3 : i32
        %parallel_loop3A_718 = arith.constant 3 : i32
        %parallel_loop3A_719 = arith.index_cast %parallel_loop3A_717 : i32 to index
        %parallel_loop3A_720 = arith.index_cast %parallel_loop3A_718 : i32 to index
        %parallel_loop3A_721 = arith.index_cast %parallel_loop3A_672 : i32 to index
        %parallel_loop3A_722 = tpu.vector_load %arg7[%parallel_loop3A_719, %parallel_loop3A_720, %parallel_loop3A_721] {strides = array<i32>} : memref<6x4x2048xf32, #tpu.memory_space<vmem>>, vector<16xf32>,
        tpu.vector_store %arg7[%parallel_loop3A_719, %parallel_loop3A_720, %parallel_loop3A_721], %parallel_loop3A_716 {strides = array<i32>} : memref<6x4x2048xf32, #tpu.memory_space<vmem>>, vector<16xf32>,
      } {sc.loop_unroll_factor = 2 : i64, sc.parallel_access}
      %mul3A_536 = arith.constant 4 : i32
      %mul3A_537 = arith.muli %add3A_508, %mul3A_536 : i32
      %add3A_538 = arith.addi %mul3A_2, %mul3A_537 : i32
      %dma_start3A_539 = arith.constant 3 : i32
      %dma_start3A_540 = arith.constant 3 : i32
      %dma_start3A_541 = arith.constant 0 : i32
      %dma_start3A_542 = arith.constant 0 : i32
      %dma_start3A_543 = tpu.memref_slice %arg7[%dma_start3A_539, %dma_start3A_541, %dma_start3A_542] : memref<6x4x2048xf32, #tpu.memory_space<vmem>> -> memref<1x4x2048xf32, #tpu.memory_space<vmem>>
      %dma_start3A_544 = tpu.memref_squeeze %dma_start3A_543 : memref<1x4x2048xf32, #tpu.memory_space<vmem>> -> memref<4x2048xf32, #tpu.memory_space<vmem>>
      %dma_start3A_545 = arith.constant 0 : i32
      %dma_start3A_546 = tpu.memref_slice %arg4[%add3A_538, %dma_start3A_545] : memref<16384x2048xf32, #tpu.memory_space<hbm>> -> memref<4x2048xf32, #tpu.memory_space<hbm>>
      %dma_start3A_547 = tpu.memref_slice %arg9[%dma_start3A_540] : memref<6x!tpu.dma_semaphore, #tpu.memory_space<semaphore_mem>> -> memref<1x!tpu.dma_semaphore, #tpu.memory_space<semaphore_mem>>
      %dma_start3A_548 = tpu.memref_squeeze %dma_start3A_547 : memref<1x!tpu.dma_semaphore, #tpu.memory_space<semaphore_mem>> -> memref<!tpu.dma_semaphore, #tpu.memory_space<semaphore_mem>>
      %dma_start3A_549 = arith.constant 0 : i32
      %dma_start3A_550 = tpu.memref_slice %arg4[%add3A_538, %dma_start3A_549] : memref<16384x2048xf32, #tpu.memory_space<hbm>> -> memref<4x2048xf32, #tpu.memory_space<hbm>>
      %dma_start3A_551 = arith.constant 0 : i32
      %dma_start3A_552 = arith.constant 0 : i32
      %dma_start3A_553 = tpu.memref_slice %arg7[%dma_start3A_539, %dma_start3A_551, %dma_start3A_552] : memref<6x4x2048xf32, #tpu.memory_space<vmem>> -> memref<1x4x2048xf32, #tpu.memory_space<vmem>>
      %dma_start3A_554 = tpu.memref_squeeze %dma_start3A_553 : memref<1x4x2048xf32, #tpu.memory_space<vmem>> -> memref<4x2048xf32, #tpu.memory_space<vmem>>
      tpu.enqueue_dma source(%dma_start3A_554 : memref<4x2048xf32, #tpu.memory_space<vmem>>) target(%dma_start3A_550 : memref<4x2048xf32, #tpu.memory_space<hbm>>) target_semaphore(%dma_start3A_548 : memref<!tpu.dma_semaphore, #tpu.memory_space<semaphore_mem>>)
      %add3A_555 = arith.constant 6 : i32
      %add3A_556 = arith.addi %add3A_508, %add3A_555 : i32
      %lt3A_557 = arith.constant 128 : i32
      %lt3A_558 = arith.cmpi slt, %add3A_556, %lt3A_557 : i32
      %convert_element_type3A_559 = arith.extui %lt3A_558 : i1 to i32
      %cond3A_560 = arith.constant 0 : i32
      %cond3A_561 = arith.cmpi ne, %convert_element_type3A_559, %cond3A_560 : i32
      scf.if %cond3A_561 {
        %add3A_672 = arith.constant 6 : i32
        %add3A_673 = arith.addi %add3A_508, %add3A_672 : i32
        %mul3A_674 = arith.constant 4 : i32
        %mul3A_675 = arith.muli %add3A_673, %mul3A_674 : i32
        %add3A_676 = arith.addi %mul3A_2, %mul3A_675 : i32
        %dma_start3A_677 = arith.constant 3 : i32
        %dma_start3A_678 = arith.constant 3 : i32
        %dma_start3A_679 = arith.constant 0 : i32
        %dma_start3A_680 = arith.constant 0 : i32
        %dma_start3A_681 = tpu.memref_slice %arg6[%dma_start3A_677, %dma_start3A_679, %dma_start3A_680] : memref<6x4x2048xf32, #tpu.memory_space<vmem>> -> memref<1x4x2048xf32, #tpu.memory_space<vmem>>
        %dma_start3A_682 = tpu.memref_squeeze %dma_start3A_681 : memref<1x4x2048xf32, #tpu.memory_space<vmem>> -> memref<4x2048xf32, #tpu.memory_space<vmem>>
        %dma_start3A_683 = arith.constant 0 : i32
        %dma_start3A_684 = tpu.memref_slice %arg2[%add3A_676, %dma_start3A_683] : memref<16384x2048xf32, #tpu.memory_space<hbm>> -> memref<4x2048xf32, #tpu.memory_space<hbm>>
        %dma_start3A_685 = tpu.memref_slice %arg8[%dma_start3A_678] : memref<6x!tpu.dma_semaphore, #tpu.memory_space<semaphore_mem>> -> memref<1x!tpu.dma_semaphore, #tpu.memory_space<semaphore_mem>>
        %dma_start3A_686 = tpu.memref_squeeze %dma_start3A_685 : memref<1x!tpu.dma_semaphore, #tpu.memory_space<semaphore_mem>> -> memref<!tpu.dma_semaphore, #tpu.memory_space<semaphore_mem>>
        %dma_start3A_687 = arith.constant 0 : i32
        %dma_start3A_688 = arith.constant 0 : i32
        %dma_start3A_689 = tpu.memref_slice %arg6[%dma_start3A_677, %dma_start3A_687, %dma_start3A_688] : memref<6x4x2048xf32, #tpu.memory_space<vmem>> -> memref<1x4x2048xf32, #tpu.memory_space<vmem>>
        %dma_start3A_690 = tpu.memref_squeeze %dma_start3A_689 : memref<1x4x2048xf32, #tpu.memory_space<vmem>> -> memref<4x2048xf32, #tpu.memory_space<vmem>>
        %dma_start3A_691 = arith.constant 0 : i32
        %dma_start3A_692 = tpu.memref_slice %arg2[%add3A_676, %dma_start3A_691] : memref<16384x2048xf32, #tpu.memory_space<hbm>> -> memref<4x2048xf32, #tpu.memory_space<hbm>>
        tpu.enqueue_dma source(%dma_start3A_692 : memref<4x2048xf32, #tpu.memory_space<hbm>>) target(%dma_start3A_690 : memref<4x2048xf32, #tpu.memory_space<vmem>>) target_semaphore(%dma_start3A_686 : memref<!tpu.dma_semaphore, #tpu.memory_space<semaphore_mem>>)
      } else {
      }
      %add3A_562 = arith.constant 4 : i32
      %add3A_563 = arith.addi %add3A_345, %add3A_562 : i32
      %mul3A_564 = arith.constant 4 : i32
      %mul3A_565 = arith.muli %add3A_563, %mul3A_564 : i32
      %add3A_566 = arith.addi %mul3A_2, %mul3A_565 : i32
      %dma_wait3A_567 = arith.constant 4 : i32
      %dma_wait3A_568 = arith.constant 4 : i32
      %dma_wait3A_569 = arith.constant 0 : i32
      %dma_wait3A_570 = arith.constant 0 : i32
      %dma_wait3A_571 = tpu.memref_slice %arg6[%dma_wait3A_567, %dma_wait3A_569, %dma_wait3A_570] : memref<6x4x2048xf32, #tpu.memory_space<vmem>> -> memref<1x4x2048xf32, #tpu.memory_space<vmem>>
      %dma_wait3A_572 = tpu.memref_squeeze %dma_wait3A_571 : memref<1x4x2048xf32, #tpu.memory_space<vmem>> -> memref<4x2048xf32, #tpu.memory_space<vmem>>
      %dma_wait3A_573 = arith.constant 0 : i32
      %dma_wait3A_574 = tpu.memref_slice %arg2[%add3A_566, %dma_wait3A_573] : memref<16384x2048xf32, #tpu.memory_space<hbm>> -> memref<4x2048xf32, #tpu.memory_space<hbm>>
      %dma_wait3A_575 = tpu.memref_slice %arg8[%dma_wait3A_568] : memref<6x!tpu.dma_semaphore, #tpu.memory_space<semaphore_mem>> -> memref<1x!tpu.dma_semaphore, #tpu.memory_space<semaphore_mem>>
      %dma_wait3A_576 = tpu.memref_squeeze %dma_wait3A_575 : memref<1x!tpu.dma_semaphore, #tpu.memory_space<semaphore_mem>> -> memref<!tpu.dma_semaphore, #tpu.memory_space<semaphore_mem>>
      %dma_wait3A_577 = arith.constant 0 : i32
      %dma_wait3A_578 = arith.constant 0 : i32
      %dma_wait3A_579 = tpu.memref_slice %arg6[%dma_wait3A_567, %dma_wait3A_577, %dma_wait3A_578] : memref<6x4x2048xf32, #tpu.memory_space<vmem>> -> memref<1x4x2048xf32, #tpu.memory_space<vmem>>
      %dma_wait3A_580 = tpu.memref_squeeze %dma_wait3A_579 : memref<1x4x2048xf32, #tpu.memory_space<vmem>> -> memref<4x2048xf32, #tpu.memory_space<vmem>>
      %dma_wait3A_581 = arith.constant 0 : i32
      %dma_wait3A_582 = tpu.memref_slice %arg2[%add3A_566, %dma_wait3A_581] : memref<16384x2048xf32, #tpu.memory_space<hbm>> -> memref<4x2048xf32, #tpu.memory_space<hbm>>
      tpu.wait_dma2 semaphore(%dma_wait3A_576 : memref<!tpu.dma_semaphore, #tpu.memory_space<semaphore_mem>>) src(%dma_wait3A_582 : memref<4x2048xf32, #tpu.memory_space<hbm>>) dst(%dma_wait3A_580 : memref<4x2048xf32, #tpu.memory_space<vmem>>)
      %gt3A_583 = arith.constant 0 : i32
      %gt3A_584 = arith.cmpi sgt, %add3A_345, %gt3A_583 : i32
      %convert_element_type3A_585 = arith.extui %gt3A_584 : i1 to i32
      %cond3A_586 = arith.constant 0 : i32
      %cond3A_587 = arith.cmpi ne, %convert_element_type3A_585, %cond3A_586 : i32
      scf.if %cond3A_587 {
        %sub3A = arith.constant 6 : i32
        %sub3A_672 = arith.subi %add3A_563, %sub3A : i32
        %mul3A_673 = arith.constant 4 : i32
        %mul3A_674 = arith.muli %sub3A_672, %mul3A_673 : i32
        %add3A_675 = arith.addi %mul3A_2, %mul3A_674 : i32
        %dma_wait3A_676 = arith.constant 4 : i32
        %dma_wait3A_677 = arith.constant 4 : i32
        %dma_wait3A_678 = arith.constant 0 : i32
        %dma_wait3A_679 = arith.constant 0 : i32
        %dma_wait3A_680 = tpu.memref_slice %arg7[%dma_wait3A_676, %dma_wait3A_678, %dma_wait3A_679] : memref<6x4x2048xf32, #tpu.memory_space<vmem>> -> memref<1x4x2048xf32, #tpu.memory_space<vmem>>
        %dma_wait3A_681 = tpu.memref_squeeze %dma_wait3A_680 : memref<1x4x2048xf32, #tpu.memory_space<vmem>> -> memref<4x2048xf32, #tpu.memory_space<vmem>>
        %dma_wait3A_682 = arith.constant 0 : i32
        %dma_wait3A_683 = tpu.memref_slice %arg4[%add3A_675, %dma_wait3A_682] : memref<16384x2048xf32, #tpu.memory_space<hbm>> -> memref<4x2048xf32, #tpu.memory_space<hbm>>
        %dma_wait3A_684 = tpu.memref_slice %arg9[%dma_wait3A_677] : memref<6x!tpu.dma_semaphore, #tpu.memory_space<semaphore_mem>> -> memref<1x!tpu.dma_semaphore, #tpu.memory_space<semaphore_mem>>
        %dma_wait3A_685 = tpu.memref_squeeze %dma_wait3A_684 : memref<1x!tpu.dma_semaphore, #tpu.memory_space<semaphore_mem>> -> memref<!tpu.dma_semaphore, #tpu.memory_space<semaphore_mem>>
        %dma_wait3A_686 = arith.constant 0 : i32
        %dma_wait3A_687 = tpu.memref_slice %arg4[%add3A_675, %dma_wait3A_686] : memref<16384x2048xf32, #tpu.memory_space<hbm>> -> memref<4x2048xf32, #tpu.memory_space<hbm>>
        %dma_wait3A_688 = arith.constant 0 : i32
        %dma_wait3A_689 = arith.constant 0 : i32
        %dma_wait3A_690 = tpu.memref_slice %arg7[%dma_wait3A_676, %dma_wait3A_688, %dma_wait3A_689] : memref<6x4x2048xf32, #tpu.memory_space<vmem>> -> memref<1x4x2048xf32, #tpu.memory_space<vmem>>
        %dma_wait3A_691 = tpu.memref_squeeze %dma_wait3A_690 : memref<1x4x2048xf32, #tpu.memory_space<vmem>> -> memref<4x2048xf32, #tpu.memory_space<vmem>>
        tpu.wait_dma2 semaphore(%dma_wait3A_685 : memref<!tpu.dma_semaphore, #tpu.memory_space<semaphore_mem>>) src(%dma_wait3A_691 : memref<4x2048xf32, #tpu.memory_space<vmem>>) dst(%dma_wait3A_687 : memref<4x2048xf32, #tpu.memory_space<hbm>>)
      } else {
      }
      %parallel_loop3A_588 = arith.constant 0 : i32
      %parallel_loop3A_589 = arith.constant 2048 : i32
      %parallel_loop3A_590 = arith.constant 16 : i32
      scf.for %parallel_loop3A_672 = %parallel_loop3A_588 to %parallel_loop3A_589 step %parallel_loop3A_590  : i32 {
        %parallel_loop3A_673 = arith.index_cast %parallel_loop3A_672 : i32 to index
        %parallel_loop3A_674 = tpu.vector_load %arg5[%parallel_loop3A_673] {strides = array<i32>} : memref<2048xi32, #tpu.memory_space<vmem>>, vector<16xi32>,
        %parallel_loop3A_675 = arith.constant 4 : i32
        %parallel_loop3A_676 = arith.constant 0 : i32
        %parallel_loop3A_677 = arith.constant 0 : i32
        %parallel_loop3A_678 = tpu.memref_slice %arg6[%parallel_loop3A_675, %parallel_loop3A_676, %parallel_loop3A_677] : memref<6x4x2048xf32, #tpu.memory_space<vmem>> -> memref<1x4x2048xf32, #tpu.memory_space<vmem>>
        %parallel_loop3A_679 = tpu.memref_squeeze %parallel_loop3A_678 : memref<1x4x2048xf32, #tpu.memory_space<vmem>> -> memref<4x2048xf32, #tpu.memory_space<vmem>>
        %parallel_loop3A_680 = tpu.vector_load_idx %parallel_loop3A_679[%broadcast_in_dim3A_3, %parallel_loop3A_674] : memref<4x2048xf32, #tpu.memory_space<vmem>>[vector<16xi32>, vector<16xi32>], vector<16xf32>,
        %parallel_loop3A_681 = arith.constant 4 : i32
        %parallel_loop3A_682 = arith.constant 0 : i32
        %parallel_loop3A_683 = arith.index_cast %parallel_loop3A_681 : i32 to index
        %parallel_loop3A_684 = arith.index_cast %parallel_loop3A_682 : i32 to index
        %parallel_loop3A_685 = arith.index_cast %parallel_loop3A_672 : i32 to index
        %parallel_loop3A_686 = tpu.vector_load %arg7[%parallel_loop3A_683, %parallel_loop3A_684, %parallel_loop3A_685] {strides = array<i32>} : memref<6x4x2048xf32, #tpu.memory_space<vmem>>, vector<16xf32>,
        tpu.vector_store %arg7[%parallel_loop3A_683, %parallel_loop3A_684, %parallel_loop3A_685], %parallel_loop3A_680 {strides = array<i32>} : memref<6x4x2048xf32, #tpu.memory_space<vmem>>, vector<16xf32>,
        %parallel_loop3A_687 = arith.constant 4 : i32
        %parallel_loop3A_688 = arith.constant 0 : i32
        %parallel_loop3A_689 = arith.constant 0 : i32
        %parallel_loop3A_690 = tpu.memref_slice %arg6[%parallel_loop3A_687, %parallel_loop3A_688, %parallel_loop3A_689] : memref<6x4x2048xf32, #tpu.memory_space<vmem>> -> memref<1x4x2048xf32, #tpu.memory_space<vmem>>
        %parallel_loop3A_691 = tpu.memref_squeeze %parallel_loop3A_690 : memref<1x4x2048xf32, #tpu.memory_space<vmem>> -> memref<4x2048xf32, #tpu.memory_space<vmem>>
        %parallel_loop3A_692 = tpu.vector_load_idx %parallel_loop3A_691[%broadcast_in_dim3A_5, %parallel_loop3A_674] : memref<4x2048xf32, #tpu.memory_space<vmem>>[vector<16xi32>, vector<16xi32>], vector<16xf32>,
        %parallel_loop3A_693 = arith.constant 4 : i32
        %parallel_loop3A_694 = arith.constant 1 : i32
        %parallel_loop3A_695 = arith.index_cast %parallel_loop3A_693 : i32 to index
        %parallel_loop3A_696 = arith.index_cast %parallel_loop3A_694 : i32 to index
        %parallel_loop3A_697 = arith.index_cast %parallel_loop3A_672 : i32 to index
        %parallel_loop3A_698 = tpu.vector_load %arg7[%parallel_loop3A_695, %parallel_loop3A_696, %parallel_loop3A_697] {strides = array<i32>} : memref<6x4x2048xf32, #tpu.memory_space<vmem>>, vector<16xf32>,
        tpu.vector_store %arg7[%parallel_loop3A_695, %parallel_loop3A_696, %parallel_loop3A_697], %parallel_loop3A_692 {strides = array<i32>} : memref<6x4x2048xf32, #tpu.memory_space<vmem>>, vector<16xf32>,
        %parallel_loop3A_699 = arith.constant 4 : i32
        %parallel_loop3A_700 = arith.constant 0 : i32
        %parallel_loop3A_701 = arith.constant 0 : i32
        %parallel_loop3A_702 = tpu.memref_slice %arg6[%parallel_loop3A_699, %parallel_loop3A_700, %parallel_loop3A_701] : memref<6x4x2048xf32, #tpu.memory_space<vmem>> -> memref<1x4x2048xf32, #tpu.memory_space<vmem>>
        %parallel_loop3A_703 = tpu.memref_squeeze %parallel_loop3A_702 : memref<1x4x2048xf32, #tpu.memory_space<vmem>> -> memref<4x2048xf32, #tpu.memory_space<vmem>>
        %parallel_loop3A_704 = tpu.vector_load_idx %parallel_loop3A_703[%broadcast_in_dim3A_7, %parallel_loop3A_674] : memref<4x2048xf32, #tpu.memory_space<vmem>>[vector<16xi32>, vector<16xi32>], vector<16xf32>,
        %parallel_loop3A_705 = arith.constant 4 : i32
        %parallel_loop3A_706 = arith.constant 2 : i32
        %parallel_loop3A_707 = arith.index_cast %parallel_loop3A_705 : i32 to index
        %parallel_loop3A_708 = arith.index_cast %parallel_loop3A_706 : i32 to index
        %parallel_loop3A_709 = arith.index_cast %parallel_loop3A_672 : i32 to index
        %parallel_loop3A_710 = tpu.vector_load %arg7[%parallel_loop3A_707, %parallel_loop3A_708, %parallel_loop3A_709] {strides = array<i32>} : memref<6x4x2048xf32, #tpu.memory_space<vmem>>, vector<16xf32>,
        tpu.vector_store %arg7[%parallel_loop3A_707, %parallel_loop3A_708, %parallel_loop3A_709], %parallel_loop3A_704 {strides = array<i32>} : memref<6x4x2048xf32, #tpu.memory_space<vmem>>, vector<16xf32>,
        %parallel_loop3A_711 = arith.constant 4 : i32
        %parallel_loop3A_712 = arith.constant 0 : i32
        %parallel_loop3A_713 = arith.constant 0 : i32
        %parallel_loop3A_714 = tpu.memref_slice %arg6[%parallel_loop3A_711, %parallel_loop3A_712, %parallel_loop3A_713] : memref<6x4x2048xf32, #tpu.memory_space<vmem>> -> memref<1x4x2048xf32, #tpu.memory_space<vmem>>
        %parallel_loop3A_715 = tpu.memref_squeeze %parallel_loop3A_714 : memref<1x4x2048xf32, #tpu.memory_space<vmem>> -> memref<4x2048xf32, #tpu.memory_space<vmem>>
        %parallel_loop3A_716 = tpu.vector_load_idx %parallel_loop3A_715[%broadcast_in_dim3A_9, %parallel_loop3A_674] : memref<4x2048xf32, #tpu.memory_space<vmem>>[vector<16xi32>, vector<16xi32>], vector<16xf32>,
        %parallel_loop3A_717 = arith.constant 4 : i32
        %parallel_loop3A_718 = arith.constant 3 : i32
        %parallel_loop3A_719 = arith.index_cast %parallel_loop3A_717 : i32 to index
        %parallel_loop3A_720 = arith.index_cast %parallel_loop3A_718 : i32 to index
        %parallel_loop3A_721 = arith.index_cast %parallel_loop3A_672 : i32 to index
        %parallel_loop3A_722 = tpu.vector_load %arg7[%parallel_loop3A_719, %parallel_loop3A_720, %parallel_loop3A_721] {strides = array<i32>} : memref<6x4x2048xf32, #tpu.memory_space<vmem>>, vector<16xf32>,
        tpu.vector_store %arg7[%parallel_loop3A_719, %parallel_loop3A_720, %parallel_loop3A_721], %parallel_loop3A_716 {strides = array<i32>} : memref<6x4x2048xf32, #tpu.memory_space<vmem>>, vector<16xf32>,
      } {sc.loop_unroll_factor = 2 : i64, sc.parallel_access}
      %mul3A_591 = arith.constant 4 : i32
      %mul3A_592 = arith.muli %add3A_563, %mul3A_591 : i32
      %add3A_593 = arith.addi %mul3A_2, %mul3A_592 : i32
      %dma_start3A_594 = arith.constant 4 : i32
      %dma_start3A_595 = arith.constant 4 : i32
      %dma_start3A_596 = arith.constant 0 : i32
      %dma_start3A_597 = arith.constant 0 : i32
      %dma_start3A_598 = tpu.memref_slice %arg7[%dma_start3A_594, %dma_start3A_596, %dma_start3A_597] : memref<6x4x2048xf32, #tpu.memory_space<vmem>> -> memref<1x4x2048xf32, #tpu.memory_space<vmem>>
      %dma_start3A_599 = tpu.memref_squeeze %dma_start3A_598 : memref<1x4x2048xf32, #tpu.memory_space<vmem>> -> memref<4x2048xf32, #tpu.memory_space<vmem>>
      %dma_start3A_600 = arith.constant 0 : i32
      %dma_start3A_601 = tpu.memref_slice %arg4[%add3A_593, %dma_start3A_600] : memref<16384x2048xf32, #tpu.memory_space<hbm>> -> memref<4x2048xf32, #tpu.memory_space<hbm>>
      %dma_start3A_602 = tpu.memref_slice %arg9[%dma_start3A_595] : memref<6x!tpu.dma_semaphore, #tpu.memory_space<semaphore_mem>> -> memref<1x!tpu.dma_semaphore, #tpu.memory_space<semaphore_mem>>
      %dma_start3A_603 = tpu.memref_squeeze %dma_start3A_602 : memref<1x!tpu.dma_semaphore, #tpu.memory_space<semaphore_mem>> -> memref<!tpu.dma_semaphore, #tpu.memory_space<semaphore_mem>>
      %dma_start3A_604 = arith.constant 0 : i32
      %dma_start3A_605 = tpu.memref_slice %arg4[%add3A_593, %dma_start3A_604] : memref<16384x2048xf32, #tpu.memory_space<hbm>> -> memref<4x2048xf32, #tpu.memory_space<hbm>>
      %dma_start3A_606 = arith.constant 0 : i32
      %dma_start3A_607 = arith.constant 0 : i32
      %dma_start3A_608 = tpu.memref_slice %arg7[%dma_start3A_594, %dma_start3A_606, %dma_start3A_607] : memref<6x4x2048xf32, #tpu.memory_space<vmem>> -> memref<1x4x2048xf32, #tpu.memory_space<vmem>>
      %dma_start3A_609 = tpu.memref_squeeze %dma_start3A_608 : memref<1x4x2048xf32, #tpu.memory_space<vmem>> -> memref<4x2048xf32, #tpu.memory_space<vmem>>
      tpu.enqueue_dma source(%dma_start3A_609 : memref<4x2048xf32, #tpu.memory_space<vmem>>) target(%dma_start3A_605 : memref<4x2048xf32, #tpu.memory_space<hbm>>) target_semaphore(%dma_start3A_603 : memref<!tpu.dma_semaphore, #tpu.memory_space<semaphore_mem>>)
      %add3A_610 = arith.constant 6 : i32
      %add3A_611 = arith.addi %add3A_563, %add3A_610 : i32
      %lt3A_612 = arith.constant 128 : i32
      %lt3A_613 = arith.cmpi slt, %add3A_611, %lt3A_612 : i32
      %convert_element_type3A_614 = arith.extui %lt3A_613 : i1 to i32
      %cond3A_615 = arith.constant 0 : i32
      %cond3A_616 = arith.cmpi ne, %convert_element_type3A_614, %cond3A_615 : i32
      scf.if %cond3A_616 {
        %add3A_672 = arith.constant 6 : i32
        %add3A_673 = arith.addi %add3A_563, %add3A_672 : i32
        %mul3A_674 = arith.constant 4 : i32
        %mul3A_675 = arith.muli %add3A_673, %mul3A_674 : i32
        %add3A_676 = arith.addi %mul3A_2, %mul3A_675 : i32
        %dma_start3A_677 = arith.constant 4 : i32
        %dma_start3A_678 = arith.constant 4 : i32
        %dma_start3A_679 = arith.constant 0 : i32
        %dma_start3A_680 = arith.constant 0 : i32
        %dma_start3A_681 = tpu.memref_slice %arg6[%dma_start3A_677, %dma_start3A_679, %dma_start3A_680] : memref<6x4x2048xf32, #tpu.memory_space<vmem>> -> memref<1x4x2048xf32, #tpu.memory_space<vmem>>
        %dma_start3A_682 = tpu.memref_squeeze %dma_start3A_681 : memref<1x4x2048xf32, #tpu.memory_space<vmem>> -> memref<4x2048xf32, #tpu.memory_space<vmem>>
        %dma_start3A_683 = arith.constant 0 : i32
        %dma_start3A_684 = tpu.memref_slice %arg2[%add3A_676, %dma_start3A_683] : memref<16384x2048xf32, #tpu.memory_space<hbm>> -> memref<4x2048xf32, #tpu.memory_space<hbm>>
        %dma_start3A_685 = tpu.memref_slice %arg8[%dma_start3A_678] : memref<6x!tpu.dma_semaphore, #tpu.memory_space<semaphore_mem>> -> memref<1x!tpu.dma_semaphore, #tpu.memory_space<semaphore_mem>>
        %dma_start3A_686 = tpu.memref_squeeze %dma_start3A_685 : memref<1x!tpu.dma_semaphore, #tpu.memory_space<semaphore_mem>> -> memref<!tpu.dma_semaphore, #tpu.memory_space<semaphore_mem>>
        %dma_start3A_687 = arith.constant 0 : i32
        %dma_start3A_688 = arith.constant 0 : i32
        %dma_start3A_689 = tpu.memref_slice %arg6[%dma_start3A_677, %dma_start3A_687, %dma_start3A_688] : memref<6x4x2048xf32, #tpu.memory_space<vmem>> -> memref<1x4x2048xf32, #tpu.memory_space<vmem>>
        %dma_start3A_690 = tpu.memref_squeeze %dma_start3A_689 : memref<1x4x2048xf32, #tpu.memory_space<vmem>> -> memref<4x2048xf32, #tpu.memory_space<vmem>>
        %dma_start3A_691 = arith.constant 0 : i32
        %dma_start3A_692 = tpu.memref_slice %arg2[%add3A_676, %dma_start3A_691] : memref<16384x2048xf32, #tpu.memory_space<hbm>> -> memref<4x2048xf32, #tpu.memory_space<hbm>>
        tpu.enqueue_dma source(%dma_start3A_692 : memref<4x2048xf32, #tpu.memory_space<hbm>>) target(%dma_start3A_690 : memref<4x2048xf32, #tpu.memory_space<vmem>>) target_semaphore(%dma_start3A_686 : memref<!tpu.dma_semaphore, #tpu.memory_space<semaphore_mem>>)
      } else {
      }
      %add3A_617 = arith.constant 5 : i32
      %add3A_618 = arith.addi %add3A_345, %add3A_617 : i32
      %mul3A_619 = arith.constant 4 : i32
      %mul3A_620 = arith.muli %add3A_618, %mul3A_619 : i32
      %add3A_621 = arith.addi %mul3A_2, %mul3A_620 : i32
      %dma_wait3A_622 = arith.constant 5 : i32
      %dma_wait3A_623 = arith.constant 5 : i32
      %dma_wait3A_624 = arith.constant 0 : i32
      %dma_wait3A_625 = arith.constant 0 : i32
      %dma_wait3A_626 = tpu.memref_slice %arg6[%dma_wait3A_622, %dma_wait3A_624, %dma_wait3A_625] : memref<6x4x2048xf32, #tpu.memory_space<vmem>> -> memref<1x4x2048xf32, #tpu.memory_space<vmem>>
      %dma_wait3A_627 = tpu.memref_squeeze %dma_wait3A_626 : memref<1x4x2048xf32, #tpu.memory_space<vmem>> -> memref<4x2048xf32, #tpu.memory_space<vmem>>
      %dma_wait3A_628 = arith.constant 0 : i32
      %dma_wait3A_629 = tpu.memref_slice %arg2[%add3A_621, %dma_wait3A_628] : memref<16384x2048xf32, #tpu.memory_space<hbm>> -> memref<4x2048xf32, #tpu.memory_space<hbm>>
      %dma_wait3A_630 = tpu.memref_slice %arg8[%dma_wait3A_623] : memref<6x!tpu.dma_semaphore, #tpu.memory_space<semaphore_mem>> -> memref<1x!tpu.dma_semaphore, #tpu.memory_space<semaphore_mem>>
      %dma_wait3A_631 = tpu.memref_squeeze %dma_wait3A_630 : memref<1x!tpu.dma_semaphore, #tpu.memory_space<semaphore_mem>> -> memref<!tpu.dma_semaphore, #tpu.memory_space<semaphore_mem>>
      %dma_wait3A_632 = arith.constant 0 : i32
      %dma_wait3A_633 = arith.constant 0 : i32
      %dma_wait3A_634 = tpu.memref_slice %arg6[%dma_wait3A_622, %dma_wait3A_632, %dma_wait3A_633] : memref<6x4x2048xf32, #tpu.memory_space<vmem>> -> memref<1x4x2048xf32, #tpu.memory_space<vmem>>
      %dma_wait3A_635 = tpu.memref_squeeze %dma_wait3A_634 : memref<1x4x2048xf32, #tpu.memory_space<vmem>> -> memref<4x2048xf32, #tpu.memory_space<vmem>>
      %dma_wait3A_636 = arith.constant 0 : i32
      %dma_wait3A_637 = tpu.memref_slice %arg2[%add3A_621, %dma_wait3A_636] : memref<16384x2048xf32, #tpu.memory_space<hbm>> -> memref<4x2048xf32, #tpu.memory_space<hbm>>
      tpu.wait_dma2 semaphore(%dma_wait3A_631 : memref<!tpu.dma_semaphore, #tpu.memory_space<semaphore_mem>>) src(%dma_wait3A_637 : memref<4x2048xf32, #tpu.memory_space<hbm>>) dst(%dma_wait3A_635 : memref<4x2048xf32, #tpu.memory_space<vmem>>)
      %gt3A_638 = arith.constant 0 : i32
      %gt3A_639 = arith.cmpi sgt, %add3A_345, %gt3A_638 : i32
      %convert_element_type3A_640 = arith.extui %gt3A_639 : i1 to i32
      %cond3A_641 = arith.constant 0 : i32
      %cond3A_642 = arith.cmpi ne, %convert_element_type3A_640, %cond3A_641 : i32
      scf.if %cond3A_642 {
        %sub3A = arith.constant 6 : i32
        %sub3A_672 = arith.subi %add3A_618, %sub3A : i32
        %mul3A_673 = arith.constant 4 : i32
        %mul3A_674 = arith.muli %sub3A_672, %mul3A_673 : i32
        %add3A_675 = arith.addi %mul3A_2, %mul3A_674 : i32
        %dma_wait3A_676 = arith.constant 5 : i32
        %dma_wait3A_677 = arith.constant 5 : i32
        %dma_wait3A_678 = arith.constant 0 : i32
        %dma_wait3A_679 = arith.constant 0 : i32
        %dma_wait3A_680 = tpu.memref_slice %arg7[%dma_wait3A_676, %dma_wait3A_678, %dma_wait3A_679] : memref<6x4x2048xf32, #tpu.memory_space<vmem>> -> memref<1x4x2048xf32, #tpu.memory_space<vmem>>
        %dma_wait3A_681 = tpu.memref_squeeze %dma_wait3A_680 : memref<1x4x2048xf32, #tpu.memory_space<vmem>> -> memref<4x2048xf32, #tpu.memory_space<vmem>>
        %dma_wait3A_682 = arith.constant 0 : i32
        %dma_wait3A_683 = tpu.memref_slice %arg4[%add3A_675, %dma_wait3A_682] : memref<16384x2048xf32, #tpu.memory_space<hbm>> -> memref<4x2048xf32, #tpu.memory_space<hbm>>
        %dma_wait3A_684 = tpu.memref_slice %arg9[%dma_wait3A_677] : memref<6x!tpu.dma_semaphore, #tpu.memory_space<semaphore_mem>> -> memref<1x!tpu.dma_semaphore, #tpu.memory_space<semaphore_mem>>
        %dma_wait3A_685 = tpu.memref_squeeze %dma_wait3A_684 : memref<1x!tpu.dma_semaphore, #tpu.memory_space<semaphore_mem>> -> memref<!tpu.dma_semaphore, #tpu.memory_space<semaphore_mem>>
        %dma_wait3A_686 = arith.constant 0 : i32
        %dma_wait3A_687 = tpu.memref_slice %arg4[%add3A_675, %dma_wait3A_686] : memref<16384x2048xf32, #tpu.memory_space<hbm>> -> memref<4x2048xf32, #tpu.memory_space<hbm>>
        %dma_wait3A_688 = arith.constant 0 : i32
        %dma_wait3A_689 = arith.constant 0 : i32
        %dma_wait3A_690 = tpu.memref_slice %arg7[%dma_wait3A_676, %dma_wait3A_688, %dma_wait3A_689] : memref<6x4x2048xf32, #tpu.memory_space<vmem>> -> memref<1x4x2048xf32, #tpu.memory_space<vmem>>
        %dma_wait3A_691 = tpu.memref_squeeze %dma_wait3A_690 : memref<1x4x2048xf32, #tpu.memory_space<vmem>> -> memref<4x2048xf32, #tpu.memory_space<vmem>>
        tpu.wait_dma2 semaphore(%dma_wait3A_685 : memref<!tpu.dma_semaphore, #tpu.memory_space<semaphore_mem>>) src(%dma_wait3A_691 : memref<4x2048xf32, #tpu.memory_space<vmem>>) dst(%dma_wait3A_687 : memref<4x2048xf32, #tpu.memory_space<hbm>>)
      } else {
      }
      %parallel_loop3A_643 = arith.constant 0 : i32
      %parallel_loop3A_644 = arith.constant 2048 : i32
      %parallel_loop3A_645 = arith.constant 16 : i32
      scf.for %parallel_loop3A_672 = %parallel_loop3A_643 to %parallel_loop3A_644 step %parallel_loop3A_645  : i32 {
        %parallel_loop3A_673 = arith.index_cast %parallel_loop3A_672 : i32 to index
        %parallel_loop3A_674 = tpu.vector_load %arg5[%parallel_loop3A_673] {strides = array<i32>} : memref<2048xi32, #tpu.memory_space<vmem>>, vector<16xi32>,
        %parallel_loop3A_675 = arith.constant 5 : i32
        %parallel_loop3A_676 = arith.constant 0 : i32
        %parallel_loop3A_677 = arith.constant 0 : i32
        %parallel_loop3A_678 = tpu.memref_slice %arg6[%parallel_loop3A_675, %parallel_loop3A_676, %parallel_loop3A_677] : memref<6x4x2048xf32, #tpu.memory_space<vmem>> -> memref<1x4x2048xf32, #tpu.memory_space<vmem>>
        %parallel_loop3A_679 = tpu.memref_squeeze %parallel_loop3A_678 : memref<1x4x2048xf32, #tpu.memory_space<vmem>> -> memref<4x2048xf32, #tpu.memory_space<vmem>>
        %parallel_loop3A_680 = tpu.vector_load_idx %parallel_loop3A_679[%broadcast_in_dim3A_3, %parallel_loop3A_674] : memref<4x2048xf32, #tpu.memory_space<vmem>>[vector<16xi32>, vector<16xi32>], vector<16xf32>,
        %parallel_loop3A_681 = arith.constant 5 : i32
        %parallel_loop3A_682 = arith.constant 0 : i32
        %parallel_loop3A_683 = arith.index_cast %parallel_loop3A_681 : i32 to index
        %parallel_loop3A_684 = arith.index_cast %parallel_loop3A_682 : i32 to index
        %parallel_loop3A_685 = arith.index_cast %parallel_loop3A_672 : i32 to index
        %parallel_loop3A_686 = tpu.vector_load %arg7[%parallel_loop3A_683, %parallel_loop3A_684, %parallel_loop3A_685] {strides = array<i32>} : memref<6x4x2048xf32, #tpu.memory_space<vmem>>, vector<16xf32>,
        tpu.vector_store %arg7[%parallel_loop3A_683, %parallel_loop3A_684, %parallel_loop3A_685], %parallel_loop3A_680 {strides = array<i32>} : memref<6x4x2048xf32, #tpu.memory_space<vmem>>, vector<16xf32>,
        %parallel_loop3A_687 = arith.constant 5 : i32
        %parallel_loop3A_688 = arith.constant 0 : i32
        %parallel_loop3A_689 = arith.constant 0 : i32
        %parallel_loop3A_690 = tpu.memref_slice %arg6[%parallel_loop3A_687, %parallel_loop3A_688, %parallel_loop3A_689] : memref<6x4x2048xf32, #tpu.memory_space<vmem>> -> memref<1x4x2048xf32, #tpu.memory_space<vmem>>
        %parallel_loop3A_691 = tpu.memref_squeeze %parallel_loop3A_690 : memref<1x4x2048xf32, #tpu.memory_space<vmem>> -> memref<4x2048xf32, #tpu.memory_space<vmem>>
        %parallel_loop3A_692 = tpu.vector_load_idx %parallel_loop3A_691[%broadcast_in_dim3A_5, %parallel_loop3A_674] : memref<4x2048xf32, #tpu.memory_space<vmem>>[vector<16xi32>, vector<16xi32>], vector<16xf32>,
        %parallel_loop3A_693 = arith.constant 5 : i32
        %parallel_loop3A_694 = arith.constant 1 : i32
        %parallel_loop3A_695 = arith.index_cast %parallel_loop3A_693 : i32 to index
        %parallel_loop3A_696 = arith.index_cast %parallel_loop3A_694 : i32 to index
        %parallel_loop3A_697 = arith.index_cast %parallel_loop3A_672 : i32 to index
        %parallel_loop3A_698 = tpu.vector_load %arg7[%parallel_loop3A_695, %parallel_loop3A_696, %parallel_loop3A_697] {strides = array<i32>} : memref<6x4x2048xf32, #tpu.memory_space<vmem>>, vector<16xf32>,
        tpu.vector_store %arg7[%parallel_loop3A_695, %parallel_loop3A_696, %parallel_loop3A_697], %parallel_loop3A_692 {strides = array<i32>} : memref<6x4x2048xf32, #tpu.memory_space<vmem>>, vector<16xf32>,
        %parallel_loop3A_699 = arith.constant 5 : i32
        %parallel_loop3A_700 = arith.constant 0 : i32
        %parallel_loop3A_701 = arith.constant 0 : i32
        %parallel_loop3A_702 = tpu.memref_slice %arg6[%parallel_loop3A_699, %parallel_loop3A_700, %parallel_loop3A_701] : memref<6x4x2048xf32, #tpu.memory_space<vmem>> -> memref<1x4x2048xf32, #tpu.memory_space<vmem>>
        %parallel_loop3A_703 = tpu.memref_squeeze %parallel_loop3A_702 : memref<1x4x2048xf32, #tpu.memory_space<vmem>> -> memref<4x2048xf32, #tpu.memory_space<vmem>>
        %parallel_loop3A_704 = tpu.vector_load_idx %parallel_loop3A_703[%broadcast_in_dim3A_7, %parallel_loop3A_674] : memref<4x2048xf32, #tpu.memory_space<vmem>>[vector<16xi32>, vector<16xi32>], vector<16xf32>,
        %parallel_loop3A_705 = arith.constant 5 : i32
        %parallel_loop3A_706 = arith.constant 2 : i32
        %parallel_loop3A_707 = arith.index_cast %parallel_loop3A_705 : i32 to index
        %parallel_loop3A_708 = arith.index_cast %parallel_loop3A_706 : i32 to index
        %parallel_loop3A_709 = arith.index_cast %parallel_loop3A_672 : i32 to index
        %parallel_loop3A_710 = tpu.vector_load %arg7[%parallel_loop3A_707, %parallel_loop3A_708, %parallel_loop3A_709] {strides = array<i32>} : memref<6x4x2048xf32, #tpu.memory_space<vmem>>, vector<16xf32>,
        tpu.vector_store %arg7[%parallel_loop3A_707, %parallel_loop3A_708, %parallel_loop3A_709], %parallel_loop3A_704 {strides = array<i32>} : memref<6x4x2048xf32, #tpu.memory_space<vmem>>, vector<16xf32>,
        %parallel_loop3A_711 = arith.constant 5 : i32
        %parallel_loop3A_712 = arith.constant 0 : i32
        %parallel_loop3A_713 = arith.constant 0 : i32
        %parallel_loop3A_714 = tpu.memref_slice %arg6[%parallel_loop3A_711, %parallel_loop3A_712, %parallel_loop3A_713] : memref<6x4x2048xf32, #tpu.memory_space<vmem>> -> memref<1x4x2048xf32, #tpu.memory_space<vmem>>
        %parallel_loop3A_715 = tpu.memref_squeeze %parallel_loop3A_714 : memref<1x4x2048xf32, #tpu.memory_space<vmem>> -> memref<4x2048xf32, #tpu.memory_space<vmem>>
        %parallel_loop3A_716 = tpu.vector_load_idx %parallel_loop3A_715[%broadcast_in_dim3A_9, %parallel_loop3A_674] : memref<4x2048xf32, #tpu.memory_space<vmem>>[vector<16xi32>, vector<16xi32>], vector<16xf32>,
        %parallel_loop3A_717 = arith.constant 5 : i32
        %parallel_loop3A_718 = arith.constant 3 : i32
        %parallel_loop3A_719 = arith.index_cast %parallel_loop3A_717 : i32 to index
        %parallel_loop3A_720 = arith.index_cast %parallel_loop3A_718 : i32 to index
        %parallel_loop3A_721 = arith.index_cast %parallel_loop3A_672 : i32 to index
        %parallel_loop3A_722 = tpu.vector_load %arg7[%parallel_loop3A_719, %parallel_loop3A_720, %parallel_loop3A_721] {strides = array<i32>} : memref<6x4x2048xf32, #tpu.memory_space<vmem>>, vector<16xf32>,
        tpu.vector_store %arg7[%parallel_loop3A_719, %parallel_loop3A_720, %parallel_loop3A_721], %parallel_loop3A_716 {strides = array<i32>} : memref<6x4x2048xf32, #tpu.memory_space<vmem>>, vector<16xf32>,
      } {sc.loop_unroll_factor = 2 : i64, sc.parallel_access}
      %mul3A_646 = arith.constant 4 : i32
      %mul3A_647 = arith.muli %add3A_618, %mul3A_646 : i32
      %add3A_648 = arith.addi %mul3A_2, %mul3A_647 : i32
      %dma_start3A_649 = arith.constant 5 : i32
      %dma_start3A_650 = arith.constant 5 : i32
      %dma_start3A_651 = arith.constant 0 : i32
      %dma_start3A_652 = arith.constant 0 : i32
      %dma_start3A_653 = tpu.memref_slice %arg7[%dma_start3A_649, %dma_start3A_651, %dma_start3A_652] : memref<6x4x2048xf32, #tpu.memory_space<vmem>> -> memref<1x4x2048xf32, #tpu.memory_space<vmem>>
      %dma_start3A_654 = tpu.memref_squeeze %dma_start3A_653 : memref<1x4x2048xf32, #tpu.memory_space<vmem>> -> memref<4x2048xf32, #tpu.memory_space<vmem>>
      %dma_start3A_655 = arith.constant 0 : i32
      %dma_start3A_656 = tpu.memref_slice %arg4[%add3A_648, %dma_start3A_655] : memref<16384x2048xf32, #tpu.memory_space<hbm>> -> memref<4x2048xf32, #tpu.memory_space<hbm>>
      %dma_start3A_657 = tpu.memref_slice %arg9[%dma_start3A_650] : memref<6x!tpu.dma_semaphore, #tpu.memory_space<semaphore_mem>> -> memref<1x!tpu.dma_semaphore, #tpu.memory_space<semaphore_mem>>
      %dma_start3A_658 = tpu.memref_squeeze %dma_start3A_657 : memref<1x!tpu.dma_semaphore, #tpu.memory_space<semaphore_mem>> -> memref<!tpu.dma_semaphore, #tpu.memory_space<semaphore_mem>>
      %dma_start3A_659 = arith.constant 0 : i32
      %dma_start3A_660 = tpu.memref_slice %arg4[%add3A_648, %dma_start3A_659] : memref<16384x2048xf32, #tpu.memory_space<hbm>> -> memref<4x2048xf32, #tpu.memory_space<hbm>>
      %dma_start3A_661 = arith.constant 0 : i32
      %dma_start3A_662 = arith.constant 0 : i32
      %dma_start3A_663 = tpu.memref_slice %arg7[%dma_start3A_649, %dma_start3A_661, %dma_start3A_662] : memref<6x4x2048xf32, #tpu.memory_space<vmem>> -> memref<1x4x2048xf32, #tpu.memory_space<vmem>>
      %dma_start3A_664 = tpu.memref_squeeze %dma_start3A_663 : memref<1x4x2048xf32, #tpu.memory_space<vmem>> -> memref<4x2048xf32, #tpu.memory_space<vmem>>
      tpu.enqueue_dma source(%dma_start3A_664 : memref<4x2048xf32, #tpu.memory_space<vmem>>) target(%dma_start3A_660 : memref<4x2048xf32, #tpu.memory_space<hbm>>) target_semaphore(%dma_start3A_658 : memref<!tpu.dma_semaphore, #tpu.memory_space<semaphore_mem>>)
      %add3A_665 = arith.constant 6 : i32
      %add3A_666 = arith.addi %add3A_618, %add3A_665 : i32
      %lt3A_667 = arith.constant 128 : i32
      %lt3A_668 = arith.cmpi slt, %add3A_666, %lt3A_667 : i32
      %convert_element_type3A_669 = arith.extui %lt3A_668 : i1 to i32
      %cond3A_670 = arith.constant 0 : i32
      %cond3A_671 = arith.cmpi ne, %convert_element_type3A_669, %cond3A_670 : i32
      scf.if %cond3A_671 {
        %add3A_672 = arith.constant 6 : i32
        %add3A_673 = arith.addi %add3A_618, %add3A_672 : i32
        %mul3A_674 = arith.constant 4 : i32
        %mul3A_675 = arith.muli %add3A_673, %mul3A_674 : i32
        %add3A_676 = arith.addi %mul3A_2, %mul3A_675 : i32
        %dma_start3A_677 = arith.constant 5 : i32
        %dma_start3A_678 = arith.constant 5 : i32
        %dma_start3A_679 = arith.constant 0 : i32
        %dma_start3A_680 = arith.constant 0 : i32
        %dma_start3A_681 = tpu.memref_slice %arg6[%dma_start3A_677, %dma_start3A_679, %dma_start3A_680] : memref<6x4x2048xf32, #tpu.memory_space<vmem>> -> memref<1x4x2048xf32, #tpu.memory_space<vmem>>
        %dma_start3A_682 = tpu.memref_squeeze %dma_start3A_681 : memref<1x4x2048xf32, #tpu.memory_space<vmem>> -> memref<4x2048xf32, #tpu.memory_space<vmem>>
        %dma_start3A_683 = arith.constant 0 : i32
        %dma_start3A_684 = tpu.memref_slice %arg2[%add3A_676, %dma_start3A_683] : memref<16384x2048xf32, #tpu.memory_space<hbm>> -> memref<4x2048xf32, #tpu.memory_space<hbm>>
        %dma_start3A_685 = tpu.memref_slice %arg8[%dma_start3A_678] : memref<6x!tpu.dma_semaphore, #tpu.memory_space<semaphore_mem>> -> memref<1x!tpu.dma_semaphore, #tpu.memory_space<semaphore_mem>>
        %dma_start3A_686 = tpu.memref_squeeze %dma_start3A_685 : memref<1x!tpu.dma_semaphore, #tpu.memory_space<semaphore_mem>> -> memref<!tpu.dma_semaphore, #tpu.memory_space<semaphore_mem>>
        %dma_start3A_687 = arith.constant 0 : i32
        %dma_start3A_688 = arith.constant 0 : i32
        %dma_start3A_689 = tpu.memref_slice %arg6[%dma_start3A_677, %dma_start3A_687, %dma_start3A_688] : memref<6x4x2048xf32, #tpu.memory_space<vmem>> -> memref<1x4x2048xf32, #tpu.memory_space<vmem>>
        %dma_start3A_690 = tpu.memref_squeeze %dma_start3A_689 : memref<1x4x2048xf32, #tpu.memory_space<vmem>> -> memref<4x2048xf32, #tpu.memory_space<vmem>>
        %dma_start3A_691 = arith.constant 0 : i32
        %dma_start3A_692 = tpu.memref_slice %arg2[%add3A_676, %dma_start3A_691] : memref<16384x2048xf32, #tpu.memory_space<hbm>> -> memref<4x2048xf32, #tpu.memory_space<hbm>>
        tpu.enqueue_dma source(%dma_start3A_692 : memref<4x2048xf32, #tpu.memory_space<hbm>>) target(%dma_start3A_690 : memref<4x2048xf32, #tpu.memory_space<vmem>>) target_semaphore(%dma_start3A_686 : memref<!tpu.dma_semaphore, #tpu.memory_space<semaphore_mem>>)
      } else {
      }
    }
    %scan3A_120 = arith.constant 21 : i32
    %add3A_121 = arith.constant 504 : i32
    %add3A_122 = arith.addi %mul3A_2, %add3A_121 : i32
    %dma_wait3A = arith.constant 0 : i32
    %dma_wait3A_123 = arith.constant 0 : i32
    %dma_wait3A_124 = arith.constant 0 : i32
    %dma_wait3A_125 = arith.constant 0 : i32
    %dma_wait3A_126 = tpu.memref_slice %arg6[%dma_wait3A, %dma_wait3A_124, %dma_wait3A_125] : memref<6x4x2048xf32, #tpu.memory_space<vmem>> -> memref<1x4x2048xf32, #tpu.memory_space<vmem>>
    %dma_wait3A_127 = tpu.memref_squeeze %dma_wait3A_126 : memref<1x4x2048xf32, #tpu.memory_space<vmem>> -> memref<4x2048xf32, #tpu.memory_space<vmem>>
    %dma_wait3A_128 = arith.constant 0 : i32
    %dma_wait3A_129 = tpu.memref_slice %arg2[%add3A_122, %dma_wait3A_128] : memref<16384x2048xf32, #tpu.memory_space<hbm>> -> memref<4x2048xf32, #tpu.memory_space<hbm>>
    %dma_wait3A_130 = tpu.memref_slice %arg8[%dma_wait3A_123] : memref<6x!tpu.dma_semaphore, #tpu.memory_space<semaphore_mem>> -> memref<1x!tpu.dma_semaphore, #tpu.memory_space<semaphore_mem>>
    %dma_wait3A_131 = tpu.memref_squeeze %dma_wait3A_130 : memref<1x!tpu.dma_semaphore, #tpu.memory_space<semaphore_mem>> -> memref<!tpu.dma_semaphore, #tpu.memory_space<semaphore_mem>>
    %dma_wait3A_132 = arith.constant 0 : i32
    %dma_wait3A_133 = arith.constant 0 : i32
    %dma_wait3A_134 = tpu.memref_slice %arg6[%dma_wait3A, %dma_wait3A_132, %dma_wait3A_133] : memref<6x4x2048xf32, #tpu.memory_space<vmem>> -> memref<1x4x2048xf32, #tpu.memory_space<vmem>>
    %dma_wait3A_135 = tpu.memref_squeeze %dma_wait3A_134 : memref<1x4x2048xf32, #tpu.memory_space<vmem>> -> memref<4x2048xf32, #tpu.memory_space<vmem>>
    %dma_wait3A_136 = arith.constant 0 : i32
    %dma_wait3A_137 = tpu.memref_slice %arg2[%add3A_122, %dma_wait3A_136] : memref<16384x2048xf32, #tpu.memory_space<hbm>> -> memref<4x2048xf32, #tpu.memory_space<hbm>>
    tpu.wait_dma2 semaphore(%dma_wait3A_131 : memref<!tpu.dma_semaphore, #tpu.memory_space<semaphore_mem>>) src(%dma_wait3A_137 : memref<4x2048xf32, #tpu.memory_space<hbm>>) dst(%dma_wait3A_135 : memref<4x2048xf32, #tpu.memory_space<vmem>>)
    %add3A_138 = arith.constant 480 : i32
    %add3A_139 = arith.addi %mul3A_2, %add3A_138 : i32
    %dma_wait3A_140 = arith.constant 0 : i32
    %dma_wait3A_141 = arith.constant 0 : i32
    %dma_wait3A_142 = arith.constant 0 : i32
    %dma_wait3A_143 = arith.constant 0 : i32
    %dma_wait3A_144 = tpu.memref_slice %arg7[%dma_wait3A_140, %dma_wait3A_142, %dma_wait3A_143] : memref<6x4x2048xf32, #tpu.memory_space<vmem>> -> memref<1x4x2048xf32, #tpu.memory_space<vmem>>
    %dma_wait3A_145 = tpu.memref_squeeze %dma_wait3A_144 : memref<1x4x2048xf32, #tpu.memory_space<vmem>> -> memref<4x2048xf32, #tpu.memory_space<vmem>>
    %dma_wait3A_146 = arith.constant 0 : i32
    %dma_wait3A_147 = tpu.memref_slice %arg4[%add3A_139, %dma_wait3A_146] : memref<16384x2048xf32, #tpu.memory_space<hbm>> -> memref<4x2048xf32, #tpu.memory_space<hbm>>
    %dma_wait3A_148 = tpu.memref_slice %arg9[%dma_wait3A_141] : memref<6x!tpu.dma_semaphore, #tpu.memory_space<semaphore_mem>> -> memref<1x!tpu.dma_semaphore, #tpu.memory_space<semaphore_mem>>
    %dma_wait3A_149 = tpu.memref_squeeze %dma_wait3A_148 : memref<1x!tpu.dma_semaphore, #tpu.memory_space<semaphore_mem>> -> memref<!tpu.dma_semaphore, #tpu.memory_space<semaphore_mem>>
    %dma_wait3A_150 = arith.constant 0 : i32
    %dma_wait3A_151 = tpu.memref_slice %arg4[%add3A_139, %dma_wait3A_150] : memref<16384x2048xf32, #tpu.memory_space<hbm>> -> memref<4x2048xf32, #tpu.memory_space<hbm>>
    %dma_wait3A_152 = arith.constant 0 : i32
    %dma_wait3A_153 = arith.constant 0 : i32
    %dma_wait3A_154 = tpu.memref_slice %arg7[%dma_wait3A_140, %dma_wait3A_152, %dma_wait3A_153] : memref<6x4x2048xf32, #tpu.memory_space<vmem>> -> memref<1x4x2048xf32, #tpu.memory_space<vmem>>
    %dma_wait3A_155 = tpu.memref_squeeze %dma_wait3A_154 : memref<1x4x2048xf32, #tpu.memory_space<vmem>> -> memref<4x2048xf32, #tpu.memory_space<vmem>>
    tpu.wait_dma2 semaphore(%dma_wait3A_149 : memref<!tpu.dma_semaphore, #tpu.memory_space<semaphore_mem>>) src(%dma_wait3A_155 : memref<4x2048xf32, #tpu.memory_space<vmem>>) dst(%dma_wait3A_151 : memref<4x2048xf32, #tpu.memory_space<hbm>>)
    %parallel_loop3A = arith.constant 0 : i32
    %parallel_loop3A_156 = arith.constant 2048 : i32
    %parallel_loop3A_157 = arith.constant 16 : i32
    scf.for %parallel_loop3A_341 = %parallel_loop3A to %parallel_loop3A_156 step %parallel_loop3A_157  : i32 {
      %parallel_loop3A_342 = arith.index_cast %parallel_loop3A_341 : i32 to index
      %parallel_loop3A_343 = tpu.vector_load %arg5[%parallel_loop3A_342] {strides = array<i32>} : memref<2048xi32, #tpu.memory_space<vmem>>, vector<16xi32>,
      %parallel_loop3A_344 = arith.constant 0 : i32
      %parallel_loop3A_345 = arith.constant 0 : i32
      %parallel_loop3A_346 = arith.constant 0 : i32
      %parallel_loop3A_347 = tpu.memref_slice %arg6[%parallel_loop3A_344, %parallel_loop3A_345, %parallel_loop3A_346] : memref<6x4x2048xf32, #tpu.memory_space<vmem>> -> memref<1x4x2048xf32, #tpu.memory_space<vmem>>
      %parallel_loop3A_348 = tpu.memref_squeeze %parallel_loop3A_347 : memref<1x4x2048xf32, #tpu.memory_space<vmem>> -> memref<4x2048xf32, #tpu.memory_space<vmem>>
      %parallel_loop3A_349 = tpu.vector_load_idx %parallel_loop3A_348[%broadcast_in_dim3A_3, %parallel_loop3A_343] : memref<4x2048xf32, #tpu.memory_space<vmem>>[vector<16xi32>, vector<16xi32>], vector<16xf32>,
      %parallel_loop3A_350 = arith.constant 0 : i32
      %parallel_loop3A_351 = arith.constant 0 : i32
      %parallel_loop3A_352 = arith.index_cast %parallel_loop3A_350 : i32 to index
      %parallel_loop3A_353 = arith.index_cast %parallel_loop3A_351 : i32 to index
      %parallel_loop3A_354 = arith.index_cast %parallel_loop3A_341 : i32 to index
      %parallel_loop3A_355 = tpu.vector_load %arg7[%parallel_loop3A_352, %parallel_loop3A_353, %parallel_loop3A_354] {strides = array<i32>} : memref<6x4x2048xf32, #tpu.memory_space<vmem>>, vector<16xf32>,
      tpu.vector_store %arg7[%parallel_loop3A_352, %parallel_loop3A_353, %parallel_loop3A_354], %parallel_loop3A_349 {strides = array<i32>} : memref<6x4x2048xf32, #tpu.memory_space<vmem>>, vector<16xf32>,
      %parallel_loop3A_356 = arith.constant 0 : i32
      %parallel_loop3A_357 = arith.constant 0 : i32
      %parallel_loop3A_358 = arith.constant 0 : i32
      %parallel_loop3A_359 = tpu.memref_slice %arg6[%parallel_loop3A_356, %parallel_loop3A_357, %parallel_loop3A_358] : memref<6x4x2048xf32, #tpu.memory_space<vmem>> -> memref<1x4x2048xf32, #tpu.memory_space<vmem>>
      %parallel_loop3A_360 = tpu.memref_squeeze %parallel_loop3A_359 : memref<1x4x2048xf32, #tpu.memory_space<vmem>> -> memref<4x2048xf32, #tpu.memory_space<vmem>>
      %parallel_loop3A_361 = tpu.vector_load_idx %parallel_loop3A_360[%broadcast_in_dim3A_5, %parallel_loop3A_343] : memref<4x2048xf32, #tpu.memory_space<vmem>>[vector<16xi32>, vector<16xi32>], vector<16xf32>,
      %parallel_loop3A_362 = arith.constant 0 : i32
      %parallel_loop3A_363 = arith.constant 1 : i32
      %parallel_loop3A_364 = arith.index_cast %parallel_loop3A_362 : i32 to index
      %parallel_loop3A_365 = arith.index_cast %parallel_loop3A_363 : i32 to index
      %parallel_loop3A_366 = arith.index_cast %parallel_loop3A_341 : i32 to index
      %parallel_loop3A_367 = tpu.vector_load %arg7[%parallel_loop3A_364, %parallel_loop3A_365, %parallel_loop3A_366] {strides = array<i32>} : memref<6x4x2048xf32, #tpu.memory_space<vmem>>, vector<16xf32>,
      tpu.vector_store %arg7[%parallel_loop3A_364, %parallel_loop3A_365, %parallel_loop3A_366], %parallel_loop3A_361 {strides = array<i32>} : memref<6x4x2048xf32, #tpu.memory_space<vmem>>, vector<16xf32>,
      %parallel_loop3A_368 = arith.constant 0 : i32
      %parallel_loop3A_369 = arith.constant 0 : i32
      %parallel_loop3A_370 = arith.constant 0 : i32
      %parallel_loop3A_371 = tpu.memref_slice %arg6[%parallel_loop3A_368, %parallel_loop3A_369, %parallel_loop3A_370] : memref<6x4x2048xf32, #tpu.memory_space<vmem>> -> memref<1x4x2048xf32, #tpu.memory_space<vmem>>
      %parallel_loop3A_372 = tpu.memref_squeeze %parallel_loop3A_371 : memref<1x4x2048xf32, #tpu.memory_space<vmem>> -> memref<4x2048xf32, #tpu.memory_space<vmem>>
      %parallel_loop3A_373 = tpu.vector_load_idx %parallel_loop3A_372[%broadcast_in_dim3A_7, %parallel_loop3A_343] : memref<4x2048xf32, #tpu.memory_space<vmem>>[vector<16xi32>, vector<16xi32>], vector<16xf32>,
      %parallel_loop3A_374 = arith.constant 0 : i32
      %parallel_loop3A_375 = arith.constant 2 : i32
      %parallel_loop3A_376 = arith.index_cast %parallel_loop3A_374 : i32 to index
      %parallel_loop3A_377 = arith.index_cast %parallel_loop3A_375 : i32 to index
      %parallel_loop3A_378 = arith.index_cast %parallel_loop3A_341 : i32 to index
      %parallel_loop3A_379 = tpu.vector_load %arg7[%parallel_loop3A_376, %parallel_loop3A_377, %parallel_loop3A_378] {strides = array<i32>} : memref<6x4x2048xf32, #tpu.memory_space<vmem>>, vector<16xf32>,
      tpu.vector_store %arg7[%parallel_loop3A_376, %parallel_loop3A_377, %parallel_loop3A_378], %parallel_loop3A_373 {strides = array<i32>} : memref<6x4x2048xf32, #tpu.memory_space<vmem>>, vector<16xf32>,
      %parallel_loop3A_380 = arith.constant 0 : i32
      %parallel_loop3A_381 = arith.constant 0 : i32
      %parallel_loop3A_382 = arith.constant 0 : i32
      %parallel_loop3A_383 = tpu.memref_slice %arg6[%parallel_loop3A_380, %parallel_loop3A_381, %parallel_loop3A_382] : memref<6x4x2048xf32, #tpu.memory_space<vmem>> -> memref<1x4x2048xf32, #tpu.memory_space<vmem>>
      %parallel_loop3A_384 = tpu.memref_squeeze %parallel_loop3A_383 : memref<1x4x2048xf32, #tpu.memory_space<vmem>> -> memref<4x2048xf32, #tpu.memory_space<vmem>>
      %parallel_loop3A_385 = tpu.vector_load_idx %parallel_loop3A_384[%broadcast_in_dim3A_9, %parallel_loop3A_343] : memref<4x2048xf32, #tpu.memory_space<vmem>>[vector<16xi32>, vector<16xi32>], vector<16xf32>,
      %parallel_loop3A_386 = arith.constant 0 : i32
      %parallel_loop3A_387 = arith.constant 3 : i32
      %parallel_loop3A_388 = arith.index_cast %parallel_loop3A_386 : i32 to index
      %parallel_loop3A_389 = arith.index_cast %parallel_loop3A_387 : i32 to index
      %parallel_loop3A_390 = arith.index_cast %parallel_loop3A_341 : i32 to index
      %parallel_loop3A_391 = tpu.vector_load %arg7[%parallel_loop3A_388, %parallel_loop3A_389, %parallel_loop3A_390] {strides = array<i32>} : memref<6x4x2048xf32, #tpu.memory_space<vmem>>, vector<16xf32>,
      tpu.vector_store %arg7[%parallel_loop3A_388, %parallel_loop3A_389, %parallel_loop3A_390], %parallel_loop3A_385 {strides = array<i32>} : memref<6x4x2048xf32, #tpu.memory_space<vmem>>, vector<16xf32>,
    } {sc.loop_unroll_factor = 2 : i64, sc.parallel_access}
    %add3A_158 = arith.constant 504 : i32
    %add3A_159 = arith.addi %mul3A_2, %add3A_158 : i32
    %dma_start3A_160 = arith.constant 0 : i32
    %dma_start3A_161 = arith.constant 0 : i32
    %dma_start3A_162 = arith.constant 0 : i32
    %dma_start3A_163 = arith.constant 0 : i32
    %dma_start3A_164 = tpu.memref_slice %arg7[%dma_start3A_160, %dma_start3A_162, %dma_start3A_163] : memref<6x4x2048xf32, #tpu.memory_space<vmem>> -> memref<1x4x2048xf32, #tpu.memory_space<vmem>>
    %dma_start3A_165 = tpu.memref_squeeze %dma_start3A_164 : memref<1x4x2048xf32, #tpu.memory_space<vmem>> -> memref<4x2048xf32, #tpu.memory_space<vmem>>
    %dma_start3A_166 = arith.constant 0 : i32
    %dma_start3A_167 = tpu.memref_slice %arg4[%add3A_159, %dma_start3A_166] : memref<16384x2048xf32, #tpu.memory_space<hbm>> -> memref<4x2048xf32, #tpu.memory_space<hbm>>
    %dma_start3A_168 = tpu.memref_slice %arg9[%dma_start3A_161] : memref<6x!tpu.dma_semaphore, #tpu.memory_space<semaphore_mem>> -> memref<1x!tpu.dma_semaphore, #tpu.memory_space<semaphore_mem>>
    %dma_start3A_169 = tpu.memref_squeeze %dma_start3A_168 : memref<1x!tpu.dma_semaphore, #tpu.memory_space<semaphore_mem>> -> memref<!tpu.dma_semaphore, #tpu.memory_space<semaphore_mem>>
    %dma_start3A_170 = arith.constant 0 : i32
    %dma_start3A_171 = tpu.memref_slice %arg4[%add3A_159, %dma_start3A_170] : memref<16384x2048xf32, #tpu.memory_space<hbm>> -> memref<4x2048xf32, #tpu.memory_space<hbm>>
    %dma_start3A_172 = arith.constant 0 : i32
    %dma_start3A_173 = arith.constant 0 : i32
    %dma_start3A_174 = tpu.memref_slice %arg7[%dma_start3A_160, %dma_start3A_172, %dma_start3A_173] : memref<6x4x2048xf32, #tpu.memory_space<vmem>> -> memref<1x4x2048xf32, #tpu.memory_space<vmem>>
    %dma_start3A_175 = tpu.memref_squeeze %dma_start3A_174 : memref<1x4x2048xf32, #tpu.memory_space<vmem>> -> memref<4x2048xf32, #tpu.memory_space<vmem>>
    tpu.enqueue_dma source(%dma_start3A_175 : memref<4x2048xf32, #tpu.memory_space<vmem>>) target(%dma_start3A_171 : memref<4x2048xf32, #tpu.memory_space<hbm>>) target_semaphore(%dma_start3A_169 : memref<!tpu.dma_semaphore, #tpu.memory_space<semaphore_mem>>)
    %add3A_176 = arith.constant 508 : i32
    %add3A_177 = arith.addi %mul3A_2, %add3A_176 : i32
    %dma_wait3A_178 = arith.constant 1 : i32
    %dma_wait3A_179 = arith.constant 1 : i32
    %dma_wait3A_180 = arith.constant 0 : i32
    %dma_wait3A_181 = arith.constant 0 : i32
    %dma_wait3A_182 = tpu.memref_slice %arg6[%dma_wait3A_178, %dma_wait3A_180, %dma_wait3A_181] : memref<6x4x2048xf32, #tpu.memory_space<vmem>> -> memref<1x4x2048xf32, #tpu.memory_space<vmem>>
    %dma_wait3A_183 = tpu.memref_squeeze %dma_wait3A_182 : memref<1x4x2048xf32, #tpu.memory_space<vmem>> -> memref<4x2048xf32, #tpu.memory_space<vmem>>
    %dma_wait3A_184 = arith.constant 0 : i32
    %dma_wait3A_185 = tpu.memref_slice %arg2[%add3A_177, %dma_wait3A_184] : memref<16384x2048xf32, #tpu.memory_space<hbm>> -> memref<4x2048xf32, #tpu.memory_space<hbm>>
    %dma_wait3A_186 = tpu.memref_slice %arg8[%dma_wait3A_179] : memref<6x!tpu.dma_semaphore, #tpu.memory_space<semaphore_mem>> -> memref<1x!tpu.dma_semaphore, #tpu.memory_space<semaphore_mem>>
    %dma_wait3A_187 = tpu.memref_squeeze %dma_wait3A_186 : memref<1x!tpu.dma_semaphore, #tpu.memory_space<semaphore_mem>> -> memref<!tpu.dma_semaphore, #tpu.memory_space<semaphore_mem>>
    %dma_wait3A_188 = arith.constant 0 : i32
    %dma_wait3A_189 = arith.constant 0 : i32
    %dma_wait3A_190 = tpu.memref_slice %arg6[%dma_wait3A_178, %dma_wait3A_188, %dma_wait3A_189] : memref<6x4x2048xf32, #tpu.memory_space<vmem>> -> memref<1x4x2048xf32, #tpu.memory_space<vmem>>
    %dma_wait3A_191 = tpu.memref_squeeze %dma_wait3A_190 : memref<1x4x2048xf32, #tpu.memory_space<vmem>> -> memref<4x2048xf32, #tpu.memory_space<vmem>>
    %dma_wait3A_192 = arith.constant 0 : i32
    %dma_wait3A_193 = tpu.memref_slice %arg2[%add3A_177, %dma_wait3A_192] : memref<16384x2048xf32, #tpu.memory_space<hbm>> -> memref<4x2048xf32, #tpu.memory_space<hbm>>
    tpu.wait_dma2 semaphore(%dma_wait3A_187 : memref<!tpu.dma_semaphore, #tpu.memory_space<semaphore_mem>>) src(%dma_wait3A_193 : memref<4x2048xf32, #tpu.memory_space<hbm>>) dst(%dma_wait3A_191 : memref<4x2048xf32, #tpu.memory_space<vmem>>)
    %add3A_194 = arith.constant 484 : i32
    %add3A_195 = arith.addi %mul3A_2, %add3A_194 : i32
    %dma_wait3A_196 = arith.constant 1 : i32
    %dma_wait3A_197 = arith.constant 1 : i32
    %dma_wait3A_198 = arith.constant 0 : i32
    %dma_wait3A_199 = arith.constant 0 : i32
    %dma_wait3A_200 = tpu.memref_slice %arg7[%dma_wait3A_196, %dma_wait3A_198, %dma_wait3A_199] : memref<6x4x2048xf32, #tpu.memory_space<vmem>> -> memref<1x4x2048xf32, #tpu.memory_space<vmem>>
    %dma_wait3A_201 = tpu.memref_squeeze %dma_wait3A_200 : memref<1x4x2048xf32, #tpu.memory_space<vmem>> -> memref<4x2048xf32, #tpu.memory_space<vmem>>
    %dma_wait3A_202 = arith.constant 0 : i32
    %dma_wait3A_203 = tpu.memref_slice %arg4[%add3A_195, %dma_wait3A_202] : memref<16384x2048xf32, #tpu.memory_space<hbm>> -> memref<4x2048xf32, #tpu.memory_space<hbm>>
    %dma_wait3A_204 = tpu.memref_slice %arg9[%dma_wait3A_197] : memref<6x!tpu.dma_semaphore, #tpu.memory_space<semaphore_mem>> -> memref<1x!tpu.dma_semaphore, #tpu.memory_space<semaphore_mem>>
    %dma_wait3A_205 = tpu.memref_squeeze %dma_wait3A_204 : memref<1x!tpu.dma_semaphore, #tpu.memory_space<semaphore_mem>> -> memref<!tpu.dma_semaphore, #tpu.memory_space<semaphore_mem>>
    %dma_wait3A_206 = arith.constant 0 : i32
    %dma_wait3A_207 = tpu.memref_slice %arg4[%add3A_195, %dma_wait3A_206] : memref<16384x2048xf32, #tpu.memory_space<hbm>> -> memref<4x2048xf32, #tpu.memory_space<hbm>>
    %dma_wait3A_208 = arith.constant 0 : i32
    %dma_wait3A_209 = arith.constant 0 : i32
    %dma_wait3A_210 = tpu.memref_slice %arg7[%dma_wait3A_196, %dma_wait3A_208, %dma_wait3A_209] : memref<6x4x2048xf32, #tpu.memory_space<vmem>> -> memref<1x4x2048xf32, #tpu.memory_space<vmem>>
    %dma_wait3A_211 = tpu.memref_squeeze %dma_wait3A_210 : memref<1x4x2048xf32, #tpu.memory_space<vmem>> -> memref<4x2048xf32, #tpu.memory_space<vmem>>
    tpu.wait_dma2 semaphore(%dma_wait3A_205 : memref<!tpu.dma_semaphore, #tpu.memory_space<semaphore_mem>>) src(%dma_wait3A_211 : memref<4x2048xf32, #tpu.memory_space<vmem>>) dst(%dma_wait3A_207 : memref<4x2048xf32, #tpu.memory_space<hbm>>)
    %parallel_loop3A_212 = arith.constant 0 : i32
    %parallel_loop3A_213 = arith.constant 2048 : i32
    %parallel_loop3A_214 = arith.constant 16 : i32
    scf.for %parallel_loop3A_341 = %parallel_loop3A_212 to %parallel_loop3A_213 step %parallel_loop3A_214  : i32 {
      %parallel_loop3A_342 = arith.index_cast %parallel_loop3A_341 : i32 to index
      %parallel_loop3A_343 = tpu.vector_load %arg5[%parallel_loop3A_342] {strides = array<i32>} : memref<2048xi32, #tpu.memory_space<vmem>>, vector<16xi32>,
      %parallel_loop3A_344 = arith.constant 1 : i32
      %parallel_loop3A_345 = arith.constant 0 : i32
      %parallel_loop3A_346 = arith.constant 0 : i32
      %parallel_loop3A_347 = tpu.memref_slice %arg6[%parallel_loop3A_344, %parallel_loop3A_345, %parallel_loop3A_346] : memref<6x4x2048xf32, #tpu.memory_space<vmem>> -> memref<1x4x2048xf32, #tpu.memory_space<vmem>>
      %parallel_loop3A_348 = tpu.memref_squeeze %parallel_loop3A_347 : memref<1x4x2048xf32, #tpu.memory_space<vmem>> -> memref<4x2048xf32, #tpu.memory_space<vmem>>
      %parallel_loop3A_349 = tpu.vector_load_idx %parallel_loop3A_348[%broadcast_in_dim3A_3, %parallel_loop3A_343] : memref<4x2048xf32, #tpu.memory_space<vmem>>[vector<16xi32>, vector<16xi32>], vector<16xf32>,
      %parallel_loop3A_350 = arith.constant 1 : i32
      %parallel_loop3A_351 = arith.constant 0 : i32
      %parallel_loop3A_352 = arith.index_cast %parallel_loop3A_350 : i32 to index
      %parallel_loop3A_353 = arith.index_cast %parallel_loop3A_351 : i32 to index
      %parallel_loop3A_354 = arith.index_cast %parallel_loop3A_341 : i32 to index
      %parallel_loop3A_355 = tpu.vector_load %arg7[%parallel_loop3A_352, %parallel_loop3A_353, %parallel_loop3A_354] {strides = array<i32>} : memref<6x4x2048xf32, #tpu.memory_space<vmem>>, vector<16xf32>,
      tpu.vector_store %arg7[%parallel_loop3A_352, %parallel_loop3A_353, %parallel_loop3A_354], %parallel_loop3A_349 {strides = array<i32>} : memref<6x4x2048xf32, #tpu.memory_space<vmem>>, vector<16xf32>,
      %parallel_loop3A_356 = arith.constant 1 : i32
      %parallel_loop3A_357 = arith.constant 0 : i32
      %parallel_loop3A_358 = arith.constant 0 : i32
      %parallel_loop3A_359 = tpu.memref_slice %arg6[%parallel_loop3A_356, %parallel_loop3A_357, %parallel_loop3A_358] : memref<6x4x2048xf32, #tpu.memory_space<vmem>> -> memref<1x4x2048xf32, #tpu.memory_space<vmem>>
      %parallel_loop3A_360 = tpu.memref_squeeze %parallel_loop3A_359 : memref<1x4x2048xf32, #tpu.memory_space<vmem>> -> memref<4x2048xf32, #tpu.memory_space<vmem>>
      %parallel_loop3A_361 = tpu.vector_load_idx %parallel_loop3A_360[%broadcast_in_dim3A_5, %parallel_loop3A_343] : memref<4x2048xf32, #tpu.memory_space<vmem>>[vector<16xi32>, vector<16xi32>], vector<16xf32>,
      %parallel_loop3A_362 = arith.constant 1 : i32
      %parallel_loop3A_363 = arith.constant 1 : i32
      %parallel_loop3A_364 = arith.index_cast %parallel_loop3A_362 : i32 to index
      %parallel_loop3A_365 = arith.index_cast %parallel_loop3A_363 : i32 to index
      %parallel_loop3A_366 = arith.index_cast %parallel_loop3A_341 : i32 to index
      %parallel_loop3A_367 = tpu.vector_load %arg7[%parallel_loop3A_364, %parallel_loop3A_365, %parallel_loop3A_366] {strides = array<i32>} : memref<6x4x2048xf32, #tpu.memory_space<vmem>>, vector<16xf32>,
      tpu.vector_store %arg7[%parallel_loop3A_364, %parallel_loop3A_365, %parallel_loop3A_366], %parallel_loop3A_361 {strides = array<i32>} : memref<6x4x2048xf32, #tpu.memory_space<vmem>>, vector<16xf32>,
      %parallel_loop3A_368 = arith.constant 1 : i32
      %parallel_loop3A_369 = arith.constant 0 : i32
      %parallel_loop3A_370 = arith.constant 0 : i32
      %parallel_loop3A_371 = tpu.memref_slice %arg6[%parallel_loop3A_368, %parallel_loop3A_369, %parallel_loop3A_370] : memref<6x4x2048xf32, #tpu.memory_space<vmem>> -> memref<1x4x2048xf32, #tpu.memory_space<vmem>>
      %parallel_loop3A_372 = tpu.memref_squeeze %parallel_loop3A_371 : memref<1x4x2048xf32, #tpu.memory_space<vmem>> -> memref<4x2048xf32, #tpu.memory_space<vmem>>
      %parallel_loop3A_373 = tpu.vector_load_idx %parallel_loop3A_372[%broadcast_in_dim3A_7, %parallel_loop3A_343] : memref<4x2048xf32, #tpu.memory_space<vmem>>[vector<16xi32>, vector<16xi32>], vector<16xf32>,
      %parallel_loop3A_374 = arith.constant 1 : i32
      %parallel_loop3A_375 = arith.constant 2 : i32
      %parallel_loop3A_376 = arith.index_cast %parallel_loop3A_374 : i32 to index
      %parallel_loop3A_377 = arith.index_cast %parallel_loop3A_375 : i32 to index
      %parallel_loop3A_378 = arith.index_cast %parallel_loop3A_341 : i32 to index
      %parallel_loop3A_379 = tpu.vector_load %arg7[%parallel_loop3A_376, %parallel_loop3A_377, %parallel_loop3A_378] {strides = array<i32>} : memref<6x4x2048xf32, #tpu.memory_space<vmem>>, vector<16xf32>,
      tpu.vector_store %arg7[%parallel_loop3A_376, %parallel_loop3A_377, %parallel_loop3A_378], %parallel_loop3A_373 {strides = array<i32>} : memref<6x4x2048xf32, #tpu.memory_space<vmem>>, vector<16xf32>,
      %parallel_loop3A_380 = arith.constant 1 : i32
      %parallel_loop3A_381 = arith.constant 0 : i32
      %parallel_loop3A_382 = arith.constant 0 : i32
      %parallel_loop3A_383 = tpu.memref_slice %arg6[%parallel_loop3A_380, %parallel_loop3A_381, %parallel_loop3A_382] : memref<6x4x2048xf32, #tpu.memory_space<vmem>> -> memref<1x4x2048xf32, #tpu.memory_space<vmem>>
      %parallel_loop3A_384 = tpu.memref_squeeze %parallel_loop3A_383 : memref<1x4x2048xf32, #tpu.memory_space<vmem>> -> memref<4x2048xf32, #tpu.memory_space<vmem>>
      %parallel_loop3A_385 = tpu.vector_load_idx %parallel_loop3A_384[%broadcast_in_dim3A_9, %parallel_loop3A_343] : memref<4x2048xf32, #tpu.memory_space<vmem>>[vector<16xi32>, vector<16xi32>], vector<16xf32>,
      %parallel_loop3A_386 = arith.constant 1 : i32
      %parallel_loop3A_387 = arith.constant 3 : i32
      %parallel_loop3A_388 = arith.index_cast %parallel_loop3A_386 : i32 to index
      %parallel_loop3A_389 = arith.index_cast %parallel_loop3A_387 : i32 to index
      %parallel_loop3A_390 = arith.index_cast %parallel_loop3A_341 : i32 to index
      %parallel_loop3A_391 = tpu.vector_load %arg7[%parallel_loop3A_388, %parallel_loop3A_389, %parallel_loop3A_390] {strides = array<i32>} : memref<6x4x2048xf32, #tpu.memory_space<vmem>>, vector<16xf32>,
      tpu.vector_store %arg7[%parallel_loop3A_388, %parallel_loop3A_389, %parallel_loop3A_390], %parallel_loop3A_385 {strides = array<i32>} : memref<6x4x2048xf32, #tpu.memory_space<vmem>>, vector<16xf32>,
    } {sc.loop_unroll_factor = 2 : i64, sc.parallel_access}
    %add3A_215 = arith.constant 508 : i32
    %add3A_216 = arith.addi %mul3A_2, %add3A_215 : i32
    %dma_start3A_217 = arith.constant 1 : i32
    %dma_start3A_218 = arith.constant 1 : i32
    %dma_start3A_219 = arith.constant 0 : i32
    %dma_start3A_220 = arith.constant 0 : i32
    %dma_start3A_221 = tpu.memref_slice %arg7[%dma_start3A_217, %dma_start3A_219, %dma_start3A_220] : memref<6x4x2048xf32, #tpu.memory_space<vmem>> -> memref<1x4x2048xf32, #tpu.memory_space<vmem>>
    %dma_start3A_222 = tpu.memref_squeeze %dma_start3A_221 : memref<1x4x2048xf32, #tpu.memory_space<vmem>> -> memref<4x2048xf32, #tpu.memory_space<vmem>>
    %dma_start3A_223 = arith.constant 0 : i32
    %dma_start3A_224 = tpu.memref_slice %arg4[%add3A_216, %dma_start3A_223] : memref<16384x2048xf32, #tpu.memory_space<hbm>> -> memref<4x2048xf32, #tpu.memory_space<hbm>>
    %dma_start3A_225 = tpu.memref_slice %arg9[%dma_start3A_218] : memref<6x!tpu.dma_semaphore, #tpu.memory_space<semaphore_mem>> -> memref<1x!tpu.dma_semaphore, #tpu.memory_space<semaphore_mem>>
    %dma_start3A_226 = tpu.memref_squeeze %dma_start3A_225 : memref<1x!tpu.dma_semaphore, #tpu.memory_space<semaphore_mem>> -> memref<!tpu.dma_semaphore, #tpu.memory_space<semaphore_mem>>
    %dma_start3A_227 = arith.constant 0 : i32
    %dma_start3A_228 = tpu.memref_slice %arg4[%add3A_216, %dma_start3A_227] : memref<16384x2048xf32, #tpu.memory_space<hbm>> -> memref<4x2048xf32, #tpu.memory_space<hbm>>
    %dma_start3A_229 = arith.constant 0 : i32
    %dma_start3A_230 = arith.constant 0 : i32
    %dma_start3A_231 = tpu.memref_slice %arg7[%dma_start3A_217, %dma_start3A_229, %dma_start3A_230] : memref<6x4x2048xf32, #tpu.memory_space<vmem>> -> memref<1x4x2048xf32, #tpu.memory_space<vmem>>
    %dma_start3A_232 = tpu.memref_squeeze %dma_start3A_231 : memref<1x4x2048xf32, #tpu.memory_space<vmem>> -> memref<4x2048xf32, #tpu.memory_space<vmem>>
    tpu.enqueue_dma source(%dma_start3A_232 : memref<4x2048xf32, #tpu.memory_space<vmem>>) target(%dma_start3A_228 : memref<4x2048xf32, #tpu.memory_space<hbm>>) target_semaphore(%dma_start3A_226 : memref<!tpu.dma_semaphore, #tpu.memory_space<semaphore_mem>>)
    %add3A_233 = arith.constant 488 : i32
    %add3A_234 = arith.addi %mul3A_2, %add3A_233 : i32
    %dma_wait3A_235 = arith.constant 2 : i32
    %dma_wait3A_236 = arith.constant 2 : i32
    %dma_wait3A_237 = arith.constant 0 : i32
    %dma_wait3A_238 = arith.constant 0 : i32
    %dma_wait3A_239 = tpu.memref_slice %arg7[%dma_wait3A_235, %dma_wait3A_237, %dma_wait3A_238] : memref<6x4x2048xf32, #tpu.memory_space<vmem>> -> memref<1x4x2048xf32, #tpu.memory_space<vmem>>
    %dma_wait3A_240 = tpu.memref_squeeze %dma_wait3A_239 : memref<1x4x2048xf32, #tpu.memory_space<vmem>> -> memref<4x2048xf32, #tpu.memory_space<vmem>>
    %dma_wait3A_241 = arith.constant 0 : i32
    %dma_wait3A_242 = tpu.memref_slice %arg4[%add3A_234, %dma_wait3A_241] : memref<16384x2048xf32, #tpu.memory_space<hbm>> -> memref<4x2048xf32, #tpu.memory_space<hbm>>
    %dma_wait3A_243 = tpu.memref_slice %arg9[%dma_wait3A_236] : memref<6x!tpu.dma_semaphore, #tpu.memory_space<semaphore_mem>> -> memref<1x!tpu.dma_semaphore, #tpu.memory_space<semaphore_mem>>
    %dma_wait3A_244 = tpu.memref_squeeze %dma_wait3A_243 : memref<1x!tpu.dma_semaphore, #tpu.memory_space<semaphore_mem>> -> memref<!tpu.dma_semaphore, #tpu.memory_space<semaphore_mem>>
    %dma_wait3A_245 = arith.constant 0 : i32
    %dma_wait3A_246 = tpu.memref_slice %arg4[%add3A_234, %dma_wait3A_245] : memref<16384x2048xf32, #tpu.memory_space<hbm>> -> memref<4x2048xf32, #tpu.memory_space<hbm>>
    %dma_wait3A_247 = arith.constant 0 : i32
    %dma_wait3A_248 = arith.constant 0 : i32
    %dma_wait3A_249 = tpu.memref_slice %arg7[%dma_wait3A_235, %dma_wait3A_247, %dma_wait3A_248] : memref<6x4x2048xf32, #tpu.memory_space<vmem>> -> memref<1x4x2048xf32, #tpu.memory_space<vmem>>
    %dma_wait3A_250 = tpu.memref_squeeze %dma_wait3A_249 : memref<1x4x2048xf32, #tpu.memory_space<vmem>> -> memref<4x2048xf32, #tpu.memory_space<vmem>>
    tpu.wait_dma2 semaphore(%dma_wait3A_244 : memref<!tpu.dma_semaphore, #tpu.memory_space<semaphore_mem>>) src(%dma_wait3A_250 : memref<4x2048xf32, #tpu.memory_space<vmem>>) dst(%dma_wait3A_246 : memref<4x2048xf32, #tpu.memory_space<hbm>>)
    %add3A_251 = arith.constant 492 : i32
    %add3A_252 = arith.addi %mul3A_2, %add3A_251 : i32
    %dma_wait3A_253 = arith.constant 3 : i32
    %dma_wait3A_254 = arith.constant 3 : i32
    %dma_wait3A_255 = arith.constant 0 : i32
    %dma_wait3A_256 = arith.constant 0 : i32
    %dma_wait3A_257 = tpu.memref_slice %arg7[%dma_wait3A_253, %dma_wait3A_255, %dma_wait3A_256] : memref<6x4x2048xf32, #tpu.memory_space<vmem>> -> memref<1x4x2048xf32, #tpu.memory_space<vmem>>
    %dma_wait3A_258 = tpu.memref_squeeze %dma_wait3A_257 : memref<1x4x2048xf32, #tpu.memory_space<vmem>> -> memref<4x2048xf32, #tpu.memory_space<vmem>>
    %dma_wait3A_259 = arith.constant 0 : i32
    %dma_wait3A_260 = tpu.memref_slice %arg4[%add3A_252, %dma_wait3A_259] : memref<16384x2048xf32, #tpu.memory_space<hbm>> -> memref<4x2048xf32, #tpu.memory_space<hbm>>
    %dma_wait3A_261 = tpu.memref_slice %arg9[%dma_wait3A_254] : memref<6x!tpu.dma_semaphore, #tpu.memory_space<semaphore_mem>> -> memref<1x!tpu.dma_semaphore, #tpu.memory_space<semaphore_mem>>
    %dma_wait3A_262 = tpu.memref_squeeze %dma_wait3A_261 : memref<1x!tpu.dma_semaphore, #tpu.memory_space<semaphore_mem>> -> memref<!tpu.dma_semaphore, #tpu.memory_space<semaphore_mem>>
    %dma_wait3A_263 = arith.constant 0 : i32
    %dma_wait3A_264 = tpu.memref_slice %arg4[%add3A_252, %dma_wait3A_263] : memref<16384x2048xf32, #tpu.memory_space<hbm>> -> memref<4x2048xf32, #tpu.memory_space<hbm>>
    %dma_wait3A_265 = arith.constant 0 : i32
    %dma_wait3A_266 = arith.constant 0 : i32
    %dma_wait3A_267 = tpu.memref_slice %arg7[%dma_wait3A_253, %dma_wait3A_265, %dma_wait3A_266] : memref<6x4x2048xf32, #tpu.memory_space<vmem>> -> memref<1x4x2048xf32, #tpu.memory_space<vmem>>
    %dma_wait3A_268 = tpu.memref_squeeze %dma_wait3A_267 : memref<1x4x2048xf32, #tpu.memory_space<vmem>> -> memref<4x2048xf32, #tpu.memory_space<vmem>>
    tpu.wait_dma2 semaphore(%dma_wait3A_262 : memref<!tpu.dma_semaphore, #tpu.memory_space<semaphore_mem>>) src(%dma_wait3A_268 : memref<4x2048xf32, #tpu.memory_space<vmem>>) dst(%dma_wait3A_264 : memref<4x2048xf32, #tpu.memory_space<hbm>>)
    %add3A_269 = arith.constant 496 : i32
    %add3A_270 = arith.addi %mul3A_2, %add3A_269 : i32
    %dma_wait3A_271 = arith.constant 4 : i32
    %dma_wait3A_272 = arith.constant 4 : i32
    %dma_wait3A_273 = arith.constant 0 : i32
    %dma_wait3A_274 = arith.constant 0 : i32
    %dma_wait3A_275 = tpu.memref_slice %arg7[%dma_wait3A_271, %dma_wait3A_273, %dma_wait3A_274] : memref<6x4x2048xf32, #tpu.memory_space<vmem>> -> memref<1x4x2048xf32, #tpu.memory_space<vmem>>
    %dma_wait3A_276 = tpu.memref_squeeze %dma_wait3A_275 : memref<1x4x2048xf32, #tpu.memory_space<vmem>> -> memref<4x2048xf32, #tpu.memory_space<vmem>>
    %dma_wait3A_277 = arith.constant 0 : i32
    %dma_wait3A_278 = tpu.memref_slice %arg4[%add3A_270, %dma_wait3A_277] : memref<16384x2048xf32, #tpu.memory_space<hbm>> -> memref<4x2048xf32, #tpu.memory_space<hbm>>
    %dma_wait3A_279 = tpu.memref_slice %arg9[%dma_wait3A_272] : memref<6x!tpu.dma_semaphore, #tpu.memory_space<semaphore_mem>> -> memref<1x!tpu.dma_semaphore, #tpu.memory_space<semaphore_mem>>
    %dma_wait3A_280 = tpu.memref_squeeze %dma_wait3A_279 : memref<1x!tpu.dma_semaphore, #tpu.memory_space<semaphore_mem>> -> memref<!tpu.dma_semaphore, #tpu.memory_space<semaphore_mem>>
    %dma_wait3A_281 = arith.constant 0 : i32
    %dma_wait3A_282 = tpu.memref_slice %arg4[%add3A_270, %dma_wait3A_281] : memref<16384x2048xf32, #tpu.memory_space<hbm>> -> memref<4x2048xf32, #tpu.memory_space<hbm>>
    %dma_wait3A_283 = arith.constant 0 : i32
    %dma_wait3A_284 = arith.constant 0 : i32
    %dma_wait3A_285 = tpu.memref_slice %arg7[%dma_wait3A_271, %dma_wait3A_283, %dma_wait3A_284] : memref<6x4x2048xf32, #tpu.memory_space<vmem>> -> memref<1x4x2048xf32, #tpu.memory_space<vmem>>
    %dma_wait3A_286 = tpu.memref_squeeze %dma_wait3A_285 : memref<1x4x2048xf32, #tpu.memory_space<vmem>> -> memref<4x2048xf32, #tpu.memory_space<vmem>>
    tpu.wait_dma2 semaphore(%dma_wait3A_280 : memref<!tpu.dma_semaphore, #tpu.memory_space<semaphore_mem>>) src(%dma_wait3A_286 : memref<4x2048xf32, #tpu.memory_space<vmem>>) dst(%dma_wait3A_282 : memref<4x2048xf32, #tpu.memory_space<hbm>>)
    %add3A_287 = arith.constant 500 : i32
    %add3A_288 = arith.addi %mul3A_2, %add3A_287 : i32
    %dma_wait3A_289 = arith.constant 5 : i32
    %dma_wait3A_290 = arith.constant 5 : i32
    %dma_wait3A_291 = arith.constant 0 : i32
    %dma_wait3A_292 = arith.constant 0 : i32
    %dma_wait3A_293 = tpu.memref_slice %arg7[%dma_wait3A_289, %dma_wait3A_291, %dma_wait3A_292] : memref<6x4x2048xf32, #tpu.memory_space<vmem>> -> memref<1x4x2048xf32, #tpu.memory_space<vmem>>
    %dma_wait3A_294 = tpu.memref_squeeze %dma_wait3A_293 : memref<1x4x2048xf32, #tpu.memory_space<vmem>> -> memref<4x2048xf32, #tpu.memory_space<vmem>>
    %dma_wait3A_295 = arith.constant 0 : i32
    %dma_wait3A_296 = tpu.memref_slice %arg4[%add3A_288, %dma_wait3A_295] : memref<16384x2048xf32, #tpu.memory_space<hbm>> -> memref<4x2048xf32, #tpu.memory_space<hbm>>
    %dma_wait3A_297 = tpu.memref_slice %arg9[%dma_wait3A_290] : memref<6x!tpu.dma_semaphore, #tpu.memory_space<semaphore_mem>> -> memref<1x!tpu.dma_semaphore, #tpu.memory_space<semaphore_mem>>
    %dma_wait3A_298 = tpu.memref_squeeze %dma_wait3A_297 : memref<1x!tpu.dma_semaphore, #tpu.memory_space<semaphore_mem>> -> memref<!tpu.dma_semaphore, #tpu.memory_space<semaphore_mem>>
    %dma_wait3A_299 = arith.constant 0 : i32
    %dma_wait3A_300 = tpu.memref_slice %arg4[%add3A_288, %dma_wait3A_299] : memref<16384x2048xf32, #tpu.memory_space<hbm>> -> memref<4x2048xf32, #tpu.memory_space<hbm>>
    %dma_wait3A_301 = arith.constant 0 : i32
    %dma_wait3A_302 = arith.constant 0 : i32
    %dma_wait3A_303 = tpu.memref_slice %arg7[%dma_wait3A_289, %dma_wait3A_301, %dma_wait3A_302] : memref<6x4x2048xf32, #tpu.memory_space<vmem>> -> memref<1x4x2048xf32, #tpu.memory_space<vmem>>
    %dma_wait3A_304 = tpu.memref_squeeze %dma_wait3A_303 : memref<1x4x2048xf32, #tpu.memory_space<vmem>> -> memref<4x2048xf32, #tpu.memory_space<vmem>>
    tpu.wait_dma2 semaphore(%dma_wait3A_298 : memref<!tpu.dma_semaphore, #tpu.memory_space<semaphore_mem>>) src(%dma_wait3A_304 : memref<4x2048xf32, #tpu.memory_space<vmem>>) dst(%dma_wait3A_300 : memref<4x2048xf32, #tpu.memory_space<hbm>>)
    %add3A_305 = arith.constant 504 : i32
    %add3A_306 = arith.addi %mul3A_2, %add3A_305 : i32
    %dma_wait3A_307 = arith.constant 0 : i32
    %dma_wait3A_308 = arith.constant 0 : i32
    %dma_wait3A_309 = arith.constant 0 : i32
    %dma_wait3A_310 = arith.constant 0 : i32
    %dma_wait3A_311 = tpu.memref_slice %arg7[%dma_wait3A_307, %dma_wait3A_309, %dma_wait3A_310] : memref<6x4x2048xf32, #tpu.memory_space<vmem>> -> memref<1x4x2048xf32, #tpu.memory_space<vmem>>
    %dma_wait3A_312 = tpu.memref_squeeze %dma_wait3A_311 : memref<1x4x2048xf32, #tpu.memory_space<vmem>> -> memref<4x2048xf32, #tpu.memory_space<vmem>>
    %dma_wait3A_313 = arith.constant 0 : i32
    %dma_wait3A_314 = tpu.memref_slice %arg4[%add3A_306, %dma_wait3A_313] : memref<16384x2048xf32, #tpu.memory_space<hbm>> -> memref<4x2048xf32, #tpu.memory_space<hbm>>
    %dma_wait3A_315 = tpu.memref_slice %arg9[%dma_wait3A_308] : memref<6x!tpu.dma_semaphore, #tpu.memory_space<semaphore_mem>> -> memref<1x!tpu.dma_semaphore, #tpu.memory_space<semaphore_mem>>
    %dma_wait3A_316 = tpu.memref_squeeze %dma_wait3A_315 : memref<1x!tpu.dma_semaphore, #tpu.memory_space<semaphore_mem>> -> memref<!tpu.dma_semaphore, #tpu.memory_space<semaphore_mem>>
    %dma_wait3A_317 = arith.constant 0 : i32
    %dma_wait3A_318 = tpu.memref_slice %arg4[%add3A_306, %dma_wait3A_317] : memref<16384x2048xf32, #tpu.memory_space<hbm>> -> memref<4x2048xf32, #tpu.memory_space<hbm>>
    %dma_wait3A_319 = arith.constant 0 : i32
    %dma_wait3A_320 = arith.constant 0 : i32
    %dma_wait3A_321 = tpu.memref_slice %arg7[%dma_wait3A_307, %dma_wait3A_319, %dma_wait3A_320] : memref<6x4x2048xf32, #tpu.memory_space<vmem>> -> memref<1x4x2048xf32, #tpu.memory_space<vmem>>
    %dma_wait3A_322 = tpu.memref_squeeze %dma_wait3A_321 : memref<1x4x2048xf32, #tpu.memory_space<vmem>> -> memref<4x2048xf32, #tpu.memory_space<vmem>>
    tpu.wait_dma2 semaphore(%dma_wait3A_316 : memref<!tpu.dma_semaphore, #tpu.memory_space<semaphore_mem>>) src(%dma_wait3A_322 : memref<4x2048xf32, #tpu.memory_space<vmem>>) dst(%dma_wait3A_318 : memref<4x2048xf32, #tpu.memory_space<hbm>>)
    %add3A_323 = arith.constant 508 : i32
    %add3A_324 = arith.addi %mul3A_2, %add3A_323 : i32
    %dma_wait3A_325 = arith.constant 1 : i32
    %dma_wait3A_326 = arith.constant 1 : i32
    %dma_wait3A_327 = arith.constant 0 : i32
    %dma_wait3A_328 = arith.constant 0 : i32
    %dma_wait3A_329 = tpu.memref_slice %arg7[%dma_wait3A_325, %dma_wait3A_327, %dma_wait3A_328] : memref<6x4x2048xf32, #tpu.memory_space<vmem>> -> memref<1x4x2048xf32, #tpu.memory_space<vmem>>
    %dma_wait3A_330 = tpu.memref_squeeze %dma_wait3A_329 : memref<1x4x2048xf32, #tpu.memory_space<vmem>> -> memref<4x2048xf32, #tpu.memory_space<vmem>>
    %dma_wait3A_331 = arith.constant 0 : i32
    %dma_wait3A_332 = tpu.memref_slice %arg4[%add3A_324, %dma_wait3A_331] : memref<16384x2048xf32, #tpu.memory_space<hbm>> -> memref<4x2048xf32, #tpu.memory_space<hbm>>
    %dma_wait3A_333 = tpu.memref_slice %arg9[%dma_wait3A_326] : memref<6x!tpu.dma_semaphore, #tpu.memory_space<semaphore_mem>> -> memref<1x!tpu.dma_semaphore, #tpu.memory_space<semaphore_mem>>
    %dma_wait3A_334 = tpu.memref_squeeze %dma_wait3A_333 : memref<1x!tpu.dma_semaphore, #tpu.memory_space<semaphore_mem>> -> memref<!tpu.dma_semaphore, #tpu.memory_space<semaphore_mem>>
    %dma_wait3A_335 = arith.constant 0 : i32
    %dma_wait3A_336 = tpu.memref_slice %arg4[%add3A_324, %dma_wait3A_335] : memref<16384x2048xf32, #tpu.memory_space<hbm>> -> memref<4x2048xf32, #tpu.memory_space<hbm>>
    %dma_wait3A_337 = arith.constant 0 : i32
    %dma_wait3A_338 = arith.constant 0 : i32
    %dma_wait3A_339 = tpu.memref_slice %arg7[%dma_wait3A_325, %dma_wait3A_337, %dma_wait3A_338] : memref<6x4x2048xf32, #tpu.memory_space<vmem>> -> memref<1x4x2048xf32, #tpu.memory_space<vmem>>
    %dma_wait3A_340 = tpu.memref_squeeze %dma_wait3A_339 : memref<1x4x2048xf32, #tpu.memory_space<vmem>> -> memref<4x2048xf32, #tpu.memory_space<vmem>>
    tpu.wait_dma2 semaphore(%dma_wait3A_334 : memref<!tpu.dma_semaphore, #tpu.memory_space<semaphore_mem>>) src(%dma_wait3A_340 : memref<4x2048xf32, #tpu.memory_space<vmem>>) dst(%dma_wait3A_336 : memref<4x2048xf32, #tpu.memory_space<hbm>>)
    return
  }
}

</mosaic_0001>

<sc_bundles>
// kernel: kernel.3.cloned.1.call-start
scs
__scs_entry_jumppad:
0x0: {  	(pc) =	sbr.rel $0x88, $3  }
0x1: {  	(tag) =	ssettag $0x0;
	lr =	simm.s32 $0x1  }
0x2: {  	[smem:$0x3F9F] =	sst lr;
	_ =	strace $0xD0000000  }
0x3: {  	_ = 	snop  }
0x4: {  	_ = 	snop  }
0x5: {  	_ = 	snop  }
0x6: {  	_ = 	snop  }
0x7: {  	_ = 	snop  }
__scs_overlays_trampoline_lowered:
0x8: {  	[smem:$0x3FAE] =	sst s0  }
0x9: {  	[smem:$0x3FAF] =	sst s1  }
0xa: {  	[smem:$0x3FB0] =	sst s2  }
0xb: {  	[smem:$0x3FB1] =	sst s3  }
0xc: {  	[smem:$0x3FB2] =	sst s4  }
0xd: {  	[smem:$0x3FB3] =	sst s5  }
0xe: {  	[smem:$0x3FB4] =	sst s6  }
0xf: {  	[smem:$0x3FB5] =	sst s7  }
0x10: {  	[smem:$0x3FB6] =	sst s8  }
0x11: {  	[smem:$0x3FB7] =	sst s9;
	s0 =	simm.s32 @!p0 $0x0  }
0x12: {  	s1 =	sld [smem:$0x3F9D];
	s0 =	simm.s32 @p0 $0x1  }
0x13: {  	[smem:$0x3FB8] =	sst s0;
	s0 =	simm.s32 @!p1 $0x0  }
0x14: {  	s2 =	sld [smem:$0x3F9C];
	s0 =	simm.s32 @p1 $0x1  }
0x15: {  	[smem:$0x3FB9] =	sst s0;
	s0 =	simm.s32 @!p2 $0x0  }
0x16: {  	s3 =	sld [smem:$0x3FDB];
	s0 =	simm.s32 @p2 $0x1  }
0x17: {  	s4 =	simm.s32 $0x1BF5;
	[smem:$0x3FBB] =	sst s0  }
0x18: {  	s0 =	sld [smem:$0x3F9E];
	_ =	swait.ge [sflag:s4], $0x0  }
0x19: {  	s7 =	sld [smem:$0x3F9F]  }
0x1a: {  	s8 =	sadd.s32 $0xFFFFE003, lr  }
0x1b: {  	s9 =	sadd.s32 $0xFFFFFEF7, lr;
	s5 =	simm.s32 $0xFFFFFFFF;
	p2 =	slt.u32 s8, $0xFFFFF086  }
0x1c: {  	p1 =	slt.u32 s9, $0xF7A;
	s5 =	simm.s32 @!p2 $0x0  }
0x1d: {  	s5 =	simm.s32 @p1 $0x1;
	p0 =	seq.s32 s7, s2  }
0x1e: {  	s7 =	smul.u32 @!p0 $0xF7A, s2;
	p2 =	seq.s32 @!p0 s5, $0x0  }
0x1f: {  	s9 =	smul.u32 $0xF7A, s1;
	s8 =	simm.s32 @!p0 $0x1BF5;
	p2 =	por !p2, p0  }
0x20: {  	[sflag:s8] =	ssyncset.s32 @!p0 $0xFFFFF086;
	s6 =	sadd.s32 @!p0 s3, s7;
	s7 =	simm.s32 @!p0 $0x108  }
0x21: {  	s3 =	sadd.s32 s3, s9;
	s6 =	sadd.s32 @!p0 $0x88, s6;
	s7 =	simm.s32 @p2 $0x1082  }
0x22: {  	[simem:s7], [sflag:s8] =	dma.local @!p0 [hbm:s6], $0xF7A  }
0x23: {  	s9 =	sor.u32 $0xD0000000, s2;
	s6 =	simm.s32 $0x108;
	_ =	swait.ge @!p0 [sflag:s8], $0x0  }
0x24: {  	s3 =	sadd.s32 $0x88, s3;
	s6 =	simm.s32 @!p1 $0x1082;
	[sflag:s4] =	ssyncset.s32 $0xFFFFF086  }
0x25: {  	[simem:s6], [sflag:s4] =	dma.local [hbm:s3], $0xF7A  }
0x26: {  	[smem:$0x3F9F] =	sst s1;
	(tag) =	ssettag s2;
	_ =	strace s9  }
0x27: {  	s1 =	sld [smem:$0x3FAF]  }
0x28: {  	s2 =	sld [smem:$0x3FB0]  }
0x29: {  	s4 =	sld [smem:$0x3FB2]  }
0x2a: {  	p0 =	seq.s32 s5, $0x0;
	s5 =	sld [smem:$0x3FB3]  }
0x2b: {  	s6 =	sld [smem:$0x3FB4]  }
0x2c: {  	s7 =	sld [smem:$0x3FB5]  }
0x2d: {  	s3 =	simm.s32 $0x108;
	s8 =	sld [smem:$0x3FB6]  }
0x2e: {  	s3 =	simm.s32 @!p0 $0x1082;
	s9 =	sld [smem:$0x3FB7]  }
0x2f: {  	lr =	sadd.s32 s0, s3;
	s0 =	sld [smem:$0x3FAE]  }
0x30: {  	s3 =	sld [smem:$0x3FB1]  }
0x31: {  	[smem:$0x3FBA] =	sst s10  }
0x32: {  	s10 =	sld [smem:$0x3FB8];
	_ =	sdelay $0x3  }
0x33: {  	p0 =	seq.s32 s10, $0x1;
	s10 =	sld [smem:$0x3FBA];
	_ =	sdelay $0x3  }
0x34: {  	[smem:$0x3FBA] =	sst s10  }
0x35: {  	s10 =	sld [smem:$0x3FB9];
	_ =	sdelay $0x3  }
0x36: {  	p1 =	seq.s32 s10, $0x1;
	s10 =	sld [smem:$0x3FBA];
	_ =	sdelay $0x3  }
0x37: {  	[smem:$0x3FBA] =	sst s10  }
0x38: {  	s10 =	sld [smem:$0x3FBB]  }
0x39: {  	_ = 	snop;
	(pc) =	sbr.ind lr, $3  }
0x3a: {  	_ = 	snop  }
0x3b: {  	_ = 	snop  }
0x3c: {  	p2 =	seq.s32 s10, $0x1;
	s10 =	sld [smem:$0x3FBA]  }
0x3d: {  	_ =	shalt  }
0x3e: {  	_ =	shalt  }
0x3f: {  	_ =	shalt  }
0x40: {  	_ =	shalt  }
0x41: {  	_ =	shalt  }
0x42: {  	_ =	shalt  }
0x43: {  	_ =	shalt  }
0x44: {  	_ =	shalt  }
0x45: {  	_ =	shalt  }
0x46: {  	_ =	shalt  }
0x47: {  	_ =	shalt  }
0x48: {  	_ =	shalt  }
0x49: {  	_ =	shalt  }
0x4a: {  	_ =	shalt  }
0x4b: {  	_ =	shalt  }
0x4c: {  	_ =	shalt  }
0x4d: {  	_ =	shalt  }
0x4e: {  	_ =	shalt  }
0x4f: {  	_ =	shalt  }
0x50: {  	_ =	shalt  }
0x51: {  	_ =	shalt  }
0x52: {  	_ =	shalt  }
0x53: {  	_ =	shalt  }
0x54: {  	_ =	shalt  }
0x55: {  	_ =	shalt  }
0x56: {  	_ =	shalt  }
0x57: {  	_ =	shalt  }
0x58: {  	_ =	shalt  }
0x59: {  	_ =	shalt  }
0x5a: {  	_ =	shalt  }
0x5b: {  	_ =	shalt  }
0x5c: {  	_ =	shalt  }
0x5d: {  	_ =	shalt  }
0x5e: {  	_ =	shalt  }
0x5f: {  	_ =	shalt  }
0x60: {  	_ =	shalt  }
0x61: {  	_ =	shalt  }
0x62: {  	_ =	shalt  }
0x63: {  	_ =	shalt  }
0x64: {  	_ =	shalt  }
0x65: {  	_ =	shalt  }
0x66: {  	_ =	shalt  }
0x67: {  	_ =	shalt  }
0x68: {  	_ =	shalt  }
0x69: {  	_ =	shalt  }
0x6a: {  	_ =	shalt  }
0x6b: {  	_ =	shalt  }
0x6c: {  	_ =	shalt  }
0x6d: {  	_ =	shalt  }
0x6e: {  	_ =	shalt  }
0x6f: {  	_ =	shalt  }
0x70: {  	_ =	shalt  }
0x71: {  	_ =	shalt  }
0x72: {  	_ =	shalt  }
0x73: {  	_ =	shalt  }
0x74: {  	_ =	shalt  }
0x75: {  	_ =	shalt  }
0x76: {  	_ =	shalt  }
0x77: {  	_ =	shalt  }
0x78: {  	_ =	shalt  }
0x79: {  	_ =	shalt  }
0x7a: {  	_ =	shalt  }
0x7b: {  	_ =	shalt  }
0x7c: {  	_ =	shalt  }
0x7d: {  	_ =	shalt  }
0x7e: {  	_ =	shalt  }
0x7f: {  	_ =	shalt  }
0x80: {  	_ =	shalt  }
0x81: {  	_ =	shalt  }
0x82: {  	_ =	shalt  }
0x83: {  	_ =	shalt  }
0x84: {  	_ =	shalt  }
0x85: {  	_ =	shalt  }
0x86: {  	_ =	shalt  }
0x87: {  	_ =	shalt  }
.Lfunc_end0:
.L_simem_size_0:
called_computation_lowered:
.L_overlay_start_0:
0x88: {  	s2 =	sld [smem:$0x3FD9]  }
0x89: {  	s3 =	sld [smem:$0x3FFE];
	_ =	sdelay $0x1  }
0x8a: {  	s1 =	srdreg.scid  }
0x8b: {  	s0 =	sand.u32 $0x1, s1  }
0x8c: {  	s18 =	sshll.u32 s0, $0xA;
	s2 =	sadd.s32 s3, s2  }
0x8d: {  	s2 =	sadd.s32 s2, s18  }
0x8e: {  	[smem:$0x3FC6] =	sst s2  }
0x8f: {  	_ = 	snop  }
0x90: {  	s2 =	sld [smem:$0x3FC9]  }
0x91: {  	s19 =	sld [smem:$0x3FC8]  }
0x92: {  	s4 =	sld [smem:$0x3FD0];
	(tm) =	ssettm $0x1  }
0x93: {  	s5 =	sld [smem:$0x3FFB];
	_ =	sdelay $0x3  }
0x94: {  	_ =	strace s5  }
0x95: {  	s5 =	sld [smem:$0x3FFC];
	_ =	sdelay $0x3  }
0x96: {  	_ =	strace s5  }
0x97: {  	s5 =	sld [smem:$0x3FFD];
	_ =	sdelay $0x3  }
0x98: {  	_ =	strace s5  }
0x99: {  	_ =	strace $0x8FFFFFFF  }
0x9a: {  	s20 =	sld [smem:$0x3FDB];
	_ =	sdelay $0x1  }
0x9b: {  	s6 =	simm.s32 $_scs_section_size  }
0x9c: {  	s7 =	simm.s32 $_size__tile_overlayer_lowered;
	s8 =	simm.s32 $_tile_overlayer_lowered  }
0x9d: {  	s23 =	simm.s32 $0x1BFF;
	s22 =	sshll.u32 s8, $0x1;
	s5 =	sadd.s32 s6, s20  }
0x9e: {  	s9 =	simm.s32 $0x0;
	s21 =	sshll.u32 s7, $0x1;
	s7 =	sadd.s32 s22, s5  }
0x9f: {  	[timem:s9], [sflag:s23] =	dma.local [hbm:s7], s21  }
0xa0: {  	_ =	swait.ge [sflag:s23], s21  }
0xa1: {  	s6 =	ssub.s32 $0x0, s21;
	[sflag:s23] =	ssyncset.done $0x0  }
0xa2: {  	[sflag:s23] =	ssyncadd.s32 s6;
	_ =	sdelay $0x1  }
0xa3: {  	s24 =	simm.s32 $0x1B8B  }
0xa4: {  	_ =	swait.ge [sflag:s24], $0x1  }
0xa5: {  	[sflag:s24] =	ssyncset.done $0x0  }
0xa6: {  	s25 =	simm.s32 $0x1B8E;
	[sflag:s24] =	ssyncadd.s32 $0xFFFFFFFF  }
0xa7: {  	s26 =	simm.s32 $execute0_lowered;
	[smem:$0x3FD2] =	sst s25  }
0xa8: {  	s6 =	sshll.u32 s26, $0x1;
	_ =	strace $0x80000046;
	[dreg:$0x1] =	wrdreg $0xFFFFFFFF  }
0xa9: {  	s28 =	simm.s32 $_size_execute0_lowered;
	s5 =	sadd.s32 s5, s6;
	[dreg:$0x0] =	wrdreg $0x0  }
0xaa: {  	s6 =	sshll.u32 s28, $0x1;
	[dreg:$0x2] =	wrdreg s5  }
0xab: {  	[dreg:$0x3] =	wrdreg s6  }
0xac: {  	[dreg:$0x4] =	wrdreg $0xC0  }
0xad: {  	_ =	task [dreg:s9], $0x5FFFF  }
0xae: {  	[dreg:$0x1] =	wrdreg $0xFFFFFFFF  }
0xaf: {  	[dreg:$0x0] =	wrdreg $0x60  }
0xb0: {  	[dreg:$0x2] =	wrdreg s2  }
0xb1: {  	[dreg:$0x3] =	wrdreg s19  }
0xb2: {  	[dreg:$0x4] =	wrdreg s4  }
0xb3: {  	[dreg:$0x5] =	wrdreg $0x9  }
0xb4: {  	_ =	task.clear_ibuf [dreg:s9], $0x6FFFF;
	_ =	strace $0x90000046  }
0xb5: {  	s29 =	simm.s32 $0x9;
	_ =	strace $0x80000048  }
0xb6: {  	_ =	swait.ge [sflag:s29], $0x1  }
0xb7: {  	[sflag:s29] =	ssyncadd.s32 $0xFFFFFFFF  }
0xb8: {  	_ =	strace $0x90000048  }
0xb9: {  	_ =	sfence  }
0xba: {  	s30 =	sld [smem:$0x0];
	_ =	sdelay $0x2  }
0xbb: {  	s31 =	sshll.u32 s1, $0xD;
	s1 =	sshrl.u32 s1, $0x2  }
0xbc: {  	s3 =	sand.u32 $0x4000, s31;
	s1 =	sadd.s32 s1, s30  }
0xbd: {  	s0 =	sor.u32 s3, s0;
	s1 =	sshll.u32 s1, $0x11  }
0xbe: {  	s0 =	sor.u32 s1, s0  }
0xbf: {  	s0 =	sadd.s32 $0x8F2B, s0  }
0xc0: {  	[sflag:s0] =	ssyncadd.remote.s32 $0x1  }
0xc1: {  	_ =	sfence.sel $0xFFFF  }
0xc2: {  	[dreg:$0x0] =	wrdreg $0xFFFFFFFF;
	(pc) =	sbr.abs _section_cstart, $3  }
0xc3: {  	[dreg:$0x1] =	wrdreg $0xFFFFFFFF  }
0xc4: {  	_ =	task.clear_ibuf [dreg:s9], $0x2FFFF;
	_ =	strace $0x9FFFFFFF  }
0xc5: {  	(tm) =	ssettm $0x7FFFFFFF  }
tec
execute0_lowered:
.L_overlay_start_1:
0x0: {  	(tag) =	ssettag $0x1  }
0x1: {  	s6 =	rddreg [dreg:$0x0]  }
0x2: {  	s3 =	rddreg [dreg:$0x2]  }
0x3: {  	s0 =	srdreg.scid;
	s1 =	stileid.u32  }
0x4: {  	s4 =	simm.s32 $0x0;
	s0 =	sand.u32 $0x1, s0;
	s1 =	sshll.u32 s1, $0xA  }
0x5: {  	[smem:$0x7FF] =	sst s4;
	s23 =	sadd.s32 $0x40, s6;
	s21 =	sadd.s32 $0x40, s3  }
0x6: {  	s2 =	sshll.u32 s0, $0x9;
	_ =	strace $0x80000047;
	[dreg:$0xd] =	wrdreg s21  }
0x7: {  	[dreg:$0x6] =	wrdreg s23;
	s13 =	sor.u32 s2, s1  }
0x8: {  	s22 =	sor.u32 $0x8, s13;
	[dreg:$0x4] =	wrdreg s13  }
0x9: {  	s1 =	sshll.u32 s13, $0x8;
	s25 =	sor.u32 $0x10, s13;
	[dreg:$0xe] =	wrdreg s22  }
0xa: {  	s28 =	simm.s32 $0x4800;
	s15 =	sadd.s32 s1, s23;
	[dreg:$0x10] =	wrdreg s25  }
0xb: {  	s19 =	sshll.u32 s13, $0xB;
	s5 =	sadd.s32 s6, s1;
	[dreg:$0x7] =	wrdreg s15  }
0xc: {  	s0 =	ssub.s32 $0x2, s0;
	s20 =	sor.u32 $0xC000, s19;
	[dreg:$0x5] =	wrdreg s5  }
0xd: {  	s14 =	sshrl.u32 s0, $0x1;
	s24 =	sor.u32 $0x10000, s19;
	[dreg:$0xc] =	wrdreg s20  }
0xe: {  	s0 =	ssub.s32 s0, s14;
	s2 =	sor.u32 $0x14000, s19;
	[dreg:$0xf] =	wrdreg s24  }
0xf: {  	s29 =	simm.s32 $0x6800;
	s0 =	smax.u32 s0, $0x1;
	[dreg:$0x11] =	wrdreg s2  }
0x10: {  	s30 =	simm.s32 $0x8800;
	s16 =	sadd.s32 $0x800, s5;
	[dreg:$0x14] =	wrdreg s0  }
0x11: {  	s31 =	simm.s32 $0xA800;
	s17 =	sadd.s32 $0x840, s5;
	[dreg:$0x8] =	wrdreg s16  }
0x12: {  	s1 =	sadd.s32 s1, s3;
	s18 =	sadd.s32 $0x1000, s5;
	[dreg:$0x9] =	wrdreg s17  }
0x13: {  	s25 =	simm.s32 $0x800;
	s5 =	sadd.s32 $0x1040, s5;
	[dreg:$0xa] =	wrdreg s18  }
0x14: {  	s26 =	sadd.s32 $0x1F800, s1;
	s1 =	sadd.s32 $0x1F840, s1;
	[dreg:$0xb] =	wrdreg s5  }
0x15: {  	s20 =	simm.s32 $0x200;
	s24 =	simm.s32 $0x400;
	[dreg:$0x12] =	wrdreg s26  }
0x16: {  	s2 =	simm.s32 $0x0;
	[dreg:$0x13] =	wrdreg s1;
	s26 =	simm.s32 $0x2800  }
.LBB2_1:
0x17: {  	[dreg:$0x15] =	wrdreg s2  }
0x18: {  	s0 =	rddreg [dreg:$0x1];
	s1 =	simm.s32 $0x0  }
0x19: {  	[tilespmem:s1], [sflag:$0xD] =	stream.linear.gather [hbm4b:s0+s1], $0x800, $0x38;
	[tilespmem:$0x18800] =	vst v63  }
0x1a: {  	s16 =	rddreg [dreg:$0x5]  }
0x1b: {  	[tilespmem:s25], [sflag:$0x1] =	stream.strided.gather [hbm4b:s16+s20], $0x2000, s24, s20, $0x38;
	[tilespmem:$0x18800] =	vst v63  }
0x1c: {  	s17 =	rddreg [dreg:$0x7]  }
0x1d: {  	[tilespmem:s26], [sflag:$0x2] =	stream.strided.gather [hbm4b:s17+s20], $0x2000, s24, s20, $0x38;
	[tilespmem:$0x18800] =	vst v63  }
0x1e: {  	s18 =	rddreg [dreg:$0x8]  }
0x1f: {  	[tilespmem:s28], [sflag:$0x3] =	stream.strided.gather [hbm4b:s18+s20], $0x2000, s24, s20, $0x38;
	[tilespmem:$0x18800] =	vst v63  }
0x20: {  	s19 =	rddreg [dreg:$0x9]  }
0x21: {  	[tilespmem:s29], [sflag:$0x4] =	stream.strided.gather [hbm4b:s19+s20], $0x2000, s24, s20, $0x38;
	[tilespmem:$0x18800] =	vst v63  }
0x22: {  	s21 =	rddreg [dreg:$0xa]  }
0x23: {  	[tilespmem:s30], [sflag:$0x5] =	stream.strided.gather [hbm4b:s21+s20], $0x2000, s24, s20, $0x38;
	[tilespmem:$0x18800] =	vst v63  }
0x24: {  	s22 =	rddreg [dreg:$0xb];
	s23 =	simm.s32 $0xD  }
0x25: {  	[tilespmem:s31], [sflag:$0x6] =	stream.strided.gather [hbm4b:s22+s20], $0x2000, s24, s20, $0x38;
	[tilespmem:$0x18800] =	vst v63  }
0x26: {  	_ =	swait.ge [sflag:s23], $0x800  }
0x27: {  	[sflag:s23] =	ssyncset.done $0x0  }
0x28: {  	s1 =	simm.s32 $0x0;
	[sflag:s23] =	ssyncadd.s32 $0xFFFFF800  }
.LBB2_2:
0x29: {  	[dreg:$0x16] =	wrdreg s1;
	s0 =	simm.s32 $0x1  }
0x2a: {  	_ =	swait.ge [sflag:s0], $0x2000  }
0x2b: {  	p0 =	seq.s32 s1, $0x0;
	[sflag:s0] =	ssyncset.done $0x0  }
0x2c: {  	s16 =	simm.s32 $0x0;
	[sflag:s0] =	ssyncadd.s32 $0xFFFFE000;
	s0 =	simm.s32 @!p0 $0x7  }
0x2d: {  	s2 =	simm.s32 $0x20;
	s3 =	sand.u32 $0x60, s16;
	_ =	swait.ge @!p0 [sflag:s0], $0x2000  }
0x2e: {  	s1 =	sand.u32 $0x780, s16;
	s5 =	sor.u32 $0x10, s3;
	[sflag:s0] =	ssyncset.done @!p0 $0x0  }
0x2f: {  	s17 =	sor.u32 s5, s1;
	s1 =	sand.u32 $0x60, s2;
	[sflag:s0] =	ssyncadd.s32 @!p0 $0xFFFFE000  }
0x30: {  	s2 =	sand.u32 $0x780, s2;
	s18 =	sor.u32 $0x10, s1;
	v0 =	vld [tilespmem:s17+$0x0]  }
0x31: {  	s2 =	sor.u32 s18, s2  }
0x32: {  	v1 =	vld [tilespmem:s2+$0x0];
	_ =	sdelay $0x2  }
0x33: {  	v2 =	vshll.u32 v0, $0x2  }
0x34: {  	v0 =	vand.u32 $0x7F, v0;
	v2 =	vand.u32 $0xFFFFFE00, v2  }
0x35: {  	s6 =	simm.s32 $0x40;
	v0 =	vor.u32 v0, v2;
	v2 =	vshll.u32 v1, $0x2  }
0x36: {  	s2 =	sand.u32 $0x60, s6;
	v1 =	vand.u32 $0x7F, v1;
	v2 =	vand.u32 $0xFFFFFE00, v2  }
0x37: {  	s7 =	simm.s32 $0x0;
	s6 =	sand.u32 $0x780, s6;
	s4 =	sor.u32 $0x10, s2;
	v2 =	vor.u32 v1, v2  }
0x38: {  	s6 =	sor.u32 s4, s6;
	v1 =	vld [tilespmem:s7+$0x0]  }
0x39: {  	v3 =	vld [tilespmem:s6+$0x0]  }
0x3a: {  	v4 =	vld.idx.msk [tilespmem:v0+s25+$0x0], $0xffff  }
0x3b: {  	s19 =	simm.s32 $0x0;
	v5 =	vor.u32 $0x80, v0  }
0x3c: {  	s21 =	sand.u32 $0x1E00, s19;
	v6 =	vld.idx.msk [tilespmem:v2+s25+$0x0], $0xffff  }
0x3d: {  	s8 =	simm.s32 $0x80;
	s7 =	sadd.s32 $0xC800, s21;
	v8 =	vor.u32 $0x80, v2;
	v7 =	vshll.u32 v1, $0x2  }
0x3e: {  	s22 =	sand.u32 $0x1E00, s8;
	v9 =	vshll.u32 v3, $0x2;
	s11 =	sor.u32 s5, s7;
	v1 =	vand.u32 $0x7F, v1;
	v7 =	vand.u32 $0xFFFFFE00, v7  }
0x3f: {  	s23 =	simm.s32 $0x60;
	s13 =	sadd.s32 $0xC800, s22;
	[tilespmem:s11+$0x0] =	vst v4;
	v4 =	vor.u32 v1, v7;
	v1 =	vand.u32 $0x7F, v3;
	v3 =	vand.u32 $0xFFFFFE00, v9  }
0x40: {  	s9 =	simm.s32 $0x20;
	s14 =	sor.u32 s18, s13;
	s5 =	sand.u32 $0x60, s23;
	v5 =	vld.idx.msk [tilespmem:v5+s25+$0x0], $0xffff;
	v3 =	vor.u32 v1, v3  }
0x41: {  	s10 =	sand.u32 $0x780, s23;
	v1 =	vld [tilespmem:s9+$0x0];
	s9 =	sor.u32 $0x10, s5;
	[tilespmem:s14+$0x0] =	vst v6  }
0x42: {  	v6 =	vor.u32 $0x100, v0;
	s0 =	sor.u32 s9, s10;
	v7 =	vld.idx.msk [tilespmem:v8+s25+$0x0], $0xffff  }
0x43: {  	v9 =	vor.u32 $0x100, v2;
	v8 =	vld [tilespmem:s0+$0x0]  }
0x44: {  	v10 =	vld.idx.msk [tilespmem:v4+s25+$0x0], $0xffff  }
0x45: {  	v11 =	vor.u32 $0x80, v4;
	v12 =	vld.idx.msk [tilespmem:v3+s25+$0x0], $0xffff  }
0x46: {  	s0 =	simm.s32 $0x100;
	[tilespmem:s11+$0x80] =	vst v5;
	v5 =	vor.u32 $0x80, v3  }
0x47: {  	s15 =	simm.s32 $0x80;
	v0 =	vor.u32 $0x180, v0;
	s12 =	sand.u32 $0x1E00, s0;
	v13 =	vshll.u32 v1, $0x2;
	v6 =	vld.idx.msk [tilespmem:v6+s25+$0x0], $0xffff;
	[tilespmem:s14+$0x80] =	vst v7  }
0x48: {  	s16 =	simm.s32 $0x40;
	s8 =	sor.u32 s3, s7;
	s10 =	sadd.s32 $0xC800, s12;
	v1 =	vand.u32 $0x7F, v1;
	v7 =	vand.u32 $0xFFFFFE00, v13;
	v13 =	vshll.u32 v8, $0x2;
	v9 =	vld.idx.msk [tilespmem:v9+s25+$0x0], $0xffff  }
0x49: {  	s3 =	sand.u32 $0x60, s15;
	s12 =	sor.u32 s4, s10;
	v7 =	vor.u32 v1, v7;
	v1 =	vand.u32 $0x7F, v8;
	v8 =	vand.u32 $0xFFFFFE00, v13;
	v13 =	vld [tilespmem:s16+$0x0];
	[tilespmem:s8+$0x0] =	vst v10  }
0x4a: {  	s17 =	sand.u32 $0x780, s15;
	s4 =	sor.u32 $0x10, s3;
	v1 =	vor.u32 v1, v8;
	[tilespmem:s12+$0x0] =	vst v12;
	v8 =	vld.idx.msk [tilespmem:v11+s25+$0x0], $0xffff  }
0x4b: {  	s7 =	sor.u32 s4, s17;
	v5 =	vld.idx.msk [tilespmem:v5+s25+$0x0], $0xffff  }
0x4c: {  	v2 =	vor.u32 $0x180, v2;
	[tilespmem:s11+$0x100] =	vst v6;
	v6 =	vld [tilespmem:s7+$0x0]  }
0x4d: {  	v10 =	vor.u32 $0x100, v4;
	v11 =	vld.idx.msk [tilespmem:v0+s25+$0x0], $0xffff  }
0x4e: {  	s6 =	sand.u32 $0x3, s19;
	v0 =	vor.u32 $0x100, v3;
	v12 =	vld.idx.msk [tilespmem:v7+s25+$0x0], $0xffff  }
0x4f: {  	s19 =	simm.s32 $0x1;
	s18 =	sshll.u32 s6, $0x5;
	s6 =	simm.s32 $0x180;
	v15 =	vld.idx.msk [tilespmem:v1+s25+$0x0], $0xffff  }
0x50: {  	s22 =	sand.u32 $0x1E00, s6;
	s16 =	sor.u32 s1, s13;
	s1 =	sand.u32 $0x3, s19;
	[tilespmem:s14+$0x100] =	vst v9  }
0x51: {  	s23 =	simm.s32 $0x60;
	v14 =	vor.u32 $0x80, v7;
	s1 =	sshll.u32 s1, $0x5;
	v16 =	vor.u32 $0x80, v1;
	s7 =	simm.s32 $0xA0;
	v9 =	vshll.u32 v13, $0x2;
	v2 =	vld.idx.msk [tilespmem:v2+s25+$0x0], $0xffff;
	[tilespmem:s8+$0x80] =	vst v8  }
0x52: {  	s13 =	sand.u32 $0x60, s7;
	s14 =	sadd.s32 $0x0, s18;
	s18 =	sadd.s32 $0xC800, s22;
	v9 =	vand.u32 $0xFFFFFE00, v9;
	v8 =	vand.u32 $0x7F, v13;
	v13 =	vshll.u32 v6, $0x2;
	[tilespmem:s12+$0x80] =	vst v5;
	v5 =	vld.idx.msk [tilespmem:v10+s25+$0x0], $0xffff  }
0x53: {  	s19 =	sor.u32 $0x10, s13;
	s17 =	sor.u32 s9, s18;
	s9 =	sand.u32 $0x780, s7;
	v9 =	vor.u32 v8, v9;
	v6 =	vand.u32 $0x7F, v6;
	v8 =	vand.u32 $0xFFFFFE00, v13;
	v17 =	vld.idx.msk [tilespmem:v0+s25+$0x0], $0xffff;
	[tilespmem:s16+$0x0] =	vst v12  }
0x54: {  	s15 =	sadd.s32 $0x80, s1;
	s21 =	sadd.s32 $0x10, s14;
	s1 =	sor.u32 s19, s9;
	v0 =	vor.u32 v6, v8;
	v6 =	vld [tilespmem:s23+$0x0];
	[tilespmem:s17+$0x0] =	vst v15  }
0x55: {  	s22 =	sor.u32 $0x180, s21;
	s21 =	sadd.s32 $0x10, s15;
	v13 =	vld [tilespmem:s1+$0x0];
	v12 =	vor.u32 $0x180, v3;
	s11 =	rddreg [dreg:$0x16]  }
0x56: {  	s23 =	sor.u32 $0x180, s21;
	v14 =	vld.idx.msk [tilespmem:v14+s25+$0x0], $0xffff;
	v15 =	vor.u32 $0x180, v4;
	[tilespmem:s22+$0xC800] =	vst v11;
	s22 =	smul.u32 $0x18, s11  }
0x57: {  	v19 =	vor.u32 $0x100, v7;
	v18 =	vld.idx.msk [tilespmem:v16+s25+$0x0], $0xffff;
	[tilespmem:s23+$0xC800] =	vst v2  }
0x58: {  	v3 =	vor.u32 $0x100, v9;
	v4 =	vor.u32 $0x180, v7;
	v10 =	vld.idx.msk [tilespmem:v9+s25+$0x0], $0xffff;
	[dreg:$0x18] =	wrdreg s22  }
0x59: {  	s9 =	sor.u32 s2, s10;
	s10 =	sor.u32 $0x180, s14;
	v7 =	vor.u32 $0x80, v9;
	v16 =	vor.u32 $0x100, v1;
	s21 =	rddreg [dreg:$0x4];
	v11 =	vshll.u32 v6, $0x2;
	v8 =	vld.idx.msk [tilespmem:v0+s25+$0x0], $0xffff;
	[tilespmem:s12+$0x100] =	vst v17  }
0x5a: {  	s14 =	sor.u32 s5, s18;
	s2 =	simm.s32 $0x2;
	s18 =	simm.s32 $0x200;
	v2 =	vor.u32 $0x180, v9;
	[tilespmem:s8+$0x100] =	vst v5;
	v5 =	vand.u32 $0x7F, v6;
	v6 =	vand.u32 $0xFFFFFE00, v11;
	v9 =	vld.idx.msk [tilespmem:v12+s25+$0x0], $0xffff  }
0x5b: {  	s23 =	sand.u32 $0x3, s2;
	s1 =	sadd.s32 s21, s22;
	s22 =	sor.u32 $0x180, s15;
	[tilespmem:s16+$0x80] =	vst v14;
	v17 =	vshll.u32 v13, $0x2;
	v6 =	vor.u32 v5, v6;
	v14 =	vld.idx.msk [tilespmem:v15+s25+$0x0], $0xffff  }
0x5c: {  	s15 =	sshll.u32 s23, $0x5;
	s8 =	simm.s32 $0x80;
	s12 =	sand.u32 $0x1E00, s18;
	v12 =	vor.u32 $0x80, v0;
	[tilespmem:s17+$0x80] =	vst v18;
	v15 =	vld.idx.msk [tilespmem:v19+s25+$0x0], $0xffff;
	v11 =	vor.u32 $0x80, v6;
	v5 =	vor.u32 $0x100, v6  }
.LBB2_3:
0x5d: {  	s7 =	sadd.s32 $0x20, s7;
	s5 =	sadd.s32 $0xC800, s12  }
0x5e: {  	v13 =	vand.u32 $0x7F, v13;
	v17 =	vand.u32 $0xFFFFFE00, v17;
	v18 =	vor.u32 $0x180, v6;
	v19 =	vld.idx.msk [tilespmem:v16+s25+$0x0], $0xffff;
	s12 =	sadd.s32 s15, s0;
	s0 =	smov.u32 s6;
	s6 =	smov.u32 s18  }
0x5f: {  	s15 =	sand.u32 $0x60, s7;
	v17 =	vor.u32 v13, v17;
	v20 =	vld [tilespmem:s8+$0x0];
	s8 =	sor.u32 s4, s5;
	[tilespmem:s9+$0x0] =	vst v10;
	s4 =	sadd.s32 $0x10, s12  }
0x60: {  	v21 =	vor.u32 $0x180, v1;
	v1 =	vmovc v0;
	s23 =	sand.u32 $0x780, s7;
	s21 =	sor.u32 $0x10, s15;
	[tilespmem:s8+$0x0] =	vst v8;
	v22 =	vld.idx.msk [tilespmem:v7+s25+$0x0], $0xffff;
	s4 =	sor.u32 $0x180, s4;
	v0 =	vmov v17;
	v7 =	vmov v11  }
0x61: {  	s5 =	sor.u32 s3, s5;
	s12 =	sor.u32 $0x180, s12;
	s23 =	sor.u32 s21, s23;
	v23 =	vld.idx.msk [tilespmem:v12+s25+$0x0], $0xffff;
	[tilespmem:s4+$0xC800] =	vst v9  }
0x62: {  	p1 =	slt.u32 s7, $0x7E0;
	s3 =	smov.u32 s13;
	s13 =	smov.u32 s15;
	v13 =	vld [tilespmem:s23+$0x0];
	[tilespmem:s10+$0xC800] =	vst v14  }
.Ltmp0:
0x63: {  	v16 =	vor.u32 $0x100, v1;
	s4 =	smov.u32 s19;
	s19 =	smov.u32 s21;
	v10 =	vld.idx.msk [tilespmem:v6+s25+$0x0], $0xffff;
	[tilespmem:s16+$0x100] =	vst v15;
	(pc) =	sbr.rel @p1 .LBB2_3-.Ltmp0, $4  }
0x64: {  	s16 =	smov.u32 s9;
	s9 =	smov.u32 s14;
	v8 =	vld.idx.msk [tilespmem:v17+s25+$0x0], $0xffff;
	v6 =	vand.u32 $0x7F, v20;
	v9 =	vshll.u32 v20, $0x2;
	[tilespmem:s17+$0x100] =	vst v19;
	s17 =	smov.u32 s8  }
0x65: {  	s2 =	sadd.s32 $0x1, s2;
	s10 =	smov.u32 s22;
	s14 =	smov.u32 s5;
	v11 =	vand.u32 $0xFFFFFE00, v9;
	v9 =	vld.idx.msk [tilespmem:v21+s25+$0x0], $0xffff  }
0x66: {  	s18 =	sadd.s32 $0x80, s18;
	v12 =	vor.u32 $0x80, v0;
	s22 =	smov.u32 s12;
	s5 =	sand.u32 $0x3, s2;
	v6 =	vor.u32 v6, v11;
	[tilespmem:s16+$0x80] =	vst v22;
	v14 =	vld.idx.msk [tilespmem:v4+s25+$0x0], $0xffff;
	v4 =	vmovc v2;
	v2 =	vmov v18  }
0x67: {  	s12 =	sand.u32 $0x1E00, s18;
	s8 =	sshra.s32 s18, $0x2;
	s15 =	sshll.u32 s5, $0x5;
	v17 =	vshll.u32 v13, $0x2;
	v11 =	vor.u32 $0x80, v6;
	[tilespmem:s17+$0x80] =	vst v23;
	v15 =	vld.idx.msk [tilespmem:v3+s25+$0x0], $0xffff;
	v3 =	vmovc v5;
	v5 =	vor.u32 $0x100, v6  }
0x68: {  	s5 =	sadd.s32 $0x80, s18  }
0x69: {  	v18 =	vld [tilespmem:s8+$0x0];
	s7 =	sshra.s32 s5, $0x2  }
0x6a: {  	v19 =	vld [tilespmem:s7+$0x0];
	_ =	sdelay $0x2  }
0x6b: {  	v13 =	vand.u32 $0x7F, v13;
	v17 =	vand.u32 $0xFFFFFE00, v17  }
0x6c: {  	v13 =	vor.u32 v13, v17;
	v17 =	vshll.u32 v18, $0x2  }
0x6d: {  	s21 =	sadd.s32 $0xC800, s12;
	s0 =	sadd.s32 s15, s0;
	v18 =	vand.u32 $0x7F, v18;
	v17 =	vand.u32 $0xFFFFFE00, v17;
	v20 =	vshll.u32 v19, $0x2  }
0x6e: {  	[tilespmem:s9+$0x0] =	vst v10;
	v16 =	vld.idx.msk [tilespmem:v16+s25+$0x0], $0xffff;
	s4 =	sor.u32 s4, s21;
	s23 =	sadd.s32 $0x10, s0;
	v10 =	vor.u32 v18, v17;
	v17 =	vand.u32 $0x7F, v19;
	v18 =	vand.u32 $0xFFFFFE00, v20  }
0x6f: {  	v7 =	vld.idx.msk [tilespmem:v7+s25+$0x0], $0xffff;
	[tilespmem:s4+$0x0] =	vst v8;
	s8 =	sor.u32 $0x180, s23;
	v8 =	vor.u32 v17, v18  }
0x70: {  	v1 =	vor.u32 $0x180, v1;
	v12 =	vld.idx.msk [tilespmem:v12+s25+$0x0], $0xffff;
	[tilespmem:s8+$0xC800] =	vst v9  }
0x71: {  	[tilespmem:s10+$0xC800] =	vst v14;
	v14 =	vld.idx.msk [tilespmem:v6+s25+$0x0], $0xffff  }
0x72: {  	[tilespmem:s16+$0x100] =	vst v15;
	v9 =	vld.idx.msk [tilespmem:v13+s25+$0x0], $0xffff  }
0x73: {  	v15 =	vor.u32 $0x80, v13;
	[tilespmem:s17+$0x100] =	vst v16;
	v16 =	vld.idx.msk [tilespmem:v10+s25+$0x0], $0xffff  }
0x74: {  	s2 =	sadd.s32 $0x1, s2;
	s10 =	sand.u32 $0x1E00, s5;
	[tilespmem:s9+$0x80] =	vst v7;
	v7 =	vor.u32 $0x80, v10;
	v17 =	vld.idx.msk [tilespmem:v8+s25+$0x0], $0xffff  }
0x75: {  	s12 =	sand.u32 $0x3, s2;
	s8 =	sadd.s32 $0xC800, s10;
	v1 =	vld.idx.msk [tilespmem:v1+s25+$0x0], $0xffff;
	[tilespmem:s4+$0x80] =	vst v12;
	v12 =	vor.u32 $0x80, v8  }
0x76: {  	s10 =	sshll.u32 s12, $0x5;
	s15 =	sor.u32 s19, s8;
	v4 =	vld.idx.msk [tilespmem:v4+s25+$0x0], $0xffff;
	[tilespmem:s14+$0x0] =	vst v14;
	v18 =	vor.u32 $0x100, v0  }
0x77: {  	s3 =	sor.u32 s3, s21;
	s6 =	sadd.s32 s10, s6;
	v11 =	vld.idx.msk [tilespmem:v11+s25+$0x0], $0xffff;
	[tilespmem:s15+$0x0] =	vst v9  }
0x78: {  	s8 =	sor.u32 s13, s8;
	s16 =	sadd.s32 $0x10, s6;
	v9 =	vld.idx.msk [tilespmem:v15+s25+$0x0], $0xffff;
	[tilespmem:s3+$0x0] =	vst v16  }
0x79: {  	s7 =	sor.u32 $0x180, s16;
	v14 =	vor.u32 $0x100, v13;
	v7 =	vld.idx.msk [tilespmem:v7+s25+$0x0], $0xffff;
	[tilespmem:s8+$0x0] =	vst v17  }
0x7a: {  	[tilespmem:s7+$0xC800] =	vst v1;
	v15 =	vor.u32 $0x100, v10;
	v1 =	vld.idx.msk [tilespmem:v12+s25+$0x0], $0xffff  }
0x7b: {  	[tilespmem:s22+$0xC800] =	vst v4;
	v4 =	vor.u32 $0x100, v8;
	v12 =	vld.idx.msk [tilespmem:v18+s25+$0x0], $0xffff  }
0x7c: {  	v3 =	vld.idx.msk [tilespmem:v3+s25+$0x0], $0xffff;
	v0 =	vor.u32 $0x180, v0;
	[tilespmem:s14+$0x80] =	vst v11  }
0x7d: {  	v5 =	vld.idx.msk [tilespmem:v5+s25+$0x0], $0xffff;
	[tilespmem:s15+$0x80] =	vst v9  }
0x7e: {  	v6 =	vor.u32 $0x180, v6;
	v9 =	vld.idx.msk [tilespmem:v14+s25+$0x0], $0xffff;
	[tilespmem:s3+$0x80] =	vst v7  }
0x7f: {  	v11 =	vor.u32 $0x180, v13;
	v7 =	vld.idx.msk [tilespmem:v15+s25+$0x0], $0xffff;
	[tilespmem:s8+$0x80] =	vst v1  }
0x80: {  	s2 =	sadd.s32 $0x1, s2;
	v1 =	vor.u32 $0x180, v10;
	[tilespmem:s4+$0x100] =	vst v12;
	v4 =	vld.idx.msk [tilespmem:v4+s25+$0x0], $0xffff  }
0x81: {  	s17 =	sand.u32 $0x3, s2;
	[tilespmem:s9+$0x100] =	vst v3;
	v3 =	vor.u32 $0x180, v8;
	v0 =	vld.idx.msk [tilespmem:v0+s25+$0x0], $0xffff  }
0x82: {  	v2 =	vld.idx.msk [tilespmem:v2+s25+$0x0], $0xffff;
	[tilespmem:s14+$0x100] =	vst v5;
	s4 =	sshll.u32 s17, $0x5  }
0x83: {  	s2 =	sadd.s32 $0x1, s2;
	v6 =	vld.idx.msk [tilespmem:v6+s25+$0x0], $0xffff;
	[tilespmem:s15+$0x100] =	vst v9;
	s4 =	sadd.s32 s4, s18  }
0x84: {  	s2 =	sand.u32 $0x3, s2;
	v5 =	vld.idx.msk [tilespmem:v11+s25+$0x0], $0xffff;
	s18 =	sadd.s32 $0x10, s4;
	[tilespmem:s3+$0x100] =	vst v7  }
0x85: {  	s2 =	sshll.u32 s2, $0x5;
	s19 =	sor.u32 $0x180, s18;
	v1 =	vld.idx.msk [tilespmem:v1+s25+$0x0], $0xffff;
	[tilespmem:s8+$0x100] =	vst v4  }
0x86: {  	s0 =	sor.u32 $0x180, s0;
	s2 =	sadd.s32 s2, s5;
	[tilespmem:s19+$0xC800] =	vst v0;
	v0 =	vld.idx.msk [tilespmem:v3+s25+$0x0], $0xffff  }
0x87: {  	s23 =	sor.u32 $0x180, s6;
	s21 =	sadd.s32 $0x10, s2;
	[tilespmem:s0+$0xC800] =	vst v2  }
0x88: {  	s22 =	sor.u32 $0x180, s21;
	[tilespmem:s23+$0xC800] =	vst v6  }
0x89: {  	s5 =	sor.u32 $0x180, s4;
	[tilespmem:s22+$0xC800] =	vst v5  }
0x8a: {  	s6 =	rddreg [dreg:$0x2];
	s2 =	sor.u32 $0x180, s2;
	s3 =	sshll.u32 s1, $0x8;
	[tilespmem:s5+$0xC800] =	vst v1  }
0x8b: {  	s7 =	smul.u32 $0xC000, s11;
	s0 =	sadd.s32 s6, s3;
	s8 =	simm.s32 $0xC800;
	[tilespmem:s2+$0xC800] =	vst v0  }
0x8c: {  	[hbm4b:s0+s20] =	stream.strided.scatter [tilespmem:s8], [sflag:$0x7], $0x2000, s24, s20, $0x38;
	[tilespmem:$0x18800] =	vst v63  }
0x8d: {  	s9 =	rddreg [dreg:$0xc]  }
0x8e: {  	s0 =	sadd.s32 s9, s7  }
0x8f: {  	s10 =	rddreg [dreg:$0x0];
	s9 =	sshrl.u32 s0, $0x3  }
0x90: {  	s11 =	simm.s32 $0x2;
	[dreg:$0x17] =	wrdreg s7;
	s0 =	sadd.s32 s10, s9  }
0x91: {  	[tilespmem:s25], [sflag:$0x1] =	stream.strided.gather [hbm4b:s0+s20], $0x2000, s24, s20, $0x38;
	[tilespmem:$0x18800] =	vst v63  }
0x92: {  	_ =	swait.ge [sflag:s11], $0x2000  }
0x93: {  	[sflag:s11] =	ssyncset.done $0x0  }
0x94: {  	s12 =	simm.s32 $0x0;
	s0 =	simm.s32 @!p0 $0x8;
	[sflag:s11] =	ssyncadd.s32 $0xFFFFE000  }
0x95: {  	s7 =	sand.u32 $0x60, s12;
	_ =	swait.ge @!p0 [sflag:s0], $0x2000  }
0x96: {  	s1 =	sand.u32 $0x780, s12;
	s10 =	sor.u32 $0x10, s7;
	[sflag:s0] =	ssyncset.done @!p0 $0x0  }
0x97: {  	s13 =	sor.u32 s10, s1;
	[sflag:s0] =	ssyncadd.s32 @!p0 $0xFFFFE000  }
0x98: {  	v0 =	vld [tilespmem:s13+$0x0];
	_ =	sdelay $0x3  }
0x99: {  	s14 =	simm.s32 $0x20  }
0x9a: {  	s4 =	sand.u32 $0x60, s14;
	v1 =	vshll.u32 v0, $0x2  }
0x9b: {  	s2 =	sor.u32 $0x10, s4;
	s0 =	sand.u32 $0x780, s14;
	v0 =	vand.u32 $0x7F, v0;
	v1 =	vand.u32 $0xFFFFFE00, v1  }
0x9c: {  	s0 =	sor.u32 s2, s0;
	v1 =	vor.u32 v0, v1  }
0x9d: {  	v0 =	vld [tilespmem:s0+$0x0];
	_ =	sdelay $0x3  }
0x9e: {  	s15 =	simm.s32 $0x0;
	v2 =	vld.idx.msk [tilespmem:v1+s26+$0x0], $0xffff  }
0x9f: {  	s16 =	simm.s32 $0x0;
	s17 =	simm.s32 $0x40;
	v5 =	vld [tilespmem:s15+$0x0];
	v3 =	vor.u32 $0x80, v1;
	v4 =	vshll.u32 v0, $0x2  }
0xa0: {  	s5 =	sand.u32 $0x1E00, s16;
	s1 =	sand.u32 $0x60, s17;
	v0 =	vand.u32 $0x7F, v0;
	v4 =	vand.u32 $0xFFFFFE00, v4  }
0xa1: {  	s18 =	sadd.s32 $0xE800, s5;
	s16 =	sor.u32 $0x10, s1;
	s0 =	sand.u32 $0x780, s17;
	v4 =	vor.u32 v0, v4  }
0xa2: {  	s19 =	sor.u32 s10, s18;
	s0 =	sor.u32 s16, s0  }
0xa3: {  	v0 =	vld [tilespmem:s0+$0x0];
	[tilespmem:s19+$0x0] =	vst v2  }
0xa4: {  	v2 =	vld.idx.msk [tilespmem:v3+s26+$0x0], $0xffff;
	v3 =	vshll.u32 v5, $0x2  }
0xa5: {  	v6 =	vor.u32 $0x100, v1;
	v5 =	vand.u32 $0x7F, v5;
	v3 =	vand.u32 $0xFFFFFE00, v3  }
0xa6: {  	v7 =	vld.idx.msk [tilespmem:v4+s26+$0x0], $0xffff;
	v3 =	vor.u32 v5, v3  }
0xa7: {  	s12 =	sadd.s32 $0xE880, s5;
	s20 =	simm.s32 $0x80;
	v5 =	vor.u32 $0x80, v4  }
0xa8: {  	s21 =	simm.s32 $0x20;
	s22 =	sor.u32 s10, s12;
	s15 =	sand.u32 $0x1E00, s20  }
0xa9: {  	v9 =	vld [tilespmem:s21+$0x0];
	s17 =	sadd.s32 $0xE800, s15;
	v8 =	vshll.u32 v0, $0x2;
	[tilespmem:s22+$0x0] =	vst v2  }
0xaa: {  	s24 =	sor.u32 s2, s17;
	v0 =	vand.u32 $0x7F, v0;
	v2 =	vand.u32 $0xFFFFFE00, v8;
	v6 =	vld.idx.msk [tilespmem:v6+s26+$0x0], $0xffff  }
0xab: {  	s23 =	simm.s32 $0x60;
	v0 =	vor.u32 v0, v2;
	[tilespmem:s24+$0x0] =	vst v7;
	v2 =	vld.idx.msk [tilespmem:v3+s26+$0x0], $0xffff  }
0xac: {  	s6 =	sand.u32 $0x60, s23;
	v7 =	vor.u32 $0x80, v3;
	v5 =	vld.idx.msk [tilespmem:v5+s26+$0x0], $0xffff  }
0xad: {  	s14 =	sor.u32 $0x10, s6;
	s0 =	sand.u32 $0x780, s23;
	v11 =	vor.u32 $0x100, v4;
	s19 =	sadd.s32 $0xE900, s5  }
0xae: {  	v10 =	vshll.u32 v9, $0x2;
	s0 =	sor.u32 s14, s0;
	s11 =	sor.u32 s10, s19  }
0xaf: {  	s8 =	sor.u32 s7, s18;
	v9 =	vand.u32 $0x7F, v9;
	v10 =	vand.u32 $0xFFFFFE00, v10;
	v1 =	vor.u32 $0x180, v1;
	s23 =	sadd.s32 $0xE880, s15;
	v8 =	vld [tilespmem:s0+$0x0];
	[tilespmem:s11+$0x0] =	vst v6  }
0xb0: {  	v12 =	vor.u32 v9, v10;
	s13 =	sor.u32 s2, s23;
	v6 =	vld.idx.msk [tilespmem:v0+s26+$0x0], $0xffff;
	[tilespmem:s8+$0x0] =	vst v2  }
0xb1: {  	[tilespmem:s13+$0x0] =	vst v5;
	v7 =	vld.idx.msk [tilespmem:v7+s26+$0x0], $0xffff  }
0xb2: {  	s18 =	simm.s32 $0x100;
	s20 =	simm.s32 $0x40;
	s21 =	simm.s32 $0x80;
	v2 =	vor.u32 $0x80, v0;
	v9 =	vld.idx.msk [tilespmem:v11+s26+$0x0], $0xffff  }
0xb3: {  	s0 =	sand.u32 $0x1E00, s18;
	s18 =	sand.u32 $0x60, s21;
	v5 =	vor.u32 $0x100, v3;
	v11 =	vld [tilespmem:s20+$0x0]  }
0xb4: {  	v4 =	vor.u32 $0x180, v4;
	s24 =	sadd.s32 $0xE800, s0;
	s11 =	sand.u32 $0x780, s21;
	v13 =	vld.idx.msk [tilespmem:v1+s26+$0x0], $0xffff;
	v1 =	vshll.u32 v8, $0x2;
	s13 =	sor.u32 $0x10, s18  }
0xb5: {  	v14 =	vld.idx.msk [tilespmem:v12+s26+$0x0], $0xffff;
	s22 =	sor.u32 s16, s24;
	v8 =	vand.u32 $0x7F, v8;
	v1 =	vand.u32 $0xFFFFFE00, v1;
	s8 =	sor.u32 s13, s11  }
0xb6: {  	s12 =	sor.u32 s7, s12;
	v1 =	vor.u32 v8, v1;
	v8 =	vld [tilespmem:s8+$0x0];
	[tilespmem:s22+$0x0] =	vst v6;
	s22 =	sadd.s32 $0xE900, s15  }
0xb7: {  	v6 =	vor.u32 $0x80, v12;
	v2 =	vld.idx.msk [tilespmem:v2+s26+$0x0], $0xffff;
	[tilespmem:s12+$0x0] =	vst v7;
	s12 =	sor.u32 s2, s22  }
0xb8: {  	v17 =	vor.u32 $0x100, v0;
	s11 =	sor.u32 s4, s17;
	s20 =	sor.u32 s7, s19;
	s19 =	sadd.s32 $0xE980, s5;
	v16 =	vld.idx.msk [tilespmem:v5+s26+$0x0], $0xffff;
	[tilespmem:s12+$0x0] =	vst v9;
	v5 =	vshll.u32 v11, $0x2  }
0xb9: {  	s5 =	sor.u32 s4, s23;
	s23 =	simm.s32 $0x60;
	s10 =	sor.u32 s10, s19;
	v10 =	vld.idx.msk [tilespmem:v4+s26+$0x0], $0xffff;
	v4 =	vand.u32 $0x7F, v11;
	v5 =	vand.u32 $0xFFFFFE00, v5  }
0xba: {  	[tilespmem:s11+$0x0] =	vst v14;
	s8 =	simm.s32 $0x180;
	v15 =	vld [tilespmem:s23+$0x0];
	s12 =	sor.u32 s7, s19;
	s19 =	sadd.s32 $0xE880, s0;
	v14 =	vor.u32 v4, v5  }
0xbb: {  	s17 =	sor.u32 s4, s22;
	[tilespmem:s10+$0x0] =	vst v13;
	v13 =	vor.u32 $0x80, v1;
	v7 =	vor.u32 $0x180, v3;
	s7 =	sor.u32 s1, s24;
	v9 =	vld.idx.msk [tilespmem:v1+s26+$0x0], $0xffff;
	s22 =	sor.u32 s16, s19  }
0xbc: {  	v3 =	vor.u32 $0x100, v12;
	s24 =	sadd.s32 $0xE980, s15;
	s10 =	sor.u32 s1, s19;
	s19 =	sand.u32 $0x1E00, s8;
	v11 =	vld.idx.msk [tilespmem:v6+s26+$0x0], $0xffff;
	[tilespmem:s22+$0x0] =	vst v2;
	v2 =	vor.u32 $0x180, v12;
	v5 =	vor.u32 $0x80, v14  }
0xbd: {  	s4 =	sor.u32 s4, s24;
	s2 =	sor.u32 s2, s24;
	s15 =	sadd.s32 $0xE800, s19;
	v6 =	vor.u32 $0x100, v14;
	v4 =	vor.u32 $0x180, v14;
	v12 =	vld.idx.msk [tilespmem:v17+s26+$0x0], $0xffff;
	[tilespmem:s20+$0x0] =	vst v16;
	v16 =	vshll.u32 v8, $0x2  }
.LBB2_5:
0xbe: {  	s21 =	sadd.s32 $0x20, s21;
	s11 =	sor.u32 s6, s15;
	s15 =	sor.u32 s14, s15  }
0xbf: {  	v8 =	vand.u32 $0x7F, v8;
	v16 =	vand.u32 $0xFFFFFE00, v16;
	v17 =	vld.idx.msk [tilespmem:v14+s26+$0x0], $0xffff;
	v14 =	vor.u32 $0x180, v0;
	[tilespmem:s2+$0x0] =	vst v10;
	v0 =	vmovc v1;
	s2 =	smov.u32 s1;
	s1 =	smov.u32 s6;
	s6 =	smov.u32 s18  }
0xc0: {  	s20 =	smov.u32 s16;
	s18 =	sand.u32 $0x60, s21;
	p1 =	slt.u32 s21, $0x7E0;
	v1 =	vor.u32 v8, v16;
	[tilespmem:s15+$0x0] =	vst v9;
	v16 =	vld.idx.msk [tilespmem:v7+s26+$0x0], $0xffff;
	v7 =	vmov v2;
	v2 =	vmov v4  }
0xc1: {  	s22 =	sadd.s32 $0xE900, s0;
	s16 =	sand.u32 $0x780, s21;
	s15 =	sor.u32 $0x10, s18;
	v18 =	vld.idx.msk [tilespmem:v13+s26+$0x0], $0xffff;
	[tilespmem:s5+$0x0] =	vst v11  }
0xc2: {  	s23 =	sor.u32 s2, s22;
	s5 =	sor.u32 s15, s16;
	s16 =	sor.u32 s20, s22;
	v19 =	vld.idx.msk [tilespmem:v3+s26+$0x0], $0xffff;
	v3 =	vmov v6  }
0xc3: {  	v8 =	vld [tilespmem:s5+$0x0];
	v4 =	vand.u32 $0x7F, v15;
	v6 =	vshll.u32 v15, $0x2;
	v15 =	vor.u32 $0x100, v0;
	[tilespmem:s16+$0x0] =	vst v12;
	s16 =	smov.u32 s14;
	s14 =	smov.u32 s13;
	s13 =	smov.u32 s15  }
0xc4: {  	s15 =	smov.u32 s17;
	s17 =	smov.u32 s23;
	s5 =	smov.u32 s10;
	v6 =	vand.u32 $0xFFFFFE00, v6;
	v10 =	vld.idx.msk [tilespmem:v14+s26+$0x0], $0xffff  }
.Ltmp1:
0xc5: {  	s22 =	sadd.s32 $0xE880, s19;
	v9 =	vld.idx.msk [tilespmem:v1+s26+$0x0], $0xffff;
	v14 =	vor.u32 v4, v6;
	[tilespmem:s7+$0x0] =	vst v17;
	s7 =	smov.u32 s11;
	(pc) =	sbr.rel @p1 .LBB2_5-.Ltmp1, $4  }
0xc6: {  	s10 =	sor.u32 s1, s22;
	s11 =	sor.u32 s16, s22;
	s22 =	smov.u32 s0;
	v6 =	vor.u32 $0x100, v14;
	v4 =	vor.u32 $0x180, v14;
	v11 =	vld.idx.msk [tilespmem:v5+s26+$0x0], $0xffff;
	v5 =	vor.u32 $0x80, v14;
	[tilespmem:s12+$0x0] =	vst v16  }
0xc7: {  	s8 =	sadd.s32 $0x80, s8;
	v13 =	vor.u32 $0x80, v1;
	s0 =	smov.u32 s19;
	s12 =	smov.u32 s4;
	[tilespmem:s11+$0x0] =	vst v18  }
0xc8: {  	s19 =	sand.u32 $0x1E00, s8;
	s4 =	sshra.s32 s8, $0x2;
	s11 =	sadd.s32 $0xE980, s22;
	v12 =	vld.idx.msk [tilespmem:v15+s26+$0x0], $0xffff;
	[tilespmem:s15+$0x0] =	vst v19  }
0xc9: {  	v16 =	vshll.u32 v8, $0x2;
	s15 =	sadd.s32 $0xE800, s19;
	v15 =	vld [tilespmem:s4+$0x0];
	s4 =	sor.u32 s2, s11;
	s2 =	sor.u32 s20, s11  }
0xca: {  	s8 =	sadd.s32 $0x80, s8  }
0xcb: {  	s11 =	sshra.s32 s8, $0x2  }
0xcc: {  	v17 =	vld [tilespmem:s11+$0x0];
	_ =	sdelay $0x2  }
0xcd: {  	v8 =	vand.u32 $0x7F, v8;
	v16 =	vand.u32 $0xFFFFFE00, v16  }
0xce: {  	v8 =	vor.u32 v8, v16;
	v16 =	vshll.u32 v15, $0x2  }
0xcf: {  	v15 =	vand.u32 $0x7F, v15;
	v16 =	vand.u32 $0xFFFFFE00, v16;
	v18 =	vshll.u32 v17, $0x2  }
0xd0: {  	v15 =	vor.u32 v15, v16;
	v16 =	vand.u32 $0x7F, v17;
	v17 =	vand.u32 $0xFFFFFE00, v18  }
0xd1: {  	v16 =	vor.u32 v16, v17  }
0xd2: {  	v14 =	vld.idx.msk [tilespmem:v14+s26+$0x0], $0xffff  }
0xd3: {  	s24 =	sor.u32 s14, s15;
	[tilespmem:s2+$0x0] =	vst v10;
	v7 =	vld.idx.msk [tilespmem:v7+s26+$0x0], $0xffff  }
0xd4: {  	[tilespmem:s24+$0x0] =	vst v9;
	s11 =	sadd.s32 $0xE900, s0;
	v9 =	vld.idx.msk [tilespmem:v8+s26+$0x0], $0xffff  }
0xd5: {  	[tilespmem:s5+$0x0] =	vst v11;
	v10 =	vor.u32 $0x80, v8;
	s5 =	sor.u32 s16, s11;
	v11 =	vld.idx.msk [tilespmem:v15+s26+$0x0], $0xffff  }
0xd6: {  	s2 =	sand.u32 $0x1E00, s8;
	[tilespmem:s5+$0x0] =	vst v12;
	v12 =	vor.u32 $0x80, v15;
	v17 =	vld.idx.msk [tilespmem:v16+s26+$0x0], $0xffff  }
0xd7: {  	v13 =	vld.idx.msk [tilespmem:v13+s26+$0x0], $0xffff;
	s8 =	sadd.s32 $0xE800, s2;
	[tilespmem:s7+$0x0] =	vst v14;
	v14 =	vor.u32 $0x80, v16  }
0xd8: {  	v0 =	vor.u32 $0x180, v0;
	v3 =	vld.idx.msk [tilespmem:v3+s26+$0x0], $0xffff;
	s20 =	sor.u32 s13, s8;
	[tilespmem:s12+$0x0] =	vst v7  }
0xd9: {  	s21 =	sor.u32 s6, s15;
	v7 =	vor.u32 $0x100, v1;
	v5 =	vld.idx.msk [tilespmem:v5+s26+$0x0], $0xffff;
	[tilespmem:s20+$0x0] =	vst v9  }
0xda: {  	s22 =	sadd.s32 $0xE880, s19;
	s5 =	sor.u32 s18, s8;
	v9 =	vld.idx.msk [tilespmem:v10+s26+$0x0], $0xffff;
	[tilespmem:s21+$0x0] =	vst v11  }
0xdb: {  	s23 =	sor.u32 s14, s22;
	v10 =	vor.u32 $0x100, v8;
	v11 =	vld.idx.msk [tilespmem:v12+s26+$0x0], $0xffff;
	[tilespmem:s5+$0x0] =	vst v17  }
0xdc: {  	[tilespmem:s23+$0x0] =	vst v13;
	v12 =	vor.u32 $0x100, v15;
	v13 =	vld.idx.msk [tilespmem:v14+s26+$0x0], $0xffff  }
0xdd: {  	s24 =	sadd.s32 $0xE880, s2;
	v0 =	vld.idx.msk [tilespmem:v0+s26+$0x0], $0xffff;
	[tilespmem:s17+$0x0] =	vst v3;
	v3 =	vor.u32 $0x100, v16  }
0xde: {  	v7 =	vld.idx.msk [tilespmem:v7+s26+$0x0], $0xffff;
	[tilespmem:s10+$0x0] =	vst v5;
	s10 =	sor.u32 s13, s24  }
0xdf: {  	s7 =	sor.u32 s6, s22;
	v1 =	vor.u32 $0x180, v1;
	v5 =	vld.idx.msk [tilespmem:v6+s26+$0x0], $0xffff;
	[tilespmem:s10+$0x0] =	vst v9  }
0xe0: {  	s12 =	sadd.s32 $0xE980, s0;
	v6 =	vld.idx.msk [tilespmem:v10+s26+$0x0], $0xffff;
	s5 =	sor.u32 s18, s24;
	[tilespmem:s7+$0x0] =	vst v11  }
0xe1: {  	s15 =	sor.u32 s16, s12;
	s16 =	sadd.s32 $0xE900, s19;
	v8 =	vor.u32 $0x180, v8;
	v9 =	vld.idx.msk [tilespmem:v12+s26+$0x0], $0xffff;
	[tilespmem:s5+$0x0] =	vst v13  }
0xe2: {  	s17 =	sor.u32 s14, s16;
	[tilespmem:s15+$0x0] =	vst v0;
	v10 =	vor.u32 $0x180, v15;
	v0 =	vld.idx.msk [tilespmem:v3+s26+$0x0], $0xffff  }
0xe3: {  	v2 =	vld.idx.msk [tilespmem:v2+s26+$0x0], $0xffff;
	s20 =	sor.u32 s1, s11;
	[tilespmem:s17+$0x0] =	vst v7;
	s21 =	sadd.s32 $0xE900, s2;
	v3 =	vor.u32 $0x180, v16  }
0xe4: {  	v1 =	vld.idx.msk [tilespmem:v1+s26+$0x0], $0xffff;
	[tilespmem:s20+$0x0] =	vst v5;
	s22 =	sor.u32 s13, s21  }
0xe5: {  	s8 =	sor.u32 s6, s16;
	v4 =	vld.idx.msk [tilespmem:v4+s26+$0x0], $0xffff;
	[tilespmem:s22+$0x0] =	vst v6  }
0xe6: {  	v5 =	vld.idx.msk [tilespmem:v8+s26+$0x0], $0xffff;
	s5 =	sor.u32 s18, s21;
	[tilespmem:s8+$0x0] =	vst v9  }
0xe7: {  	s23 =	sadd.s32 $0xE980, s19;
	v6 =	vld.idx.msk [tilespmem:v10+s26+$0x0], $0xffff;
	[tilespmem:s5+$0x0] =	vst v0  }
0xe8: {  	[tilespmem:s4+$0x0] =	vst v2;
	s24 =	sor.u32 s14, s23;
	v0 =	vld.idx.msk [tilespmem:v3+s26+$0x0], $0xffff  }
0xe9: {  	s0 =	sor.u32 s1, s12;
	s4 =	sadd.s32 $0xE980, s2;
	[tilespmem:s24+$0x0] =	vst v1  }
0xea: {  	[tilespmem:s0+$0x0] =	vst v4;
	s5 =	sor.u32 s13, s4  }
0xeb: {  	s8 =	sor.u32 s6, s23;
	[tilespmem:s5+$0x0] =	vst v5  }
0xec: {  	s10 =	sor.u32 s18, s4;
	[tilespmem:s8+$0x0] =	vst v6  }
0xed: {  	[tilespmem:s10+$0x0] =	vst v0  }
0xee: {  	s12 =	simm.s32 $0xE800;
	s11 =	simm.s32 $0x200;
	s0 =	rddreg [dreg:$0xd]  }
0xef: {  	s24 =	simm.s32 $0x400;
	s23 =	rddreg [dreg:$0x6];
	s0 =	sadd.s32 s3, s0  }
0xf0: {  	[hbm4b:s0+s11] =	stream.strided.scatter [tilespmem:s12], [sflag:$0x8], $0x2000, s24, s11, $0x38;
	[tilespmem:$0x18800] =	vst v63  }
0xf1: {  	s14 =	simm.s32 $0x3;
	s13 =	sadd.s32 s9, s23  }
0xf2: {  	[tilespmem:s26], [sflag:$0x2] =	stream.strided.gather [hbm4b:s13+s11], $0x2000, s24, s11, $0x38;
	[tilespmem:$0x18800] =	vst v63  }
0xf3: {  	_ =	swait.ge [sflag:s14], $0x2000  }
0xf4: {  	[sflag:s14] =	ssyncset.done $0x0  }
0xf5: {  	s15 =	simm.s32 $0x0;
	s1 =	simm.s32 @!p0 $0x9;
	[sflag:s14] =	ssyncadd.s32 $0xFFFFE000  }
0xf6: {  	s0 =	sand.u32 $0x60, s15;
	_ =	swait.ge @!p0 [sflag:s1], $0x2000  }
0xf7: {  	s2 =	sand.u32 $0x780, s15;
	s5 =	sor.u32 $0x10, s0;
	[sflag:s1] =	ssyncset.done @!p0 $0x0  }
0xf8: {  	s16 =	sor.u32 s5, s2;
	[sflag:s1] =	ssyncadd.s32 @!p0 $0xFFFFE000  }
0xf9: {  	v0 =	vld [tilespmem:s16+$0x0];
	_ =	sdelay $0x4  }
0xfa: {  	s17 =	simm.s32 $0x20;
	v1 =	vshll.u32 v0, $0x2  }
0xfb: {  	s4 =	sand.u32 $0x60, s17;
	v0 =	vand.u32 $0x7F, v0;
	v1 =	vand.u32 $0xFFFFFE00, v1  }
0xfc: {  	s21 =	sor.u32 $0x10, s4;
	s1 =	sand.u32 $0x780, s17;
	v1 =	vor.u32 v0, v1  }
0xfd: {  	s1 =	sor.u32 s21, s1  }
0xfe: {  	v0 =	vld [tilespmem:s1+$0x0];
	_ =	sdelay $0x2  }
0xff: {  	s18 =	simm.s32 $0x0;
	v2 =	vld.idx.msk [tilespmem:v1+s28+$0x0], $0xffff  }
0x100: {  	s19 =	simm.s32 $0x0;
	s20 =	simm.s32 $0x40;
	v5 =	vld [tilespmem:s18+$0x0];
	v3 =	vor.u32 $0x80, v1  }
0x101: {  	s3 =	sand.u32 $0x60, s20;
	s2 =	sand.u32 $0x1E00, s19;
	v4 =	vshll.u32 v0, $0x2  }
0x102: {  	s9 =	sor.u32 $0x10, s3;
	s22 =	sadd.s32 $0x10800, s2;
	s1 =	sand.u32 $0x780, s20;
	v0 =	vand.u32 $0x7F, v0;
	v4 =	vand.u32 $0xFFFFFE00, v4  }
0x103: {  	s11 =	sor.u32 s5, s22;
	s1 =	sor.u32 s9, s1;
	v4 =	vor.u32 v0, v4  }
0x104: {  	v0 =	vld [tilespmem:s1+$0x0];
	[tilespmem:s11+$0x0] =	vst v2  }
0x105: {  	v2 =	vld.idx.msk [tilespmem:v3+s28+$0x0], $0xffff;
	v3 =	vshll.u32 v5, $0x2  }
0x106: {  	v6 =	vor.u32 $0x100, v1;
	v5 =	vand.u32 $0x7F, v5;
	v3 =	vand.u32 $0xFFFFFE00, v3  }
0x107: {  	v3 =	vor.u32 v5, v3  }
0x108: {  	s10 =	sadd.s32 $0x10880, s2;
	v7 =	vld.idx.msk [tilespmem:v4+s28+$0x0], $0xffff  }
0x109: {  	s12 =	simm.s32 $0x80;
	s13 =	simm.s32 $0x20;
	s14 =	sor.u32 s5, s10;
	v5 =	vor.u32 $0x80, v4  }
0x10a: {  	s8 =	sand.u32 $0x1E00, s12;
	v9 =	vld [tilespmem:s13+$0x0];
	v8 =	vshll.u32 v0, $0x2;
	[tilespmem:s14+$0x0] =	vst v2  }
0x10b: {  	s11 =	sadd.s32 $0x10800, s8;
	v0 =	vand.u32 $0x7F, v0;
	v2 =	vand.u32 $0xFFFFFE00, v8;
	v6 =	vld.idx.msk [tilespmem:v6+s28+$0x0], $0xffff  }
0x10c: {  	s15 =	simm.s32 $0x60;
	s16 =	sor.u32 s21, s11;
	v0 =	vor.u32 v0, v2;
	v2 =	vld.idx.msk [tilespmem:v3+s28+$0x0], $0xffff  }
0x10d: {  	s1 =	sand.u32 $0x60, s15;
	[tilespmem:s16+$0x0] =	vst v7;
	v7 =	vor.u32 $0x80, v3  }
0x10e: {  	s12 =	sand.u32 $0x780, s15;
	v1 =	vor.u32 $0x180, v1;
	s15 =	sadd.s32 $0x10900, s2;
	s6 =	sor.u32 $0x10, s1;
	v5 =	vld.idx.msk [tilespmem:v5+s28+$0x0], $0xffff  }
0x10f: {  	v11 =	vor.u32 $0x100, v4;
	s17 =	sor.u32 s5, s15;
	s12 =	sor.u32 s6, s12  }
0x110: {  	s7 =	sor.u32 s0, s22;
	v10 =	vshll.u32 v9, $0x2;
	v8 =	vld [tilespmem:s12+$0x0];
	[tilespmem:s17+$0x0] =	vst v6  }
0x111: {  	v9 =	vand.u32 $0x7F, v9;
	v10 =	vand.u32 $0xFFFFFE00, v10;
	s12 =	sadd.s32 $0x10880, s8;
	v6 =	vld.idx.msk [tilespmem:v0+s28+$0x0], $0xffff;
	[tilespmem:s7+$0x0] =	vst v2  }
0x112: {  	s19 =	simm.s32 $0x100;
	v12 =	vor.u32 v9, v10;
	s18 =	sor.u32 s21, s12;
	v7 =	vld.idx.msk [tilespmem:v7+s28+$0x0], $0xffff  }
0x113: {  	v13 =	vld.idx.msk [tilespmem:v1+s28+$0x0], $0xffff;
	[tilespmem:s18+$0x0] =	vst v5;
	s18 =	sand.u32 $0x1E00, s19  }
0x114: {  	s20 =	simm.s32 $0x40;
	v2 =	vor.u32 $0x80, v0;
	s19 =	simm.s32 $0x80;
	v9 =	vld.idx.msk [tilespmem:v11+s28+$0x0], $0xffff;
	s17 =	sadd.s32 $0x10800, s18  }
0x115: {  	v5 =	vor.u32 $0x100, v3;
	v1 =	vshll.u32 v8, $0x2;
	v11 =	vld [tilespmem:s20+$0x0];
	s14 =	sand.u32 $0x60, s19;
	s22 =	sor.u32 s9, s17  }
0x116: {  	s10 =	sor.u32 s0, s10;
	v4 =	vor.u32 $0x180, v4;
	v8 =	vand.u32 $0x7F, v8;
	v1 =	vand.u32 $0xFFFFFE00, v1;
	s13 =	sand.u32 $0x780, s19;
	s16 =	sor.u32 $0x10, s14;
	[tilespmem:s22+$0x0] =	vst v6  }
0x117: {  	v14 =	vld.idx.msk [tilespmem:v12+s28+$0x0], $0xffff;
	s20 =	sadd.s32 $0x10900, s8;
	v1 =	vor.u32 v8, v1;
	s7 =	sor.u32 s16, s13;
	[tilespmem:s10+$0x0] =	vst v7  }
0x118: {  	v6 =	vor.u32 $0x80, v12;
	v8 =	vld [tilespmem:s7+$0x0];
	s7 =	sor.u32 s21, s20;
	s10 =	rddreg [dreg:$0xe]  }
0x119: {  	s8 =	sadd.s32 $0x10980, s8;
	v2 =	vld.idx.msk [tilespmem:v2+s28+$0x0], $0xffff;
	s22 =	rddreg [dreg:$0x18];
	[tilespmem:s7+$0x0] =	vst v9;
	s7 =	sor.u32 s3, s17  }
0x11a: {  	v17 =	vor.u32 $0x100, v0;
	v16 =	vld.idx.msk [tilespmem:v5+s28+$0x0], $0xffff;
	v5 =	vshll.u32 v11, $0x2;
	s17 =	sor.u32 s4, s20;
	s13 =	sadd.s32 s22, s10;
	s10 =	sor.u32 s4, s11  }
0x11b: {  	s11 =	sor.u32 s0, s15;
	s22 =	sadd.s32 $0x10980, s2;
	s2 =	sor.u32 s4, s12;
	v10 =	vld.idx.msk [tilespmem:v4+s28+$0x0], $0xffff;
	v4 =	vand.u32 $0x7F, v11;
	v5 =	vand.u32 $0xFFFFFE00, v5  }
0x11c: {  	v9 =	vld.idx.msk [tilespmem:v1+s28+$0x0], $0xffff;
	s15 =	sadd.s32 $0x10880, s18;
	s12 =	sor.u32 s0, s22;
	s5 =	sor.u32 s5, s22;
	[tilespmem:s10+$0x0] =	vst v14;
	v14 =	vor.u32 v4, v5  }
0x11d: {  	v7 =	vor.u32 $0x180, v3;
	v3 =	vor.u32 $0x100, v12;
	s20 =	sor.u32 s9, s15;
	s22 =	simm.s32 $0x60;
	[tilespmem:s5+$0x0] =	vst v13;
	v11 =	vld.idx.msk [tilespmem:v6+s28+$0x0], $0xffff;
	s5 =	simm.s32 $0x180  }
0x11e: {  	s4 =	sor.u32 s4, s8;
	[tilespmem:s20+$0x0] =	vst v2;
	v2 =	vor.u32 $0x180, v12;
	v5 =	vor.u32 $0x80, v14;
	v15 =	vld [tilespmem:s22+$0x0];
	v13 =	vor.u32 $0x80, v1;
	s0 =	sand.u32 $0x1E00, s5  }
0x11f: {  	s8 =	sor.u32 s21, s8;
	s10 =	sor.u32 s3, s15;
	v6 =	vor.u32 $0x100, v14;
	v4 =	vor.u32 $0x180, v14;
	v12 =	vld.idx.msk [tilespmem:v17+s28+$0x0], $0xffff;
	[tilespmem:s11+$0x0] =	vst v16;
	v16 =	vshll.u32 v8, $0x2;
	s15 =	sadd.s32 $0x10800, s0  }
.LBB2_7:
0x120: {  	s19 =	sadd.s32 $0x20, s19;
	s11 =	sor.u32 s1, s15;
	s15 =	sor.u32 s6, s15  }
0x121: {  	v8 =	vand.u32 $0x7F, v8;
	v16 =	vand.u32 $0xFFFFFE00, v16;
	v17 =	vld.idx.msk [tilespmem:v14+s28+$0x0], $0xffff;
	v14 =	vor.u32 $0x180, v0;
	[tilespmem:s8+$0x0] =	vst v10;
	v0 =	vmovc v1;
	s8 =	smov.u32 s3;
	s3 =	smov.u32 s1;
	s1 =	smov.u32 s14  }
0x122: {  	s20 =	smov.u32 s9;
	s14 =	sand.u32 $0x60, s19;
	p1 =	slt.u32 s19, $0x7E0;
	v1 =	vor.u32 v8, v16;
	[tilespmem:s15+$0x0] =	vst v9;
	v16 =	vld.idx.msk [tilespmem:v7+s28+$0x0], $0xffff;
	v7 =	vmov v2;
	v2 =	vmov v4  }
0x123: {  	s21 =	sadd.s32 $0x10900, s18;
	s9 =	sand.u32 $0x780, s19;
	s15 =	sor.u32 $0x10, s14;
	v18 =	vld.idx.msk [tilespmem:v13+s28+$0x0], $0xffff;
	[tilespmem:s2+$0x0] =	vst v11  }
0x124: {  	s22 =	sor.u32 s8, s21;
	s2 =	sor.u32 s15, s9;
	s9 =	sor.u32 s20, s21;
	v19 =	vld.idx.msk [tilespmem:v3+s28+$0x0], $0xffff;
	v3 =	vmov v6  }
0x125: {  	v8 =	vld [tilespmem:s2+$0x0];
	v4 =	vand.u32 $0x7F, v15;
	v6 =	vshll.u32 v15, $0x2;
	v15 =	vor.u32 $0x100, v0;
	[tilespmem:s9+$0x0] =	vst v12;
	s9 =	smov.u32 s6;
	s6 =	smov.u32 s16;
	s16 =	smov.u32 s15  }
0x126: {  	s15 =	smov.u32 s17;
	s17 =	smov.u32 s22;
	s2 =	smov.u32 s10;
	v6 =	vand.u32 $0xFFFFFE00, v6;
	v10 =	vld.idx.msk [tilespmem:v14+s28+$0x0], $0xffff  }
.Ltmp2:
0x127: {  	s21 =	sadd.s32 $0x10880, s0;
	v9 =	vld.idx.msk [tilespmem:v1+s28+$0x0], $0xffff;
	v14 =	vor.u32 v4, v6;
	[tilespmem:s7+$0x0] =	vst v17;
	s7 =	smov.u32 s11;
	(pc) =	sbr.rel @p1 .LBB2_7-.Ltmp2, $4  }
0x128: {  	s10 =	sor.u32 s3, s21;
	s11 =	sor.u32 s9, s21;
	s21 =	smov.u32 s18;
	v6 =	vor.u32 $0x100, v14;
	v4 =	vor.u32 $0x180, v14;
	v11 =	vld.idx.msk [tilespmem:v5+s28+$0x0], $0xffff;
	v5 =	vor.u32 $0x80, v14;
	[tilespmem:s12+$0x0] =	vst v16  }
0x129: {  	s5 =	sadd.s32 $0x80, s5;
	v13 =	vor.u32 $0x80, v1;
	s18 =	smov.u32 s0;
	s12 =	smov.u32 s4;
	[tilespmem:s11+$0x0] =	vst v18  }
0x12a: {  	s0 =	sand.u32 $0x1E00, s5;
	s4 =	sshra.s32 s5, $0x2;
	s11 =	sadd.s32 $0x10980, s21;
	v12 =	vld.idx.msk [tilespmem:v15+s28+$0x0], $0xffff;
	[tilespmem:s15+$0x0] =	vst v19  }
0x12b: {  	v16 =	vshll.u32 v8, $0x2;
	s15 =	sadd.s32 $0x10800, s0;
	v15 =	vld [tilespmem:s4+$0x0];
	s4 =	sor.u32 s8, s11;
	s8 =	sor.u32 s20, s11  }
0x12c: {  	s5 =	sadd.s32 $0x80, s5  }
0x12d: {  	s11 =	sshra.s32 s5, $0x2  }
0x12e: {  	v17 =	vld [tilespmem:s11+$0x0];
	_ =	sdelay $0x2  }
0x12f: {  	v8 =	vand.u32 $0x7F, v8;
	v16 =	vand.u32 $0xFFFFFE00, v16  }
0x130: {  	v8 =	vor.u32 v8, v16;
	v42 =	vshll.u32 v15, $0x2  }
0x131: {  	v43 =	vand.u32 $0x7F, v15;
	v16 =	vand.u32 $0xFFFFFE00, v42;
	v18 =	vshll.u32 v17, $0x2  }
0x132: {  	v15 =	vor.u32 v43, v16;
	v44 =	vand.u32 $0x7F, v17;
	v45 =	vand.u32 $0xFFFFFE00, v18  }
0x133: {  	v16 =	vor.u32 v44, v45  }
0x134: {  	v14 =	vld.idx.msk [tilespmem:v14+s28+$0x0], $0xffff  }
0x135: {  	s22 =	sor.u32 s6, s15;
	[tilespmem:s8+$0x0] =	vst v10;
	v7 =	vld.idx.msk [tilespmem:v7+s28+$0x0], $0xffff  }
0x136: {  	s8 =	sadd.s32 $0x10900, s18;
	[tilespmem:s22+$0x0] =	vst v9;
	v46 =	vld.idx.msk [tilespmem:v8+s28+$0x0], $0xffff  }
0x137: {  	[tilespmem:s2+$0x0] =	vst v11;
	s19 =	sor.u32 s9, s8;
	v47 =	vor.u32 $0x80, v8;
	v48 =	vld.idx.msk [tilespmem:v15+s28+$0x0], $0xffff  }
0x138: {  	s2 =	sand.u32 $0x1E00, s5;
	[tilespmem:s19+$0x0] =	vst v12;
	v49 =	vor.u32 $0x80, v15;
	v17 =	vld.idx.msk [tilespmem:v16+s28+$0x0], $0xffff  }
0x139: {  	v13 =	vld.idx.msk [tilespmem:v13+s28+$0x0], $0xffff;
	s5 =	sadd.s32 $0x10800, s2;
	[tilespmem:s7+$0x0] =	vst v14;
	v50 =	vor.u32 $0x80, v16  }
0x13a: {  	v0 =	vor.u32 $0x180, v0;
	v3 =	vld.idx.msk [tilespmem:v3+s28+$0x0], $0xffff;
	s20 =	sor.u32 s16, s5;
	[tilespmem:s12+$0x0] =	vst v7  }
0x13b: {  	s21 =	sor.u32 s1, s15;
	v51 =	vor.u32 $0x100, v1;
	v5 =	vld.idx.msk [tilespmem:v5+s28+$0x0], $0xffff;
	[tilespmem:s20+$0x0] =	vst v46  }
0x13c: {  	s22 =	sadd.s32 $0x10880, s0;
	s5 =	sor.u32 s14, s5;
	v9 =	vld.idx.msk [tilespmem:v47+s28+$0x0], $0xffff;
	[tilespmem:s21+$0x0] =	vst v48  }
0x13d: {  	v52 =	vor.u32 $0x100, v8;
	s12 =	sor.u32 s6, s22;
	v11 =	vld.idx.msk [tilespmem:v49+s28+$0x0], $0xffff;
	[tilespmem:s5+$0x0] =	vst v17  }
0x13e: {  	v53 =	vor.u32 $0x100, v15;
	[tilespmem:s12+$0x0] =	vst v13;
	v54 =	vld.idx.msk [tilespmem:v50+s28+$0x0], $0xffff  }
0x13f: {  	s15 =	sadd.s32 $0x10880, s2;
	v0 =	vld.idx.msk [tilespmem:v0+s28+$0x0], $0xffff;
	[tilespmem:s17+$0x0] =	vst v3;
	v55 =	vor.u32 $0x100, v16  }
0x140: {  	s17 =	sor.u32 s16, s15;
	v7 =	vld.idx.msk [tilespmem:v51+s28+$0x0], $0xffff;
	[tilespmem:s10+$0x0] =	vst v5  }
0x141: {  	v56 =	vor.u32 $0x180, v1;
	s7 =	sor.u32 s1, s22;
	v5 =	vld.idx.msk [tilespmem:v6+s28+$0x0], $0xffff;
	[tilespmem:s17+$0x0] =	vst v9  }
0x142: {  	s18 =	sadd.s32 $0x10980, s18;
	v57 =	vld.idx.msk [tilespmem:v52+s28+$0x0], $0xffff;
	s5 =	sor.u32 s14, s15;
	[tilespmem:s7+$0x0] =	vst v11  }
0x143: {  	s19 =	sor.u32 s9, s18;
	v8 =	vor.u32 $0x180, v8;
	s20 =	sadd.s32 $0x10900, s0;
	v58 =	vld.idx.msk [tilespmem:v53+s28+$0x0], $0xffff;
	[tilespmem:s5+$0x0] =	vst v54  }
0x144: {  	v59 =	vor.u32 $0x180, v15;
	[tilespmem:s19+$0x0] =	vst v0;
	s21 =	sor.u32 s6, s20;
	v60 =	vld.idx.msk [tilespmem:v55+s28+$0x0], $0xffff  }
0x145: {  	s22 =	sor.u32 s3, s8;
	s8 =	sadd.s32 $0x10900, s2;
	v2 =	vld.idx.msk [tilespmem:v2+s28+$0x0], $0xffff;
	v61 =	vor.u32 $0x180, v16;
	[tilespmem:s21+$0x0] =	vst v7  }
0x146: {  	s11 =	sor.u32 s16, s8;
	[tilespmem:s22+$0x0] =	vst v5;
	v1 =	vld.idx.msk [tilespmem:v56+s28+$0x0], $0xffff  }
0x147: {  	s12 =	sor.u32 s1, s20;
	v4 =	vld.idx.msk [tilespmem:v4+s28+$0x0], $0xffff;
	[tilespmem:s11+$0x0] =	vst v57  }
0x148: {  	v62 =	vld.idx.msk [tilespmem:v8+s28+$0x0], $0xffff;
	s5 =	sor.u32 s14, s8;
	[tilespmem:s12+$0x0] =	vst v58  }
0x149: {  	s15 =	sadd.s32 $0x10980, s0;
	v63 =	vld.idx.msk [tilespmem:v59+s28+$0x0], $0xffff;
	[tilespmem:s5+$0x0] =	vst v60  }
0x14a: {  	[tilespmem:s4+$0x0] =	vst v2;
	s17 =	sor.u32 s6, s15;
	v0 =	vld.idx.msk [tilespmem:v61+s28+$0x0], $0xffff  }
0x14b: {  	s18 =	sor.u32 s3, s18;
	s2 =	sadd.s32 $0x10980, s2;
	[tilespmem:s17+$0x0] =	vst v1  }
0x14c: {  	s19 =	sor.u32 s16, s2;
	[tilespmem:s18+$0x0] =	vst v4  }
0x14d: {  	s0 =	sor.u32 s1, s15;
	[tilespmem:s19+$0x0] =	vst v62  }
0x14e: {  	s3 =	sshll.u32 s13, $0x8;
	s20 =	sor.u32 s14, s2;
	s21 =	rddreg [dreg:$0x2];
	[tilespmem:s0+$0x0] =	vst v63  }
0x14f: {  	s22 =	simm.s32 $0x10800;
	s1 =	simm.s32 $0x200;
	s0 =	sadd.s32 s21, s3;
	[tilespmem:s20+$0x0] =	vst v0  }
0x150: {  	[hbm4b:s0+s1] =	stream.strided.scatter [tilespmem:s22], [sflag:$0x9], $0x2000, s24, s1, $0x38;
	[tilespmem:$0x18800] =	vst v63  }
0x151: {  	s24 =	rddreg [dreg:$0x16]  }
0x152: {  	p2 =	sne.s32 s24, $0x14  }
.Ltmp3:
0x153: {  	_ = 	snop;
	(pc) =	sbr.rel @p2 .LBB2_10-.Ltmp3, $2  }
0x154: {  	_ =	sdelay $0x2  }
0x155: {  	s2 =	simm.s32 $0x400;
	s24 =	rddreg [dreg:$0x0]  }
.Ltmp4:
0x156: {  	(pc) =	sbr.rel .LBB2_11-.Ltmp4, $4  }
0x157: {  	s0 =	simm.s32 $0x4  }
0x158: {  	_ =	swait.ge [sflag:s0], $0x2000  }
0x159: {  	[sflag:s0] =	ssyncset.done $0x0  }
0x15a: {  	s24 =	simm.s32 $0x200;
	[sflag:s0] =	ssyncadd.s32 $0xFFFFE000  }
.LBB2_10:
0x15b: {  	s0 =	rddreg [dreg:$0xf]  }
0x15c: {  	s4 =	rddreg [dreg:$0x17]  }
0x15d: {  	s0 =	sadd.s32 s0, s4  }
0x15e: {  	s0 =	sshrl.u32 s0, $0x3  }
.Ltmp5:
0x15f: {  	s22 =	simm.s32 $0x4;
	s0 =	sadd.s32 s24, s0;
	(pc) =	sbr.rel @p0 .LBB2_12-.Ltmp5, $4  }
0x160: {  	[tilespmem:s28], [sflag:$0x3] =	stream.strided.gather [hbm4b:s0+s1], $0x2000, s2, s1, $0x38;
	[tilespmem:$0x18800] =	vst v63  }
0x161: {  	_ =	swait.ge [sflag:s22], $0x2000  }
0x162: {  	[sflag:s22] =	ssyncset.done $0x0  }
0x163: {  	s24 =	simm.s32 $0x200;
	[sflag:s22] =	ssyncadd.s32 $0xFFFFE000  }
.LBB2_11:
0x164: {  	s0 =	simm.s32 $0xA  }
0x165: {  	_ =	swait.ge [sflag:s0], $0x2000  }
0x166: {  	[sflag:s0] =	ssyncset.done $0x0  }
0x167: {  	[sflag:s0] =	ssyncadd.s32 $0xFFFFE000  }
.LBB2_12:
0x168: {  	s0 =	simm.s32 $0x0  }
0x169: {  	s7 =	sand.u32 $0x60, s0  }
0x16a: {  	s0 =	sand.u32 $0x780, s0;
	s5 =	sor.u32 $0x10, s7  }
0x16b: {  	s0 =	sor.u32 s5, s0  }
0x16c: {  	v0 =	vld [tilespmem:s0+$0x0];
	_ =	sdelay $0x3  }
0x16d: {  	s14 =	simm.s32 $0x20  }
0x16e: {  	s4 =	sand.u32 $0x60, s14;
	v1 =	vshll.u32 v0, $0x2  }
0x16f: {  	s21 =	sor.u32 $0x10, s4;
	s0 =	sand.u32 $0x780, s14;
	v0 =	vand.u32 $0x7F, v0;
	v1 =	vand.u32 $0xFFFFFE00, v1  }
0x170: {  	s0 =	sor.u32 s21, s0;
	v1 =	vor.u32 v0, v1  }
0x171: {  	v0 =	vld [tilespmem:s0+$0x0];
	_ =	sdelay $0x3  }
0x172: {  	s15 =	simm.s32 $0x0;
	v2 =	vld.idx.msk [tilespmem:v1+s29+$0x0], $0xffff  }
0x173: {  	s1 =	simm.s32 $0x0;
	s16 =	simm.s32 $0x40;
	v5 =	vld [tilespmem:s15+$0x0];
	v3 =	vor.u32 $0x80, v1;
	v4 =	vshll.u32 v0, $0x2  }
0x174: {  	s2 =	sand.u32 $0x1E00, s1;
	s1 =	sand.u32 $0x60, s16;
	v0 =	vand.u32 $0x7F, v0;
	v4 =	vand.u32 $0xFFFFFE00, v4  }
0x175: {  	s10 =	sadd.s32 $0x12800, s2;
	s14 =	sor.u32 $0x10, s1;
	s0 =	sand.u32 $0x780, s16;
	v4 =	vor.u32 v0, v4  }
0x176: {  	s6 =	sor.u32 s5, s10;
	s0 =	sor.u32 s14, s0  }
0x177: {  	v0 =	vld [tilespmem:s0+$0x0];
	[tilespmem:s6+$0x0] =	vst v2  }
0x178: {  	v2 =	vld.idx.msk [tilespmem:v3+s29+$0x0], $0xffff;
	v3 =	vshll.u32 v5, $0x2  }
0x179: {  	v6 =	vor.u32 $0x100, v1;
	v5 =	vand.u32 $0x7F, v5;
	v3 =	vand.u32 $0xFFFFFE00, v3  }
0x17a: {  	s18 =	simm.s32 $0x20;
	v7 =	vld.idx.msk [tilespmem:v4+s29+$0x0], $0xffff;
	v3 =	vor.u32 v5, v3  }
0x17b: {  	s17 =	simm.s32 $0x80;
	v9 =	vld [tilespmem:s18+$0x0];
	s11 =	sadd.s32 $0x12880, s2;
	v5 =	vor.u32 $0x80, v4  }
0x17c: {  	s8 =	sand.u32 $0x1E00, s17;
	s9 =	sor.u32 s5, s11;
	v8 =	vshll.u32 v0, $0x2  }
0x17d: {  	s19 =	simm.s32 $0x60;
	s15 =	sadd.s32 $0x12800, s8;
	v0 =	vand.u32 $0x7F, v0;
	[tilespmem:s9+$0x0] =	vst v2;
	v2 =	vand.u32 $0xFFFFFE00, v8  }
0x17e: {  	s20 =	sor.u32 s21, s15;
	s6 =	sand.u32 $0x60, s19;
	v6 =	vld.idx.msk [tilespmem:v6+s29+$0x0], $0xffff;
	v0 =	vor.u32 v0, v2  }
0x17f: {  	v1 =	vor.u32 $0x180, v1;
	s0 =	sand.u32 $0x780, s19;
	s9 =	sor.u32 $0x10, s6;
	[tilespmem:s20+$0x0] =	vst v7;
	v2 =	vld.idx.msk [tilespmem:v3+s29+$0x0], $0xffff  }
0x180: {  	v10 =	vshll.u32 v9, $0x2;
	v7 =	vor.u32 $0x80, v3;
	s0 =	sor.u32 s9, s0;
	v5 =	vld.idx.msk [tilespmem:v5+s29+$0x0], $0xffff  }
0x181: {  	s17 =	sadd.s32 $0x12900, s2;
	v9 =	vand.u32 $0x7F, v9;
	v10 =	vand.u32 $0xFFFFFE00, v10;
	s16 =	simm.s32 $0x40;
	v11 =	vor.u32 $0x100, v4;
	v8 =	vld [tilespmem:s0+$0x0]  }
0x182: {  	s22 =	sor.u32 s5, s17;
	v12 =	vor.u32 v9, v10;
	v10 =	vld [tilespmem:s16+$0x0]  }
0x183: {  	s18 =	sadd.s32 $0x12880, s8;
	s10 =	sor.u32 s7, s10;
	[tilespmem:s22+$0x0] =	vst v6;
	v6 =	vld.idx.msk [tilespmem:v0+s29+$0x0], $0xffff  }
0x184: {  	s13 =	simm.s32 $0x100;
	s12 =	sor.u32 s21, s18;
	v13 =	vld.idx.msk [tilespmem:v1+s29+$0x0], $0xffff;
	[tilespmem:s10+$0x0] =	vst v2;
	v2 =	vor.u32 $0x80, v0  }
0x185: {  	s0 =	sand.u32 $0x1E00, s13;
	[tilespmem:s12+$0x0] =	vst v5;
	v7 =	vld.idx.msk [tilespmem:v7+s29+$0x0], $0xffff  }
0x186: {  	s19 =	sadd.s32 $0x12800, s0;
	v5 =	vor.u32 $0x100, v3;
	v1 =	vshll.u32 v8, $0x2;
	s12 =	simm.s32 $0x80;
	v9 =	vld.idx.msk [tilespmem:v11+s29+$0x0], $0xffff  }
0x187: {  	v4 =	vor.u32 $0x180, v4;
	s20 =	sor.u32 s14, s19;
	v8 =	vand.u32 $0x7F, v8;
	v1 =	vand.u32 $0xFFFFFE00, v1;
	s16 =	sand.u32 $0x60, s12  }
0x188: {  	v11 =	vld.idx.msk [tilespmem:v12+s29+$0x0], $0xffff;
	s22 =	sand.u32 $0x780, s12;
	v1 =	vor.u32 v8, v1;
	s13 =	sor.u32 $0x10, s16;
	[tilespmem:s20+$0x0] =	vst v6  }
0x189: {  	s11 =	sor.u32 s7, s11;
	s10 =	sor.u32 s13, s22;
	v6 =	vor.u32 $0x80, v12;
	s20 =	sadd.s32 $0x12900, s8;
	v2 =	vld.idx.msk [tilespmem:v2+s29+$0x0], $0xffff  }
0x18a: {  	v15 =	vor.u32 $0x100, v0;
	v8 =	vld [tilespmem:s10+$0x0];
	s10 =	sor.u32 s21, s20;
	[tilespmem:s11+$0x0] =	vst v7  }
0x18b: {  	s22 =	sadd.s32 $0x12980, s2;
	s2 =	sor.u32 s4, s18;
	s18 =	sadd.s32 $0x12880, s0;
	[tilespmem:s10+$0x0] =	vst v9;
	v16 =	vld.idx.msk [tilespmem:v5+s29+$0x0], $0xffff;
	v5 =	vshll.u32 v10, $0x2  }
0x18c: {  	s8 =	sadd.s32 $0x12980, s8;
	s11 =	sor.u32 s4, s15;
	s15 =	sor.u32 s7, s17;
	v9 =	vld.idx.msk [tilespmem:v4+s29+$0x0], $0xffff;
	v4 =	vand.u32 $0x7F, v10;
	v5 =	vand.u32 $0xFFFFFE00, v5  }
0x18d: {  	s10 =	sor.u32 s7, s22;
	s22 =	sor.u32 s5, s22;
	v10 =	vld.idx.msk [tilespmem:v1+s29+$0x0], $0xffff;
	[tilespmem:s11+$0x0] =	vst v11;
	s11 =	sor.u32 s14, s18;
	v14 =	vor.u32 v4, v5  }
0x18e: {  	s7 =	sor.u32 s1, s19;
	v7 =	vor.u32 $0x180, v3;
	v3 =	vor.u32 $0x100, v12;
	s17 =	sor.u32 s4, s20;
	s5 =	simm.s32 $0x180;
	v11 =	vld.idx.msk [tilespmem:v6+s29+$0x0], $0xffff;
	[tilespmem:s11+$0x0] =	vst v2  }
0x18f: {  	s19 =	sor.u32 s1, s18;
	[tilespmem:s22+$0x0] =	vst v13;
	s22 =	simm.s32 $0x60;
	s18 =	sand.u32 $0x1E00, s5;
	v13 =	vor.u32 $0x80, v1;
	v2 =	vor.u32 $0x180, v12;
	v5 =	vor.u32 $0x80, v14;
	v12 =	vld.idx.msk [tilespmem:v15+s29+$0x0], $0xffff  }
0x190: {  	s4 =	sor.u32 s4, s8;
	s8 =	sor.u32 s21, s8;
	v6 =	vor.u32 $0x100, v14;
	v4 =	vor.u32 $0x180, v14;
	v15 =	vld [tilespmem:s22+$0x0];
	[tilespmem:s15+$0x0] =	vst v16;
	v16 =	vshll.u32 v8, $0x2;
	s15 =	sadd.s32 $0x12800, s18  }
.LBB2_13:
0x191: {  	s12 =	sadd.s32 $0x20, s12;
	s11 =	sor.u32 s6, s15;
	s15 =	sor.u32 s9, s15  }
0x192: {  	v8 =	vand.u32 $0x7F, v8;
	v16 =	vand.u32 $0xFFFFFE00, v16;
	v17 =	vld.idx.msk [tilespmem:v14+s29+$0x0], $0xffff;
	v14 =	vor.u32 $0x180, v0;
	[tilespmem:s8+$0x0] =	vst v9;
	v0 =	vmovc v1;
	s8 =	smov.u32 s1;
	s1 =	smov.u32 s6;
	s6 =	smov.u32 s16  }
0x193: {  	s20 =	smov.u32 s14;
	s16 =	sand.u32 $0x60, s12;
	p1 =	slt.u32 s12, $0x7E0;
	v1 =	vor.u32 v8, v16;
	[tilespmem:s15+$0x0] =	vst v10;
	v16 =	vld.idx.msk [tilespmem:v7+s29+$0x0], $0xffff;
	v7 =	vmov v2;
	v2 =	vmov v4  }
0x194: {  	s21 =	sadd.s32 $0x12900, s0;
	s14 =	sand.u32 $0x780, s12;
	s15 =	sor.u32 $0x10, s16;
	v18 =	vld.idx.msk [tilespmem:v13+s29+$0x0], $0xffff;
	[tilespmem:s2+$0x0] =	vst v11  }
0x195: {  	s22 =	sor.u32 s8, s21;
	s2 =	sor.u32 s15, s14;
	s14 =	sor.u32 s20, s21;
	v19 =	vld.idx.msk [tilespmem:v3+s29+$0x0], $0xffff;
	v3 =	vmov v6  }
0x196: {  	v8 =	vld [tilespmem:s2+$0x0];
	v4 =	vand.u32 $0x7F, v15;
	v6 =	vshll.u32 v15, $0x2;
	v15 =	vor.u32 $0x100, v0;
	[tilespmem:s14+$0x0] =	vst v12;
	s14 =	smov.u32 s9;
	s9 =	smov.u32 s13;
	s13 =	smov.u32 s15  }
0x197: {  	s15 =	smov.u32 s17;
	s17 =	smov.u32 s22;
	s2 =	smov.u32 s19;
	v6 =	vand.u32 $0xFFFFFE00, v6;
	v9 =	vld.idx.msk [tilespmem:v14+s29+$0x0], $0xffff  }
.Ltmp6:
0x198: {  	s21 =	sadd.s32 $0x12880, s18;
	v10 =	vld.idx.msk [tilespmem:v1+s29+$0x0], $0xffff;
	v14 =	vor.u32 v4, v6;
	[tilespmem:s7+$0x0] =	vst v17;
	s7 =	smov.u32 s11;
	(pc) =	sbr.rel @p1 .LBB2_13-.Ltmp6, $4  }
0x199: {  	s19 =	sor.u32 s1, s21;
	s11 =	sor.u32 s14, s21;
	s21 =	smov.u32 s0;
	v6 =	vor.u32 $0x100, v14;
	v4 =	vor.u32 $0x180, v14;
	v11 =	vld.idx.msk [tilespmem:v5+s29+$0x0], $0xffff;
	v5 =	vor.u32 $0x80, v14;
	[tilespmem:s10+$0x0] =	vst v16  }
0x19a: {  	s5 =	sadd.s32 $0x80, s5;
	v13 =	vor.u32 $0x80, v1;
	s0 =	smov.u32 s18;
	s10 =	smov.u32 s4;
	[tilespmem:s11+$0x0] =	vst v18  }
0x19b: {  	s18 =	sand.u32 $0x1E00, s5;
	s4 =	sshra.s32 s5, $0x2;
	s11 =	sadd.s32 $0x12980, s21;
	v12 =	vld.idx.msk [tilespmem:v15+s29+$0x0], $0xffff;
	[tilespmem:s15+$0x0] =	vst v19  }
0x19c: {  	v16 =	vshll.u32 v8, $0x2;
	s15 =	sadd.s32 $0x12800, s18;
	v15 =	vld [tilespmem:s4+$0x0];
	s4 =	sor.u32 s8, s11;
	s8 =	sor.u32 s20, s11  }
0x19d: {  	s5 =	sadd.s32 $0x80, s5  }
0x19e: {  	s11 =	sshra.s32 s5, $0x2  }
0x19f: {  	v17 =	vld [tilespmem:s11+$0x0];
	_ =	sdelay $0x2  }
0x1a0: {  	v8 =	vand.u32 $0x7F, v8;
	v16 =	vand.u32 $0xFFFFFE00, v16  }
0x1a1: {  	v8 =	vor.u32 v8, v16;
	v16 =	vshll.u32 v15, $0x2  }
0x1a2: {  	v15 =	vand.u32 $0x7F, v15;
	v16 =	vand.u32 $0xFFFFFE00, v16;
	v18 =	vshll.u32 v17, $0x2  }
0x1a3: {  	v15 =	vor.u32 v15, v16;
	v16 =	vand.u32 $0x7F, v17;
	v17 =	vand.u32 $0xFFFFFE00, v18  }
0x1a4: {  	v14 =	vld.idx.msk [tilespmem:v14+s29+$0x0], $0xffff;
	s21 =	sor.u32 s9, s15;
	v16 =	vor.u32 v16, v17  }
0x1a5: {  	v7 =	vld.idx.msk [tilespmem:v7+s29+$0x0], $0xffff;
	[tilespmem:s21+$0x0] =	vst v10  }
0x1a6: {  	[tilespmem:s8+$0x0] =	vst v9;
	s8 =	sadd.s32 $0x12900, s0;
	v13 =	vld.idx.msk [tilespmem:v13+s29+$0x0], $0xffff  }
0x1a7: {  	[tilespmem:s2+$0x0] =	vst v11;
	s22 =	sor.u32 s14, s8;
	v9 =	vld.idx.msk [tilespmem:v8+s29+$0x0], $0xffff  }
0x1a8: {  	v10 =	vor.u32 $0x80, v8;
	[tilespmem:s22+$0x0] =	vst v12;
	v11 =	vld.idx.msk [tilespmem:v15+s29+$0x0], $0xffff  }
0x1a9: {  	s12 =	sor.u32 s6, s15;
	s15 =	sadd.s32 $0x12880, s18;
	s2 =	sand.u32 $0x1E00, s5;
	[tilespmem:s7+$0x0] =	vst v14;
	v12 =	vor.u32 $0x80, v15;
	v17 =	vld.idx.msk [tilespmem:v16+s29+$0x0], $0xffff  }
0x1aa: {  	s20 =	sor.u32 s9, s15;
	s5 =	sadd.s32 $0x12800, s2;
	v3 =	vld.idx.msk [tilespmem:v3+s29+$0x0], $0xffff;
	[tilespmem:s10+$0x0] =	vst v7;
	v14 =	vor.u32 $0x80, v16  }
0x1ab: {  	v0 =	vor.u32 $0x180, v0;
	s11 =	sor.u32 s13, s5;
	v5 =	vld.idx.msk [tilespmem:v5+s29+$0x0], $0xffff;
	[tilespmem:s20+$0x0] =	vst v13  }
0x1ac: {  	[tilespmem:s11+$0x0] =	vst v9  }
0x1ad: {  	s5 =	sor.u32 s16, s5;
	v7 =	vor.u32 $0x100, v1;
	v9 =	vld.idx.msk [tilespmem:v10+s29+$0x0], $0xffff;
	[tilespmem:s12+$0x0] =	vst v11  }
0x1ae: {  	v10 =	vor.u32 $0x100, v8;
	v11 =	vld.idx.msk [tilespmem:v12+s29+$0x0], $0xffff;
	[tilespmem:s5+$0x0] =	vst v17  }
0x1af: {  	[tilespmem:s17+$0x0] =	vst v3;
	v12 =	vor.u32 $0x100, v15;
	v13 =	vld.idx.msk [tilespmem:v14+s29+$0x0], $0xffff  }
0x1b0: {  	s21 =	sadd.s32 $0x12880, s2;
	v0 =	vld.idx.msk [tilespmem:v0+s29+$0x0], $0xffff;
	v3 =	vor.u32 $0x100, v16;
	[tilespmem:s19+$0x0] =	vst v5  }
0x1b1: {  	s22 =	sor.u32 s13, s21;
	v5 =	vld.idx.msk [tilespmem:v6+s29+$0x0], $0xffff  }
0x1b2: {  	s7 =	sor.u32 s6, s15;
	v7 =	vld.idx.msk [tilespmem:v7+s29+$0x0], $0xffff;
	[tilespmem:s22+$0x0] =	vst v9  }
0x1b3: {  	s0 =	sadd.s32 $0x12980, s0;
	v1 =	vor.u32 $0x180, v1;
	v6 =	vld.idx.msk [tilespmem:v10+s29+$0x0], $0xffff;
	s5 =	sor.u32 s16, s21;
	[tilespmem:s7+$0x0] =	vst v11  }
0x1b4: {  	s11 =	sor.u32 s14, s0;
	v8 =	vor.u32 $0x180, v8;
	v9 =	vld.idx.msk [tilespmem:v12+s29+$0x0], $0xffff;
	[tilespmem:s5+$0x0] =	vst v13  }
0x1b5: {  	s15 =	sor.u32 s1, s8;
	[tilespmem:s11+$0x0] =	vst v0;
	s12 =	sadd.s32 $0x12900, s18;
	v10 =	vor.u32 $0x180, v15;
	v0 =	vld.idx.msk [tilespmem:v3+s29+$0x0], $0xffff  }
0x1b6: {  	s17 =	sadd.s32 $0x12900, s2;
	v2 =	vld.idx.msk [tilespmem:v2+s29+$0x0], $0xffff;
	s14 =	sor.u32 s9, s12;
	[tilespmem:s15+$0x0] =	vst v5;
	v3 =	vor.u32 $0x180, v16  }
0x1b7: {  	s19 =	sor.u32 s13, s17;
	[tilespmem:s14+$0x0] =	vst v7;
	v4 =	vld.idx.msk [tilespmem:v4+s29+$0x0], $0xffff  }
0x1b8: {  	s20 =	sor.u32 s6, s12;
	v1 =	vld.idx.msk [tilespmem:v1+s29+$0x0], $0xffff;
	[tilespmem:s19+$0x0] =	vst v6  }
0x1b9: {  	v5 =	vld.idx.msk [tilespmem:v8+s29+$0x0], $0xffff;
	s5 =	sor.u32 s16, s17;
	[tilespmem:s20+$0x0] =	vst v9  }
0x1ba: {  	v6 =	vld.idx.msk [tilespmem:v10+s29+$0x0], $0xffff;
	[tilespmem:s5+$0x0] =	vst v0  }
0x1bb: {  	s0 =	sor.u32 s1, s0;
	[tilespmem:s4+$0x0] =	vst v2;
	s21 =	sadd.s32 $0x12980, s18;
	v0 =	vld.idx.msk [tilespmem:v3+s29+$0x0], $0xffff  }
0x1bc: {  	s4 =	sadd.s32 $0x12980, s2;
	s22 =	sor.u32 s9, s21;
	[tilespmem:s0+$0x0] =	vst v4  }
0x1bd: {  	[tilespmem:s22+$0x0] =	vst v1;
	s5 =	sor.u32 s13, s4  }
0x1be: {  	s8 =	sor.u32 s6, s21;
	[tilespmem:s5+$0x0] =	vst v5  }
0x1bf: {  	s9 =	sor.u32 s16, s4;
	[tilespmem:s8+$0x0] =	vst v6  }
0x1c0: {  	[tilespmem:s9+$0x0] =	vst v0  }
0x1c1: {  	s10 =	sand.u32 $0x7FF800, s3;
	s0 =	rddreg [dreg:$0x16]  }
0x1c2: {  	s12 =	simm.s32 $0x400;
	s13 =	simm.s32 $0x12800;
	s11 =	rddreg [dreg:$0xd]  }
0x1c3: {  	s1 =	rddreg [dreg:$0x17];
	p1 =	seq.s32 s0, $0x14;
	s0 =	sadd.s32 s10, s11  }
0x1c4: {  	[hbm4b:s0+s24] =	stream.strided.scatter [tilespmem:s13], [sflag:$0xA], $0x2000, s12, s24, $0x38;
	[tilespmem:$0x18800] =	vst v63  }
0x1c5: {  	s0 =	rddreg [dreg:$0xf]  }
0x1c6: {  	s0 =	sadd.s32 @!p1 s0, s1  }
0x1c7: {  	s14 =	simm.s32 $0x5;
	s2 =	simm.s32 @!p1 $0x400;
	s0 =	sshrl.u32 @!p1 s0, $0x3  }
0x1c8: {  	s3 =	simm.s32 @!p1 $0x6800;
	s1 =	simm.s32 @!p1 $0x200;
	s0 =	sadd.s32 @!p1 s0, s23  }
0x1c9: {  	[tilespmem:s3], [sflag:$0x4] =	stream.strided.gather @!p1 [hbm4b:s0+s1], $0x2000, s2, s1, $0x38;
	[tilespmem:$0x18800] =	vst v63  }
0x1ca: {  	_ =	swait.ge [sflag:s14], $0x2000  }
0x1cb: {  	[sflag:s14] =	ssyncset.done $0x0  }
0x1cc: {  	s15 =	simm.s32 $0x0;
	s1 =	simm.s32 @!p0 $0xB;
	[sflag:s14] =	ssyncadd.s32 $0xFFFFE000  }
0x1cd: {  	s0 =	sand.u32 $0x60, s15;
	_ =	swait.ge @!p0 [sflag:s1], $0x2000  }
0x1ce: {  	s2 =	sand.u32 $0x780, s15;
	s5 =	sor.u32 $0x10, s0;
	[sflag:s1] =	ssyncset.done @!p0 $0x0  }
0x1cf: {  	s16 =	sor.u32 s5, s2;
	[sflag:s1] =	ssyncadd.s32 @!p0 $0xFFFFE000  }
0x1d0: {  	v0 =	vld [tilespmem:s16+$0x0];
	_ =	sdelay $0x4  }
0x1d1: {  	s17 =	simm.s32 $0x20;
	v1 =	vshll.u32 v0, $0x2  }
0x1d2: {  	s4 =	sand.u32 $0x60, s17;
	v0 =	vand.u32 $0x7F, v0;
	v1 =	vand.u32 $0xFFFFFE00, v1  }
0x1d3: {  	s19 =	sor.u32 $0x10, s4;
	s1 =	sand.u32 $0x780, s17;
	v1 =	vor.u32 v0, v1  }
0x1d4: {  	s1 =	sor.u32 s19, s1  }
0x1d5: {  	v0 =	vld [tilespmem:s1+$0x0];
	_ =	sdelay $0x2  }
0x1d6: {  	s18 =	simm.s32 $0x0;
	v2 =	vld.idx.msk [tilespmem:v1+s30+$0x0], $0xffff  }
0x1d7: {  	s21 =	simm.s32 $0x40;
	s20 =	simm.s32 $0x0;
	v5 =	vld [tilespmem:s18+$0x0];
	v3 =	vor.u32 $0x80, v1  }
0x1d8: {  	s3 =	sand.u32 $0x60, s21;
	s2 =	sand.u32 $0x1E00, s20;
	v4 =	vshll.u32 v0, $0x2  }
0x1d9: {  	s9 =	sor.u32 $0x10, s3;
	s22 =	sadd.s32 $0x14800, s2;
	s1 =	sand.u32 $0x780, s21;
	v0 =	vand.u32 $0x7F, v0;
	v4 =	vand.u32 $0xFFFFFE00, v4  }
0x1da: {  	s11 =	sor.u32 s5, s22;
	s1 =	sor.u32 s9, s1;
	v4 =	vor.u32 v0, v4  }
0x1db: {  	v0 =	vld [tilespmem:s1+$0x0];
	[tilespmem:s11+$0x0] =	vst v2  }
0x1dc: {  	v2 =	vld.idx.msk [tilespmem:v3+s30+$0x0], $0xffff;
	v3 =	vshll.u32 v5, $0x2  }
0x1dd: {  	v6 =	vor.u32 $0x100, v1;
	v5 =	vand.u32 $0x7F, v5;
	v3 =	vand.u32 $0xFFFFFE00, v3  }
0x1de: {  	v3 =	vor.u32 v5, v3  }
0x1df: {  	s10 =	sadd.s32 $0x14880, s2;
	v7 =	vld.idx.msk [tilespmem:v4+s30+$0x0], $0xffff  }
0x1e0: {  	s12 =	simm.s32 $0x80;
	s13 =	simm.s32 $0x20;
	s14 =	sor.u32 s5, s10;
	v5 =	vor.u32 $0x80, v4  }
0x1e1: {  	s8 =	sand.u32 $0x1E00, s12;
	v9 =	vld [tilespmem:s13+$0x0];
	v8 =	vshll.u32 v0, $0x2;
	[tilespmem:s14+$0x0] =	vst v2  }
0x1e2: {  	s12 =	sadd.s32 $0x14800, s8;
	v0 =	vand.u32 $0x7F, v0;
	v2 =	vand.u32 $0xFFFFFE00, v8;
	v6 =	vld.idx.msk [tilespmem:v6+s30+$0x0], $0xffff  }
0x1e3: {  	s15 =	simm.s32 $0x60;
	s16 =	sor.u32 s19, s12;
	v0 =	vor.u32 v0, v2;
	v2 =	vld.idx.msk [tilespmem:v3+s30+$0x0], $0xffff  }
0x1e4: {  	s1 =	sand.u32 $0x60, s15;
	[tilespmem:s16+$0x0] =	vst v7;
	v7 =	vor.u32 $0x80, v3  }
0x1e5: {  	v1 =	vor.u32 $0x180, v1;
	s6 =	sor.u32 $0x10, s1;
	s11 =	sand.u32 $0x780, s15;
	s15 =	sadd.s32 $0x14900, s2;
	v5 =	vld.idx.msk [tilespmem:v5+s30+$0x0], $0xffff  }
0x1e6: {  	v11 =	vor.u32 $0x100, v4;
	s11 =	sor.u32 s6, s11;
	s17 =	sor.u32 s5, s15  }
0x1e7: {  	s7 =	sor.u32 s0, s22;
	v10 =	vshll.u32 v9, $0x2;
	v8 =	vld [tilespmem:s11+$0x0];
	[tilespmem:s17+$0x0] =	vst v6  }
0x1e8: {  	v9 =	vand.u32 $0x7F, v9;
	v10 =	vand.u32 $0xFFFFFE00, v10;
	v6 =	vld.idx.msk [tilespmem:v0+s30+$0x0], $0xffff;
	s17 =	sadd.s32 $0x14880, s8;
	[tilespmem:s7+$0x0] =	vst v2  }
0x1e9: {  	s20 =	simm.s32 $0x100;
	v12 =	vor.u32 v9, v10;
	s18 =	sor.u32 s19, s17;
	v7 =	vld.idx.msk [tilespmem:v7+s30+$0x0], $0xffff  }
0x1ea: {  	s13 =	sand.u32 $0x1E00, s20;
	v13 =	vld.idx.msk [tilespmem:v1+s30+$0x0], $0xffff;
	v2 =	vor.u32 $0x80, v0;
	[tilespmem:s18+$0x0] =	vst v5  }
0x1eb: {  	s20 =	sadd.s32 $0x14800, s13;
	s21 =	simm.s32 $0x40;
	v9 =	vld.idx.msk [tilespmem:v11+s30+$0x0], $0xffff  }
0x1ec: {  	s22 =	sor.u32 s9, s20;
	v1 =	vshll.u32 v8, $0x2;
	v5 =	vor.u32 $0x100, v3;
	s18 =	simm.s32 $0x80;
	v11 =	vld [tilespmem:s21+$0x0]  }
0x1ed: {  	s10 =	sor.u32 s0, s10;
	v4 =	vor.u32 $0x180, v4;
	v8 =	vand.u32 $0x7F, v8;
	v1 =	vand.u32 $0xFFFFFE00, v1;
	s14 =	sand.u32 $0x60, s18;
	[tilespmem:s22+$0x0] =	vst v6  }
0x1ee: {  	s24 =	simm.s32 $0x400;
	v14 =	vld.idx.msk [tilespmem:v12+s30+$0x0], $0xffff;
	v1 =	vor.u32 v8, v1;
	s11 =	sand.u32 $0x780, s18;
	s16 =	sor.u32 $0x10, s14;
	[tilespmem:s10+$0x0] =	vst v7  }
0x1ef: {  	s21 =	sadd.s32 $0x14900, s8;
	v6 =	vor.u32 $0x80, v12;
	s7 =	sor.u32 s16, s11;
	v2 =	vld.idx.msk [tilespmem:v2+s30+$0x0], $0xffff;
	s10 =	rddreg [dreg:$0x10]  }
0x1f0: {  	s8 =	sadd.s32 $0x14980, s8;
	v8 =	vld [tilespmem:s7+$0x0];
	s7 =	sor.u32 s19, s21;
	s22 =	rddreg [dreg:$0x18]  }
0x1f1: {  	v17 =	vor.u32 $0x100, v0;
	v16 =	vld.idx.msk [tilespmem:v5+s30+$0x0], $0xffff;
	[tilespmem:s7+$0x0] =	vst v9;
	v5 =	vshll.u32 v11, $0x2;
	s7 =	sor.u32 s3, s20;
	s20 =	sadd.s32 $0x14880, s13;
	s11 =	sadd.s32 s22, s10  }
0x1f2: {  	s10 =	sor.u32 s4, s12;
	s22 =	sadd.s32 $0x14980, s2;
	s2 =	sor.u32 s4, s17;
	v10 =	vld.idx.msk [tilespmem:v4+s30+$0x0], $0xffff;
	v4 =	vand.u32 $0x7F, v11;
	v5 =	vand.u32 $0xFFFFFE00, v5  }
0x1f3: {  	v9 =	vld.idx.msk [tilespmem:v1+s30+$0x0], $0xffff;
	s17 =	sor.u32 s4, s21;
	s21 =	sor.u32 s9, s20;
	s5 =	sor.u32 s5, s22;
	[tilespmem:s10+$0x0] =	vst v14;
	v14 =	vor.u32 v4, v5  }
0x1f4: {  	v7 =	vor.u32 $0x180, v3;
	v3 =	vor.u32 $0x100, v12;
	s12 =	sor.u32 s0, s22;
	s22 =	simm.s32 $0x60;
	[tilespmem:s5+$0x0] =	vst v13;
	v11 =	vld.idx.msk [tilespmem:v6+s30+$0x0], $0xffff;
	s5 =	simm.s32 $0x180  }
0x1f5: {  	s15 =	sor.u32 s0, s15;
	s4 =	sor.u32 s4, s8;
	[tilespmem:s21+$0x0] =	vst v2;
	v2 =	vor.u32 $0x180, v12;
	v5 =	vor.u32 $0x80, v14;
	v15 =	vld [tilespmem:s22+$0x0];
	v13 =	vor.u32 $0x80, v1;
	s0 =	sand.u32 $0x1E00, s5  }
0x1f6: {  	s8 =	sor.u32 s19, s8;
	s10 =	sor.u32 s3, s20;
	v6 =	vor.u32 $0x100, v14;
	v4 =	vor.u32 $0x180, v14;
	v12 =	vld.idx.msk [tilespmem:v17+s30+$0x0], $0xffff;
	[tilespmem:s15+$0x0] =	vst v16;
	v16 =	vshll.u32 v8, $0x2;
	s15 =	sadd.s32 $0x14800, s0  }
.LBB2_15:
0x1f7: {  	s18 =	sadd.s32 $0x20, s18;
	s19 =	sor.u32 s1, s15;
	s15 =	sor.u32 s6, s15  }
0x1f8: {  	v8 =	vand.u32 $0x7F, v8;
	v16 =	vand.u32 $0xFFFFFE00, v16;
	v17 =	vld.idx.msk [tilespmem:v14+s30+$0x0], $0xffff;
	v14 =	vor.u32 $0x180, v0;
	[tilespmem:s8+$0x0] =	vst v10;
	v0 =	vmovc v1;
	s8 =	smov.u32 s3;
	s3 =	smov.u32 s1;
	s1 =	smov.u32 s14  }
0x1f9: {  	s20 =	smov.u32 s9;
	s14 =	sand.u32 $0x60, s18;
	p3 =	slt.u32 s18, $0x7E0;
	v1 =	vor.u32 v8, v16;
	[tilespmem:s15+$0x0] =	vst v9;
	v16 =	vld.idx.msk [tilespmem:v7+s30+$0x0], $0xffff;
	v7 =	vmov v2;
	v2 =	vmov v4  }
0x1fa: {  	s21 =	sadd.s32 $0x14900, s13;
	s9 =	sand.u32 $0x780, s18;
	s15 =	sor.u32 $0x10, s14;
	v18 =	vld.idx.msk [tilespmem:v13+s30+$0x0], $0xffff;
	[tilespmem:s2+$0x0] =	vst v11  }
0x1fb: {  	s22 =	sor.u32 s8, s21;
	s2 =	sor.u32 s15, s9;
	s9 =	sor.u32 s20, s21;
	v19 =	vld.idx.msk [tilespmem:v3+s30+$0x0], $0xffff;
	v3 =	vmov v6  }
0x1fc: {  	v8 =	vld [tilespmem:s2+$0x0];
	v4 =	vand.u32 $0x7F, v15;
	v6 =	vshll.u32 v15, $0x2;
	v15 =	vor.u32 $0x100, v0;
	[tilespmem:s9+$0x0] =	vst v12;
	s9 =	smov.u32 s6;
	s6 =	smov.u32 s16;
	s16 =	smov.u32 s15  }
0x1fd: {  	s15 =	smov.u32 s17;
	s17 =	smov.u32 s22;
	s2 =	smov.u32 s10;
	v6 =	vand.u32 $0xFFFFFE00, v6;
	v10 =	vld.idx.msk [tilespmem:v14+s30+$0x0], $0xffff  }
.Ltmp7:
0x1fe: {  	s21 =	sadd.s32 $0x14880, s0;
	v9 =	vld.idx.msk [tilespmem:v1+s30+$0x0], $0xffff;
	v14 =	vor.u32 v4, v6;
	[tilespmem:s7+$0x0] =	vst v17;
	s7 =	smov.u32 s19;
	(pc) =	sbr.rel @p3 .LBB2_15-.Ltmp7, $4  }
0x1ff: {  	s10 =	sor.u32 s3, s21;
	s19 =	sor.u32 s9, s21;
	s21 =	smov.u32 s13;
	v6 =	vor.u32 $0x100, v14;
	v4 =	vor.u32 $0x180, v14;
	v11 =	vld.idx.msk [tilespmem:v5+s30+$0x0], $0xffff;
	v5 =	vor.u32 $0x80, v14;
	[tilespmem:s12+$0x0] =	vst v16  }
0x200: {  	s5 =	sadd.s32 $0x80, s5;
	v13 =	vor.u32 $0x80, v1;
	s13 =	smov.u32 s0;
	s12 =	smov.u32 s4;
	[tilespmem:s19+$0x0] =	vst v18  }
0x201: {  	s0 =	sand.u32 $0x1E00, s5;
	s4 =	sshra.s32 s5, $0x2;
	s19 =	sadd.s32 $0x14980, s21;
	v12 =	vld.idx.msk [tilespmem:v15+s30+$0x0], $0xffff;
	[tilespmem:s15+$0x0] =	vst v19  }
0x202: {  	v16 =	vshll.u32 v8, $0x2;
	s15 =	sadd.s32 $0x14800, s0;
	v15 =	vld [tilespmem:s4+$0x0];
	s4 =	sor.u32 s8, s19;
	s8 =	sor.u32 s20, s19  }
0x203: {  	s5 =	sadd.s32 $0x80, s5  }
0x204: {  	s18 =	sshra.s32 s5, $0x2  }
0x205: {  	v17 =	vld [tilespmem:s18+$0x0];
	_ =	sdelay $0x2  }
0x206: {  	v8 =	vand.u32 $0x7F, v8;
	v16 =	vand.u32 $0xFFFFFE00, v16  }
0x207: {  	v8 =	vor.u32 v8, v16;
	v42 =	vshll.u32 v15, $0x2  }
0x208: {  	v43 =	vand.u32 $0x7F, v15;
	v16 =	vand.u32 $0xFFFFFE00, v42;
	v18 =	vshll.u32 v17, $0x2  }
0x209: {  	v15 =	vor.u32 v43, v16;
	v44 =	vand.u32 $0x7F, v17;
	v45 =	vand.u32 $0xFFFFFE00, v18  }
0x20a: {  	v16 =	vor.u32 v44, v45  }
0x20b: {  	v14 =	vld.idx.msk [tilespmem:v14+s30+$0x0], $0xffff  }
0x20c: {  	s22 =	sor.u32 s6, s15;
	[tilespmem:s8+$0x0] =	vst v10;
	v7 =	vld.idx.msk [tilespmem:v7+s30+$0x0], $0xffff  }
0x20d: {  	s8 =	sadd.s32 $0x14900, s13;
	[tilespmem:s22+$0x0] =	vst v9;
	v46 =	vld.idx.msk [tilespmem:v8+s30+$0x0], $0xffff  }
0x20e: {  	[tilespmem:s2+$0x0] =	vst v11;
	s18 =	sor.u32 s9, s8;
	v47 =	vor.u32 $0x80, v8;
	v48 =	vld.idx.msk [tilespmem:v15+s30+$0x0], $0xffff  }
0x20f: {  	s2 =	sand.u32 $0x1E00, s5;
	[tilespmem:s18+$0x0] =	vst v12;
	v49 =	vor.u32 $0x80, v15;
	v17 =	vld.idx.msk [tilespmem:v16+s30+$0x0], $0xffff  }
0x210: {  	v13 =	vld.idx.msk [tilespmem:v13+s30+$0x0], $0xffff;
	s5 =	sadd.s32 $0x14800, s2;
	[tilespmem:s7+$0x0] =	vst v14;
	v50 =	vor.u32 $0x80, v16  }
0x211: {  	v0 =	vor.u32 $0x180, v0;
	s19 =	sor.u32 s16, s5;
	[tilespmem:s12+$0x0] =	vst v7;
	v5 =	vld.idx.msk [tilespmem:v5+s30+$0x0], $0xffff  }
0x212: {  	s20 =	sor.u32 s1, s15;
	v3 =	vld.idx.msk [tilespmem:v3+s30+$0x0], $0xffff;
	[tilespmem:s19+$0x0] =	vst v46  }
0x213: {  	v51 =	vor.u32 $0x100, v1;
	s21 =	sadd.s32 $0x14880, s0;
	s5 =	sor.u32 s14, s5;
	v9 =	vld.idx.msk [tilespmem:v47+s30+$0x0], $0xffff;
	[tilespmem:s20+$0x0] =	vst v48  }
0x214: {  	s22 =	sor.u32 s6, s21;
	v52 =	vor.u32 $0x100, v8;
	v11 =	vld.idx.msk [tilespmem:v49+s30+$0x0], $0xffff;
	[tilespmem:s5+$0x0] =	vst v17  }
0x215: {  	v53 =	vor.u32 $0x100, v15;
	[tilespmem:s22+$0x0] =	vst v13;
	v54 =	vld.idx.msk [tilespmem:v50+s30+$0x0], $0xffff  }
0x216: {  	s15 =	sadd.s32 $0x14880, s2;
	v0 =	vld.idx.msk [tilespmem:v0+s30+$0x0], $0xffff;
	v55 =	vor.u32 $0x100, v16;
	[tilespmem:s10+$0x0] =	vst v5  }
0x217: {  	[tilespmem:s17+$0x0] =	vst v3;
	s17 =	sor.u32 s16, s15;
	v5 =	vld.idx.msk [tilespmem:v6+s30+$0x0], $0xffff  }
0x218: {  	s7 =	sor.u32 s1, s21;
	v7 =	vld.idx.msk [tilespmem:v51+s30+$0x0], $0xffff;
	[tilespmem:s17+$0x0] =	vst v9  }
0x219: {  	v56 =	vor.u32 $0x180, v1;
	s18 =	sadd.s32 $0x14980, s13;
	v57 =	vld.idx.msk [tilespmem:v52+s30+$0x0], $0xffff;
	s5 =	sor.u32 s14, s15;
	[tilespmem:s7+$0x0] =	vst v11  }
0x21a: {  	v8 =	vor.u32 $0x180, v8;
	s19 =	sor.u32 s9, s18;
	v58 =	vld.idx.msk [tilespmem:v53+s30+$0x0], $0xffff;
	[tilespmem:s5+$0x0] =	vst v54  }
0x21b: {  	v59 =	vor.u32 $0x180, v15;
	s22 =	sor.u32 s3, s8;
	[tilespmem:s19+$0x0] =	vst v0;
	s20 =	sadd.s32 $0x14900, s0;
	v60 =	vld.idx.msk [tilespmem:v55+s30+$0x0], $0xffff  }
0x21c: {  	s8 =	sadd.s32 $0x14900, s2;
	v2 =	vld.idx.msk [tilespmem:v2+s30+$0x0], $0xffff;
	v61 =	vor.u32 $0x180, v16;
	s21 =	sor.u32 s6, s20;
	[tilespmem:s22+$0x0] =	vst v5  }
0x21d: {  	s12 =	sor.u32 s16, s8;
	[tilespmem:s21+$0x0] =	vst v7;
	v4 =	vld.idx.msk [tilespmem:v4+s30+$0x0], $0xffff  }
0x21e: {  	s13 =	sor.u32 s1, s20;
	v1 =	vld.idx.msk [tilespmem:v56+s30+$0x0], $0xffff;
	[tilespmem:s12+$0x0] =	vst v57  }
0x21f: {  	v62 =	vld.idx.msk [tilespmem:v8+s30+$0x0], $0xffff;
	s5 =	sor.u32 s14, s8;
	[tilespmem:s13+$0x0] =	vst v58  }
0x220: {  	v63 =	vld.idx.msk [tilespmem:v59+s30+$0x0], $0xffff;
	[tilespmem:s5+$0x0] =	vst v60  }
0x221: {  	s18 =	sor.u32 s3, s18;
	[tilespmem:s4+$0x0] =	vst v2;
	s15 =	sadd.s32 $0x14980, s0;
	v0 =	vld.idx.msk [tilespmem:v61+s30+$0x0], $0xffff  }
0x222: {  	s2 =	sadd.s32 $0x14980, s2;
	s17 =	sor.u32 s6, s15;
	[tilespmem:s18+$0x0] =	vst v4  }
.Ltmp8:
0x223: {  	s19 =	sor.u32 s16, s2;
	[tilespmem:s17+$0x0] =	vst v1;
	(pc) =	sbr.rel @p2 .LBB2_18-.Ltmp8, $4  }
0x224: {  	s0 =	sor.u32 s1, s15;
	[tilespmem:s19+$0x0] =	vst v62  }
0x225: {  	s3 =	sshll.u32 s11, $0x8;
	s20 =	sor.u32 s14, s2;
	s21 =	rddreg [dreg:$0x2];
	[tilespmem:s0+$0x0] =	vst v63  }
0x226: {  	s22 =	simm.s32 $0x14800;
	s1 =	simm.s32 $0x200;
	s0 =	sadd.s32 s21, s3;
	[tilespmem:s20+$0x0] =	vst v0  }
0x227: {  	[hbm4b:s0+s1] =	stream.strided.scatter [tilespmem:s22], [sflag:$0xB], $0x2000, s24, s1, $0x38;
	[tilespmem:$0x18800] =	vst v63  }
.Ltmp9:
0x228: {  	(pc) =	sbr.rel .LBB2_19-.Ltmp9, $4  }
0x229: {  	s0 =	simm.s32 $0x6  }
0x22a: {  	_ =	swait.ge [sflag:s0], $0x2000  }
0x22b: {  	[sflag:s0] =	ssyncset.done $0x0  }
0x22c: {  	[sflag:s0] =	ssyncadd.s32 $0xFFFFE000  }
.LBB2_18:
0x22d: {  	s0 =	rddreg [dreg:$0x11]  }
0x22e: {  	s2 =	rddreg [dreg:$0x17]  }
0x22f: {  	s0 =	sadd.s32 s0, s2  }
0x230: {  	s21 =	rddreg [dreg:$0x0];
	s0 =	sshrl.u32 s0, $0x3  }
.Ltmp10:
0x231: {  	s22 =	simm.s32 $0x6;
	s0 =	sadd.s32 s21, s0;
	(pc) =	sbr.rel @p0 .LBB2_20-.Ltmp10, $4  }
0x232: {  	[tilespmem:s30], [sflag:$0x5] =	stream.strided.gather [hbm4b:s0+s1], $0x2000, s24, s1, $0x38;
	[tilespmem:$0x18800] =	vst v63  }
0x233: {  	_ =	swait.ge [sflag:s22], $0x2000  }
0x234: {  	[sflag:s22] =	ssyncset.done $0x0  }
0x235: {  	[sflag:s22] =	ssyncadd.s32 $0xFFFFE000  }
.LBB2_19:
0x236: {  	s0 =	simm.s32 $0xC  }
0x237: {  	_ =	swait.ge [sflag:s0], $0x2000  }
0x238: {  	[sflag:s0] =	ssyncset.done $0x0  }
0x239: {  	[sflag:s0] =	ssyncadd.s32 $0xFFFFE000  }
.LBB2_20:
0x23a: {  	s0 =	simm.s32 $0x0  }
0x23b: {  	s7 =	sand.u32 $0x60, s0  }
0x23c: {  	s0 =	sand.u32 $0x780, s0;
	s5 =	sor.u32 $0x10, s7  }
0x23d: {  	s0 =	sor.u32 s5, s0  }
0x23e: {  	v0 =	vld [tilespmem:s0+$0x0];
	_ =	sdelay $0x3  }
0x23f: {  	s14 =	simm.s32 $0x20  }
0x240: {  	s4 =	sand.u32 $0x60, s14;
	v1 =	vshll.u32 v0, $0x2  }
0x241: {  	s19 =	sor.u32 $0x10, s4;
	s0 =	sand.u32 $0x780, s14;
	v0 =	vand.u32 $0x7F, v0;
	v1 =	vand.u32 $0xFFFFFE00, v1  }
0x242: {  	s0 =	sor.u32 s19, s0;
	v1 =	vor.u32 v0, v1  }
0x243: {  	v0 =	vld [tilespmem:s0+$0x0];
	_ =	sdelay $0x3  }
0x244: {  	s15 =	simm.s32 $0x0;
	v2 =	vld.idx.msk [tilespmem:v1+s31+$0x0], $0xffff  }
0x245: {  	s1 =	simm.s32 $0x0;
	s16 =	simm.s32 $0x40;
	v5 =	vld [tilespmem:s15+$0x0];
	v3 =	vor.u32 $0x80, v1;
	v4 =	vshll.u32 v0, $0x2  }
0x246: {  	s2 =	sand.u32 $0x1E00, s1;
	s1 =	sand.u32 $0x60, s16;
	v0 =	vand.u32 $0x7F, v0;
	v4 =	vand.u32 $0xFFFFFE00, v4  }
0x247: {  	s10 =	sadd.s32 $0x16800, s2;
	s11 =	sor.u32 $0x10, s1;
	s0 =	sand.u32 $0x780, s16;
	v4 =	vor.u32 v0, v4  }
0x248: {  	s6 =	sor.u32 s5, s10;
	s0 =	sor.u32 s11, s0  }
0x249: {  	v0 =	vld [tilespmem:s0+$0x0];
	[tilespmem:s6+$0x0] =	vst v2  }
0x24a: {  	v2 =	vld.idx.msk [tilespmem:v3+s31+$0x0], $0xffff;
	v3 =	vshll.u32 v5, $0x2  }
0x24b: {  	v6 =	vor.u32 $0x100, v1;
	v5 =	vand.u32 $0x7F, v5;
	v3 =	vand.u32 $0xFFFFFE00, v3  }
0x24c: {  	s18 =	simm.s32 $0x20;
	v7 =	vld.idx.msk [tilespmem:v4+s31+$0x0], $0xffff;
	v3 =	vor.u32 v5, v3  }
0x24d: {  	s17 =	simm.s32 $0x80;
	v9 =	vld [tilespmem:s18+$0x0];
	s15 =	sadd.s32 $0x16880, s2;
	v5 =	vor.u32 $0x80, v4  }
0x24e: {  	s8 =	sand.u32 $0x1E00, s17;
	s9 =	sor.u32 s5, s15;
	v8 =	vshll.u32 v0, $0x2  }
0x24f: {  	s20 =	simm.s32 $0x60;
	s16 =	sadd.s32 $0x16800, s8;
	v0 =	vand.u32 $0x7F, v0;
	[tilespmem:s9+$0x0] =	vst v2;
	v2 =	vand.u32 $0xFFFFFE00, v8  }
0x250: {  	s21 =	sor.u32 s19, s16;
	s6 =	sand.u32 $0x60, s20;
	v6 =	vld.idx.msk [tilespmem:v6+s31+$0x0], $0xffff;
	v0 =	vor.u32 v0, v2  }
0x251: {  	v1 =	vor.u32 $0x180, v1;
	s0 =	sand.u32 $0x780, s20;
	s9 =	sor.u32 $0x10, s6;
	[tilespmem:s21+$0x0] =	vst v7;
	v2 =	vld.idx.msk [tilespmem:v3+s31+$0x0], $0xffff  }
0x252: {  	v10 =	vshll.u32 v9, $0x2;
	v7 =	vor.u32 $0x80, v3;
	s0 =	sor.u32 s9, s0;
	v5 =	vld.idx.msk [tilespmem:v5+s31+$0x0], $0xffff  }
0x253: {  	s17 =	sadd.s32 $0x16900, s2;
	s14 =	simm.s32 $0x40;
	v9 =	vand.u32 $0x7F, v9;
	v10 =	vand.u32 $0xFFFFFE00, v10;
	v11 =	vor.u32 $0x100, v4;
	v8 =	vld [tilespmem:s0+$0x0]  }
0x254: {  	s22 =	sor.u32 s5, s17;
	v12 =	vor.u32 v9, v10;
	v10 =	vld [tilespmem:s14+$0x0]  }
0x255: {  	s18 =	sadd.s32 $0x16880, s8;
	s10 =	sor.u32 s7, s10;
	[tilespmem:s22+$0x0] =	vst v6;
	v6 =	vld.idx.msk [tilespmem:v0+s31+$0x0], $0xffff  }
0x256: {  	s13 =	simm.s32 $0x100;
	s12 =	sor.u32 s19, s18;
	v13 =	vld.idx.msk [tilespmem:v1+s31+$0x0], $0xffff;
	[tilespmem:s10+$0x0] =	vst v2;
	v2 =	vor.u32 $0x80, v0  }
0x257: {  	s0 =	sand.u32 $0x1E00, s13;
	[tilespmem:s12+$0x0] =	vst v5;
	v7 =	vld.idx.msk [tilespmem:v7+s31+$0x0], $0xffff  }
0x258: {  	s20 =	sadd.s32 $0x16800, s0;
	v5 =	vor.u32 $0x100, v3;
	v1 =	vshll.u32 v8, $0x2;
	s12 =	simm.s32 $0x80;
	v9 =	vld.idx.msk [tilespmem:v11+s31+$0x0], $0xffff  }
0x259: {  	v4 =	vor.u32 $0x180, v4;
	s21 =	sor.u32 s11, s20;
	v8 =	vand.u32 $0x7F, v8;
	v1 =	vand.u32 $0xFFFFFE00, v1;
	s14 =	sand.u32 $0x60, s12  }
0x25a: {  	v11 =	vld.idx.msk [tilespmem:v12+s31+$0x0], $0xffff;
	s22 =	sand.u32 $0x780, s12;
	v1 =	vor.u32 v8, v1;
	s13 =	sor.u32 $0x10, s14;
	[tilespmem:s21+$0x0] =	vst v6  }
0x25b: {  	s15 =	sor.u32 s7, s15;
	s10 =	sor.u32 s13, s22;
	v6 =	vor.u32 $0x80, v12;
	s21 =	sadd.s32 $0x16900, s8;
	v2 =	vld.idx.msk [tilespmem:v2+s31+$0x0], $0xffff  }
0x25c: {  	v15 =	vor.u32 $0x100, v0;
	v8 =	vld [tilespmem:s10+$0x0];
	s10 =	sor.u32 s19, s21;
	[tilespmem:s15+$0x0] =	vst v7  }
0x25d: {  	s22 =	sor.u32 s7, s17;
	s17 =	sadd.s32 $0x16980, s2;
	s2 =	sor.u32 s4, s18;
	[tilespmem:s10+$0x0] =	vst v9;
	v16 =	vld.idx.msk [tilespmem:v5+s31+$0x0], $0xffff;
	v5 =	vshll.u32 v10, $0x2  }
0x25e: {  	s18 =	sadd.s32 $0x16880, s0;
	s8 =	sadd.s32 $0x16980, s8;
	s15 =	sor.u32 s4, s16;
	v9 =	vld.idx.msk [tilespmem:v4+s31+$0x0], $0xffff;
	v4 =	vand.u32 $0x7F, v10;
	v5 =	vand.u32 $0xFFFFFE00, v5  }
0x25f: {  	s10 =	sor.u32 s7, s17;
	s7 =	sor.u32 s1, s20;
	s20 =	sor.u32 s11, s18;
	v10 =	vld.idx.msk [tilespmem:v1+s31+$0x0], $0xffff;
	[tilespmem:s15+$0x0] =	vst v11;
	v14 =	vor.u32 v4, v5  }
0x260: {  	s16 =	sor.u32 s5, s17;
	v7 =	vor.u32 $0x180, v3;
	v3 =	vor.u32 $0x100, v12;
	s17 =	sor.u32 s4, s21;
	s5 =	simm.s32 $0x180;
	v11 =	vld.idx.msk [tilespmem:v6+s31+$0x0], $0xffff;
	[tilespmem:s20+$0x0] =	vst v2  }
0x261: {  	s18 =	sor.u32 s1, s18;
	s21 =	simm.s32 $0x60;
	[tilespmem:s16+$0x0] =	vst v13;
	s16 =	sand.u32 $0x1E00, s5;
	v13 =	vor.u32 $0x80, v1;
	v2 =	vor.u32 $0x180, v12;
	v5 =	vor.u32 $0x80, v14;
	v12 =	vld.idx.msk [tilespmem:v15+s31+$0x0], $0xffff  }
0x262: {  	s4 =	sor.u32 s4, s8;
	s8 =	sor.u32 s19, s8;
	s15 =	sadd.s32 $0x16800, s16;
	v6 =	vor.u32 $0x100, v14;
	v4 =	vor.u32 $0x180, v14;
	v15 =	vld [tilespmem:s21+$0x0];
	[tilespmem:s22+$0x0] =	vst v16;
	v16 =	vshll.u32 v8, $0x2  }
.LBB2_21:
0x263: {  	s12 =	sadd.s32 $0x20, s12;
	s19 =	sor.u32 s6, s15;
	s15 =	sor.u32 s9, s15  }
0x264: {  	v8 =	vand.u32 $0x7F, v8;
	v16 =	vand.u32 $0xFFFFFE00, v16;
	v17 =	vld.idx.msk [tilespmem:v14+s31+$0x0], $0xffff;
	v14 =	vor.u32 $0x180, v0;
	[tilespmem:s8+$0x0] =	vst v9;
	v0 =	vmovc v1;
	s8 =	smov.u32 s1;
	s1 =	smov.u32 s6;
	s6 =	smov.u32 s14  }
0x265: {  	s20 =	smov.u32 s11;
	s14 =	sand.u32 $0x60, s12;
	p0 =	slt.u32 s12, $0x7E0;
	v1 =	vor.u32 v8, v16;
	[tilespmem:s15+$0x0] =	vst v10;
	v16 =	vld.idx.msk [tilespmem:v7+s31+$0x0], $0xffff;
	v7 =	vmov v2;
	v2 =	vmov v4  }
0x266: {  	s21 =	sadd.s32 $0x16900, s0;
	s11 =	sand.u32 $0x780, s12;
	s15 =	sor.u32 $0x10, s14;
	v18 =	vld.idx.msk [tilespmem:v13+s31+$0x0], $0xffff;
	[tilespmem:s2+$0x0] =	vst v11  }
0x267: {  	s22 =	sor.u32 s8, s21;
	s2 =	sor.u32 s15, s11;
	s11 =	sor.u32 s20, s21;
	v19 =	vld.idx.msk [tilespmem:v3+s31+$0x0], $0xffff;
	v3 =	vmov v6  }
0x268: {  	v8 =	vld [tilespmem:s2+$0x0];
	v4 =	vand.u32 $0x7F, v15;
	v6 =	vshll.u32 v15, $0x2;
	v15 =	vor.u32 $0x100, v0;
	[tilespmem:s11+$0x0] =	vst v12;
	s11 =	smov.u32 s9;
	s9 =	smov.u32 s13;
	s13 =	smov.u32 s15  }
0x269: {  	s15 =	smov.u32 s17;
	s17 =	smov.u32 s22;
	s2 =	smov.u32 s18;
	v6 =	vand.u32 $0xFFFFFE00, v6;
	v9 =	vld.idx.msk [tilespmem:v14+s31+$0x0], $0xffff  }
.Ltmp11:
0x26a: {  	s21 =	sadd.s32 $0x16880, s16;
	v10 =	vld.idx.msk [tilespmem:v1+s31+$0x0], $0xffff;
	v14 =	vor.u32 v4, v6;
	[tilespmem:s7+$0x0] =	vst v17;
	s7 =	smov.u32 s19;
	(pc) =	sbr.rel @p0 .LBB2_21-.Ltmp11, $4  }
0x26b: {  	s18 =	sor.u32 s1, s21;
	s19 =	sor.u32 s11, s21;
	s21 =	smov.u32 s0;
	v6 =	vor.u32 $0x100, v14;
	v4 =	vor.u32 $0x180, v14;
	v11 =	vld.idx.msk [tilespmem:v5+s31+$0x0], $0xffff;
	v5 =	vor.u32 $0x80, v14;
	[tilespmem:s10+$0x0] =	vst v16  }
0x26c: {  	s5 =	sadd.s32 $0x80, s5;
	v13 =	vor.u32 $0x80, v1;
	s0 =	smov.u32 s16;
	s10 =	smov.u32 s4;
	[tilespmem:s19+$0x0] =	vst v18  }
0x26d: {  	s16 =	sand.u32 $0x1E00, s5;
	s4 =	sshra.s32 s5, $0x2;
	s19 =	sadd.s32 $0x16980, s21;
	v12 =	vld.idx.msk [tilespmem:v15+s31+$0x0], $0xffff;
	[tilespmem:s15+$0x0] =	vst v19  }
0x26e: {  	v16 =	vshll.u32 v8, $0x2;
	s15 =	sadd.s32 $0x16800, s16;
	v15 =	vld [tilespmem:s4+$0x0];
	s4 =	sor.u32 s8, s19;
	s8 =	sor.u32 s20, s19  }
0x26f: {  	s5 =	sadd.s32 $0x80, s5  }
0x270: {  	s12 =	sshra.s32 s5, $0x2  }
0x271: {  	v17 =	vld [tilespmem:s12+$0x0];
	_ =	sdelay $0x2  }
0x272: {  	v8 =	vand.u32 $0x7F, v8;
	v16 =	vand.u32 $0xFFFFFE00, v16  }
0x273: {  	v8 =	vor.u32 v8, v16;
	v42 =	vshll.u32 v15, $0x2  }
0x274: {  	v43 =	vand.u32 $0x7F, v15;
	v16 =	vand.u32 $0xFFFFFE00, v42;
	v18 =	vshll.u32 v17, $0x2  }
0x275: {  	v15 =	vor.u32 v43, v16;
	v44 =	vand.u32 $0x7F, v17;
	v45 =	vand.u32 $0xFFFFFE00, v18  }
0x276: {  	v16 =	vor.u32 v44, v45  }
0x277: {  	v14 =	vld.idx.msk [tilespmem:v14+s31+$0x0], $0xffff  }
0x278: {  	s22 =	sor.u32 s9, s15;
	[tilespmem:s8+$0x0] =	vst v9;
	v7 =	vld.idx.msk [tilespmem:v7+s31+$0x0], $0xffff  }
0x279: {  	s8 =	sadd.s32 $0x16900, s0;
	[tilespmem:s22+$0x0] =	vst v10;
	v46 =	vld.idx.msk [tilespmem:v8+s31+$0x0], $0xffff  }
0x27a: {  	[tilespmem:s2+$0x0] =	vst v11;
	s19 =	sor.u32 s11, s8;
	v47 =	vor.u32 $0x80, v8;
	v48 =	vld.idx.msk [tilespmem:v15+s31+$0x0], $0xffff  }
0x27b: {  	s2 =	sand.u32 $0x1E00, s5;
	[tilespmem:s19+$0x0] =	vst v12;
	v49 =	vor.u32 $0x80, v15;
	v17 =	vld.idx.msk [tilespmem:v16+s31+$0x0], $0xffff  }
0x27c: {  	v13 =	vld.idx.msk [tilespmem:v13+s31+$0x0], $0xffff;
	s5 =	sadd.s32 $0x16800, s2;
	[tilespmem:s7+$0x0] =	vst v14;
	v50 =	vor.u32 $0x80, v16  }
0x27d: {  	v0 =	vor.u32 $0x180, v0;
	v3 =	vld.idx.msk [tilespmem:v3+s31+$0x0], $0xffff;
	s20 =	sor.u32 s13, s5;
	[tilespmem:s10+$0x0] =	vst v7  }
0x27e: {  	s21 =	sor.u32 s6, s15;
	v51 =	vor.u32 $0x100, v1;
	v5 =	vld.idx.msk [tilespmem:v5+s31+$0x0], $0xffff;
	[tilespmem:s20+$0x0] =	vst v46  }
0x27f: {  	s22 =	sadd.s32 $0x16880, s16;
	s5 =	sor.u32 s14, s5;
	v9 =	vld.idx.msk [tilespmem:v47+s31+$0x0], $0xffff;
	[tilespmem:s21+$0x0] =	vst v48  }
0x280: {  	s12 =	sor.u32 s9, s22;
	v52 =	vor.u32 $0x100, v8;
	v11 =	vld.idx.msk [tilespmem:v49+s31+$0x0], $0xffff;
	[tilespmem:s5+$0x0] =	vst v17  }
0x281: {  	v53 =	vor.u32 $0x100, v15;
	[tilespmem:s12+$0x0] =	vst v13;
	v54 =	vld.idx.msk [tilespmem:v50+s31+$0x0], $0xffff  }
0x282: {  	s15 =	sadd.s32 $0x16880, s2;
	v0 =	vld.idx.msk [tilespmem:v0+s31+$0x0], $0xffff;
	[tilespmem:s17+$0x0] =	vst v3;
	v55 =	vor.u32 $0x100, v16  }
0x283: {  	s17 =	sor.u32 s13, s15;
	v7 =	vld.idx.msk [tilespmem:v51+s31+$0x0], $0xffff;
	[tilespmem:s18+$0x0] =	vst v5  }
0x284: {  	v56 =	vor.u32 $0x180, v1;
	s7 =	sor.u32 s6, s22;
	v5 =	vld.idx.msk [tilespmem:v6+s31+$0x0], $0xffff;
	[tilespmem:s17+$0x0] =	vst v9  }
0x285: {  	s18 =	sadd.s32 $0x16980, s0;
	v57 =	vld.idx.msk [tilespmem:v52+s31+$0x0], $0xffff;
	s5 =	sor.u32 s14, s15;
	[tilespmem:s7+$0x0] =	vst v11  }
0x286: {  	v8 =	vor.u32 $0x180, v8;
	s20 =	sadd.s32 $0x16900, s16;
	s19 =	sor.u32 s11, s18;
	v58 =	vld.idx.msk [tilespmem:v53+s31+$0x0], $0xffff;
	[tilespmem:s5+$0x0] =	vst v54  }
0x287: {  	v59 =	vor.u32 $0x180, v15;
	[tilespmem:s19+$0x0] =	vst v0;
	s21 =	sor.u32 s9, s20;
	v60 =	vld.idx.msk [tilespmem:v55+s31+$0x0], $0xffff  }
0x288: {  	s22 =	sor.u32 s1, s8;
	s8 =	sadd.s32 $0x16900, s2;
	v2 =	vld.idx.msk [tilespmem:v2+s31+$0x0], $0xffff;
	v61 =	vor.u32 $0x180, v16;
	[tilespmem:s21+$0x0] =	vst v7  }
0x289: {  	s11 =	sor.u32 s13, s8;
	[tilespmem:s22+$0x0] =	vst v5;
	v1 =	vld.idx.msk [tilespmem:v56+s31+$0x0], $0xffff  }
0x28a: {  	s12 =	sor.u32 s6, s20;
	v4 =	vld.idx.msk [tilespmem:v4+s31+$0x0], $0xffff;
	[tilespmem:s11+$0x0] =	vst v57  }
0x28b: {  	v62 =	vld.idx.msk [tilespmem:v8+s31+$0x0], $0xffff;
	s5 =	sor.u32 s14, s8;
	[tilespmem:s12+$0x0] =	vst v58  }
0x28c: {  	s15 =	sadd.s32 $0x16980, s16;
	v63 =	vld.idx.msk [tilespmem:v59+s31+$0x0], $0xffff;
	[tilespmem:s5+$0x0] =	vst v60  }
0x28d: {  	[tilespmem:s4+$0x0] =	vst v2;
	s16 =	sor.u32 s9, s15;
	v0 =	vld.idx.msk [tilespmem:v61+s31+$0x0], $0xffff  }
0x28e: {  	s0 =	sor.u32 s1, s18;
	s17 =	sadd.s32 $0x16980, s2;
	[tilespmem:s16+$0x0] =	vst v1  }
0x28f: {  	s18 =	sor.u32 s13, s17;
	[tilespmem:s0+$0x0] =	vst v4  }
0x290: {  	s19 =	sor.u32 s6, s15;
	[tilespmem:s18+$0x0] =	vst v62  }
.Ltmp12:
0x291: {  	s20 =	sor.u32 s14, s17;
	[tilespmem:s19+$0x0] =	vst v63;
	(pc) =	sbr.rel @p1 .LBB2_24-.Ltmp12, $4  }
0x292: {  	[tilespmem:s20+$0x0] =	vst v0  }
0x293: {  	s21 =	sand.u32 $0x7FF800, s3;
	s0 =	rddreg [dreg:$0xd]  }
0x294: {  	s22 =	simm.s32 $0x16800;
	s20 =	simm.s32 $0x200;
	s0 =	sadd.s32 s21, s0  }
0x295: {  	[hbm4b:s0+s20] =	stream.strided.scatter [tilespmem:s22], [sflag:$0xC], $0x2000, s24, s20, $0x38;
	[tilespmem:$0x18800] =	vst v63  }
0x296: {  	s0 =	rddreg [dreg:$0x11]  }
0x297: {  	s1 =	rddreg [dreg:$0x17]  }
.Ltmp13:
0x298: {  	s0 =	sadd.s32 s0, s1;
	(pc) =	sbr.rel .LBB2_2-.Ltmp13, $4  }
0x299: {  	s0 =	sshrl.u32 s0, $0x3  }
0x29a: {  	s0 =	sadd.s32 s0, s23;
	s23 =	rddreg [dreg:$0x16]  }
0x29b: {  	[tilespmem:s31], [sflag:$0x6] =	stream.strided.gather [hbm4b:s0+s20], $0x2000, s24, s20, $0x38;
	[tilespmem:$0x18800] =	vst v63  }
0x29c: {  	s1 =	sadd.s32 $0x1, s23  }
.LBB2_24:
0x29d: {  	s0 =	simm.s32 $0x1  }
0x29e: {  	_ =	swait.ge [sflag:s0], $0x2000  }
0x29f: {  	[sflag:s0] =	ssyncset.done $0x0  }
0x2a0: {  	s22 =	simm.s32 $0x7;
	s19 =	simm.s32 $0x0;
	[sflag:s0] =	ssyncadd.s32 $0xFFFFE000  }
0x2a1: {  	s2 =	simm.s32 $0x20;
	s1 =	sand.u32 $0x60, s19;
	_ =	swait.ge [sflag:s22], $0x2000  }
0x2a2: {  	s5 =	sor.u32 $0x10, s1;
	s0 =	sand.u32 $0x780, s19;
	[sflag:s22] =	ssyncset.done $0x0  }
0x2a3: {  	s3 =	sand.u32 $0x60, s2;
	s0 =	sor.u32 s5, s0;
	[sflag:s22] =	ssyncadd.s32 $0xFFFFE000  }
0x2a4: {  	s2 =	sand.u32 $0x780, s2;
	s20 =	sor.u32 $0x10, s3;
	v0 =	vld [tilespmem:s0+$0x0]  }
0x2a5: {  	s2 =	sor.u32 s20, s2  }
0x2a6: {  	v1 =	vld [tilespmem:s2+$0x0];
	_ =	sdelay $0x2  }
0x2a7: {  	v2 =	vshll.u32 v0, $0x2  }
0x2a8: {  	v0 =	vand.u32 $0x7F, v0;
	v2 =	vand.u32 $0xFFFFFE00, v2  }
0x2a9: {  	s6 =	simm.s32 $0x40;
	v0 =	vor.u32 v0, v2;
	v2 =	vshll.u32 v1, $0x2  }
0x2aa: {  	s2 =	sand.u32 $0x60, s6;
	v1 =	vand.u32 $0x7F, v1;
	v2 =	vand.u32 $0xFFFFFE00, v2  }
0x2ab: {  	s7 =	simm.s32 $0x0;
	s6 =	sand.u32 $0x780, s6;
	s4 =	sor.u32 $0x10, s2;
	v2 =	vor.u32 v1, v2  }
0x2ac: {  	s6 =	sor.u32 s4, s6;
	v1 =	vld [tilespmem:s7+$0x0]  }
0x2ad: {  	v3 =	vld [tilespmem:s6+$0x0]  }
0x2ae: {  	v4 =	vld.idx.msk [tilespmem:v0+s25+$0x0], $0xffff  }
0x2af: {  	s23 =	simm.s32 $0x0;
	v5 =	vor.u32 $0x80, v0  }
0x2b0: {  	s11 =	sand.u32 $0x1E00, s23;
	v6 =	vld.idx.msk [tilespmem:v2+s25+$0x0], $0xffff  }
0x2b1: {  	s12 =	simm.s32 $0x80;
	s8 =	sadd.s32 $0xC800, s11;
	v8 =	vor.u32 $0x80, v2;
	v7 =	vshll.u32 v1, $0x2  }
0x2b2: {  	s13 =	sand.u32 $0x1E00, s12;
	s11 =	sor.u32 s5, s8;
	v9 =	vshll.u32 v3, $0x2;
	v1 =	vand.u32 $0x7F, v1;
	v7 =	vand.u32 $0xFFFFFE00, v7  }
0x2b3: {  	s9 =	simm.s32 $0x60;
	s12 =	sadd.s32 $0xC800, s13;
	[tilespmem:s11+$0x0] =	vst v4;
	v4 =	vor.u32 v1, v7;
	v1 =	vand.u32 $0x7F, v3;
	v3 =	vand.u32 $0xFFFFFE00, v9  }
0x2b4: {  	s14 =	simm.s32 $0x20;
	s13 =	sor.u32 s20, s12;
	s7 =	sand.u32 $0x60, s9;
	v5 =	vld.idx.msk [tilespmem:v5+s25+$0x0], $0xffff;
	v3 =	vor.u32 v1, v3  }
0x2b5: {  	s15 =	sand.u32 $0x780, s9;
	s5 =	sor.u32 $0x10, s7;
	v1 =	vld [tilespmem:s14+$0x0];
	[tilespmem:s13+$0x0] =	vst v6  }
0x2b6: {  	s0 =	sor.u32 s5, s15;
	v6 =	vor.u32 $0x100, v0;
	v7 =	vld.idx.msk [tilespmem:v8+s25+$0x0], $0xffff  }
0x2b7: {  	v9 =	vor.u32 $0x100, v2;
	v8 =	vld [tilespmem:s0+$0x0]  }
0x2b8: {  	v10 =	vld.idx.msk [tilespmem:v4+s25+$0x0], $0xffff  }
0x2b9: {  	v11 =	vor.u32 $0x80, v4;
	v12 =	vld.idx.msk [tilespmem:v3+s25+$0x0], $0xffff  }
0x2ba: {  	s0 =	simm.s32 $0x100;
	[tilespmem:s11+$0x80] =	vst v5;
	v5 =	vor.u32 $0x80, v3  }
0x2bb: {  	s10 =	simm.s32 $0x40;
	v0 =	vor.u32 $0x180, v0;
	s16 =	sand.u32 $0x1E00, s0;
	v13 =	vshll.u32 v1, $0x2;
	v6 =	vld.idx.msk [tilespmem:v6+s25+$0x0], $0xffff;
	[tilespmem:s13+$0x80] =	vst v7  }
0x2bc: {  	s8 =	sor.u32 s1, s8;
	s14 =	simm.s32 $0x80;
	s9 =	sadd.s32 $0xC800, s16;
	v1 =	vand.u32 $0x7F, v1;
	v7 =	vand.u32 $0xFFFFFE00, v13;
	v13 =	vshll.u32 v8, $0x2;
	v9 =	vld.idx.msk [tilespmem:v9+s25+$0x0], $0xffff  }
0x2bd: {  	s1 =	sand.u32 $0x60, s14;
	v7 =	vor.u32 v1, v7;
	v1 =	vand.u32 $0x7F, v8;
	v8 =	vand.u32 $0xFFFFFE00, v13;
	v13 =	vld [tilespmem:s10+$0x0];
	s10 =	sor.u32 s4, s9;
	[tilespmem:s8+$0x0] =	vst v10  }
0x2be: {  	s14 =	sand.u32 $0x780, s14;
	s4 =	sor.u32 $0x10, s1;
	v1 =	vor.u32 v1, v8;
	[tilespmem:s10+$0x0] =	vst v12;
	v8 =	vld.idx.msk [tilespmem:v11+s25+$0x0], $0xffff  }
0x2bf: {  	v2 =	vor.u32 $0x180, v2;
	s14 =	sor.u32 s4, s14;
	v5 =	vld.idx.msk [tilespmem:v5+s25+$0x0], $0xffff  }
0x2c0: {  	v10 =	vor.u32 $0x100, v4;
	[tilespmem:s11+$0x100] =	vst v6;
	v6 =	vld [tilespmem:s14+$0x0]  }
0x2c1: {  	v12 =	vld.idx.msk [tilespmem:v0+s25+$0x0], $0xffff;
	v0 =	vor.u32 $0x100, v3  }
0x2c2: {  	s17 =	simm.s32 $0x1;
	v11 =	vld.idx.msk [tilespmem:v7+s25+$0x0], $0xffff  }
0x2c3: {  	s18 =	sand.u32 $0x3, s17;
	s19 =	simm.s32 $0xA0;
	s6 =	sand.u32 $0x3, s23;
	[tilespmem:s13+$0x100] =	vst v9;
	v14 =	vld.idx.msk [tilespmem:v1+s25+$0x0], $0xffff  }
0x2c4: {  	s20 =	simm.s32 $0x60;
	s6 =	sshll.u32 s6, $0x5;
	s14 =	sor.u32 s3, s12;
	v9 =	vor.u32 $0x80, v7;
	v15 =	vand.u32 $0x7F, v13;
	v13 =	vshll.u32 v13, $0x2;
	v2 =	vld.idx.msk [tilespmem:v2+s25+$0x0], $0xffff;
	[tilespmem:s8+$0x80] =	vst v8  }
0x2c5: {  	s11 =	sadd.s32 $0x0, s6;
	s3 =	simm.s32 $0x180;
	s6 =	sand.u32 $0x60, s19;
	v8 =	vand.u32 $0xFFFFFE00, v13;
	v13 =	vor.u32 $0x80, v1;
	v16 =	vshll.u32 v6, $0x2;
	[tilespmem:s10+$0x80] =	vst v5;
	v5 =	vld.idx.msk [tilespmem:v10+s25+$0x0], $0xffff  }
0x2c6: {  	s17 =	sand.u32 $0x780, s19;
	s15 =	sand.u32 $0x1E00, s3;
	s16 =	sor.u32 $0x10, s6;
	v15 =	vor.u32 v15, v8;
	v6 =	vand.u32 $0x7F, v6;
	v8 =	vand.u32 $0xFFFFFE00, v16;
	v16 =	vld.idx.msk [tilespmem:v0+s25+$0x0], $0xffff  }
0x2c7: {  	s12 =	sshll.u32 s18, $0x5;
	s15 =	sadd.s32 $0xC800, s15;
	s23 =	sor.u32 s16, s17;
	v0 =	vor.u32 v6, v8;
	v6 =	vld [tilespmem:s20+$0x0]  }
0x2c8: {  	v17 =	vor.u32 $0x180, v3;
	s18 =	sadd.s32 $0x10, s11;
	s12 =	sadd.s32 $0x80, s12;
	s17 =	sor.u32 s5, s15;
	[tilespmem:s14+$0x0] =	vst v11;
	v11 =	vld [tilespmem:s23+$0x0]  }
0x2c9: {  	v18 =	vor.u32 $0x180, v4;
	s13 =	sor.u32 $0x180, s18;
	s18 =	sadd.s32 $0x10, s12;
	[tilespmem:s17+$0x0] =	vst v14;
	v14 =	vld.idx.msk [tilespmem:v9+s25+$0x0], $0xffff  }
0x2ca: {  	v19 =	vor.u32 $0x100, v7;
	[tilespmem:s13+$0xC800] =	vst v12;
	s20 =	sor.u32 $0x180, s18;
	v20 =	vld.idx.msk [tilespmem:v13+s25+$0x0], $0xffff  }
0x2cb: {  	v4 =	vor.u32 $0x180, v7;
	[tilespmem:s20+$0xC800] =	vst v2;
	v10 =	vld.idx.msk [tilespmem:v15+s25+$0x0], $0xffff  }
0x2cc: {  	s21 =	simm.s32 $0x200;
	s9 =	sor.u32 s2, s9;
	v7 =	vor.u32 $0x80, v15;
	[tilespmem:s10+$0x100] =	vst v16;
	v16 =	vor.u32 $0x100, v1;
	v8 =	vld.idx.msk [tilespmem:v0+s25+$0x0], $0xffff;
	v9 =	vshll.u32 v6, $0x2  }
0x2cd: {  	s2 =	simm.s32 $0x2;
	s5 =	sor.u32 $0x180, s11;
	s11 =	sor.u32 s7, s15;
	v3 =	vor.u32 $0x100, v15;
	[tilespmem:s8+$0x100] =	vst v5;
	v5 =	vand.u32 $0x7F, v6;
	v6 =	vand.u32 $0xFFFFFE00, v9;
	v9 =	vld.idx.msk [tilespmem:v17+s25+$0x0], $0xffff  }
0x2ce: {  	s13 =	simm.s32 $0x200;
	s18 =	sor.u32 $0x180, s12;
	s23 =	sand.u32 $0x3, s2;
	v2 =	vor.u32 $0x180, v15;
	v13 =	vor.u32 $0x80, v0;
	[tilespmem:s14+$0x80] =	vst v14;
	v14 =	vld.idx.msk [tilespmem:v18+s25+$0x0], $0xffff;
	v6 =	vor.u32 v5, v6  }
0x2cf: {  	s12 =	sshll.u32 s23, $0x5;
	s8 =	simm.s32 $0x80;
	s10 =	sand.u32 $0x1E00, s13;
	v17 =	vshll.u32 v11, $0x2;
	[tilespmem:s17+$0x80] =	vst v20;
	v15 =	vld.idx.msk [tilespmem:v19+s25+$0x0], $0xffff;
	v12 =	vor.u32 $0x80, v6;
	v5 =	vor.u32 $0x100, v6  }
.LBB2_25:
0x2d0: {  	s19 =	sadd.s32 $0x20, s19;
	s7 =	sadd.s32 $0xC800, s10  }
0x2d1: {  	v11 =	vand.u32 $0x7F, v11;
	v17 =	vand.u32 $0xFFFFFE00, v17;
	v18 =	vor.u32 $0x180, v6;
	v19 =	vld.idx.msk [tilespmem:v16+s25+$0x0], $0xffff;
	s10 =	sadd.s32 s12, s0;
	s0 =	smov.u32 s3;
	s3 =	smov.u32 s13  }
0x2d2: {  	s12 =	sand.u32 $0x60, s19;
	v17 =	vor.u32 v11, v17;
	v20 =	vld [tilespmem:s8+$0x0];
	s8 =	sor.u32 s4, s7;
	[tilespmem:s9+$0x0] =	vst v10;
	s4 =	sadd.s32 $0x10, s10  }
0x2d3: {  	v21 =	vor.u32 $0x180, v1;
	v1 =	vmovc v0;
	s20 =	sand.u32 $0x780, s19;
	s15 =	sor.u32 $0x10, s12;
	[tilespmem:s8+$0x0] =	vst v8;
	v22 =	vld.idx.msk [tilespmem:v7+s25+$0x0], $0xffff;
	s4 =	sor.u32 $0x180, s4;
	v0 =	vmov v17;
	v7 =	vmov v12  }
0x2d4: {  	s7 =	sor.u32 s1, s7;
	s10 =	sor.u32 $0x180, s10;
	s20 =	sor.u32 s15, s20;
	v23 =	vld.idx.msk [tilespmem:v13+s25+$0x0], $0xffff;
	[tilespmem:s4+$0xC800] =	vst v9  }
0x2d5: {  	p0 =	slt.u32 s19, $0x7E0;
	s1 =	smov.u32 s6;
	s6 =	smov.u32 s12;
	v11 =	vld [tilespmem:s20+$0x0];
	[tilespmem:s5+$0xC800] =	vst v14  }
.Ltmp14:
0x2d6: {  	v16 =	vor.u32 $0x100, v1;
	s4 =	smov.u32 s16;
	s16 =	smov.u32 s15;
	v10 =	vld.idx.msk [tilespmem:v6+s25+$0x0], $0xffff;
	[tilespmem:s14+$0x100] =	vst v15;
	(pc) =	sbr.rel @p0 .LBB2_25-.Ltmp14, $4  }
0x2d7: {  	s14 =	smov.u32 s9;
	s9 =	smov.u32 s11;
	v8 =	vld.idx.msk [tilespmem:v17+s25+$0x0], $0xffff;
	v6 =	vand.u32 $0x7F, v20;
	v9 =	vshll.u32 v20, $0x2;
	[tilespmem:s17+$0x100] =	vst v19;
	s17 =	smov.u32 s8  }
0x2d8: {  	s2 =	sadd.s32 $0x1, s2;
	s5 =	smov.u32 s18;
	s11 =	smov.u32 s7;
	v12 =	vand.u32 $0xFFFFFE00, v9;
	v9 =	vld.idx.msk [tilespmem:v21+s25+$0x0], $0xffff  }
0x2d9: {  	s13 =	sadd.s32 $0x80, s13;
	v13 =	vor.u32 $0x80, v0;
	s18 =	smov.u32 s10;
	s7 =	sand.u32 $0x3, s2;
	v6 =	vor.u32 v6, v12;
	[tilespmem:s14+$0x80] =	vst v22;
	v14 =	vld.idx.msk [tilespmem:v4+s25+$0x0], $0xffff;
	v4 =	vmovc v2;
	v2 =	vmov v18  }
0x2da: {  	s10 =	sand.u32 $0x1E00, s13;
	s8 =	sshra.s32 s13, $0x2;
	s12 =	sshll.u32 s7, $0x5;
	v17 =	vshll.u32 v11, $0x2;
	v12 =	vor.u32 $0x80, v6;
	[tilespmem:s17+$0x80] =	vst v23;
	v15 =	vld.idx.msk [tilespmem:v3+s25+$0x0], $0xffff;
	v3 =	vmovc v5;
	v5 =	vor.u32 $0x100, v6  }
0x2db: {  	s7 =	sadd.s32 $0x80, s13  }
0x2dc: {  	v18 =	vld [tilespmem:s8+$0x0];
	s20 =	sshra.s32 s7, $0x2  }
0x2dd: {  	v19 =	vld [tilespmem:s20+$0x0];
	_ =	sdelay $0x2  }
0x2de: {  	v11 =	vand.u32 $0x7F, v11;
	v17 =	vand.u32 $0xFFFFFE00, v17  }
0x2df: {  	v11 =	vor.u32 v11, v17;
	v17 =	vshll.u32 v18, $0x2  }
0x2e0: {  	s23 =	sadd.s32 $0xC800, s10;
	s0 =	sadd.s32 s12, s0;
	v18 =	vand.u32 $0x7F, v18;
	v17 =	vand.u32 $0xFFFFFE00, v17;
	v20 =	vshll.u32 v19, $0x2  }
0x2e1: {  	[tilespmem:s9+$0x0] =	vst v10;
	v16 =	vld.idx.msk [tilespmem:v16+s25+$0x0], $0xffff;
	s4 =	sor.u32 s4, s23;
	s12 =	sadd.s32 $0x10, s0;
	v10 =	vor.u32 v18, v17;
	v17 =	vand.u32 $0x7F, v19;
	v18 =	vand.u32 $0xFFFFFE00, v20  }
0x2e2: {  	v7 =	vld.idx.msk [tilespmem:v7+s25+$0x0], $0xffff;
	[tilespmem:s4+$0x0] =	vst v8;
	s10 =	sor.u32 $0x180, s12;
	v8 =	vor.u32 v17, v18  }
0x2e3: {  	v1 =	vor.u32 $0x180, v1;
	v13 =	vld.idx.msk [tilespmem:v13+s25+$0x0], $0xffff;
	[tilespmem:s10+$0xC800] =	vst v9  }
0x2e4: {  	[tilespmem:s5+$0xC800] =	vst v14;
	v14 =	vld.idx.msk [tilespmem:v6+s25+$0x0], $0xffff  }
0x2e5: {  	[tilespmem:s14+$0x100] =	vst v15;
	v9 =	vld.idx.msk [tilespmem:v11+s25+$0x0], $0xffff  }
0x2e6: {  	v15 =	vor.u32 $0x80, v11;
	[tilespmem:s17+$0x100] =	vst v16;
	v16 =	vld.idx.msk [tilespmem:v10+s25+$0x0], $0xffff  }
0x2e7: {  	s2 =	sadd.s32 $0x1, s2;
	s14 =	sand.u32 $0x1E00, s7;
	[tilespmem:s9+$0x80] =	vst v7;
	v7 =	vor.u32 $0x80, v10;
	v17 =	vld.idx.msk [tilespmem:v8+s25+$0x0], $0xffff  }
0x2e8: {  	s15 =	sand.u32 $0x3, s2;
	s5 =	sadd.s32 $0xC800, s14;
	v1 =	vld.idx.msk [tilespmem:v1+s25+$0x0], $0xffff;
	[tilespmem:s4+$0x80] =	vst v13;
	v13 =	vor.u32 $0x80, v8  }
0x2e9: {  	s10 =	sshll.u32 s15, $0x5;
	v4 =	vld.idx.msk [tilespmem:v4+s25+$0x0], $0xffff;
	s16 =	sor.u32 s16, s5;
	[tilespmem:s11+$0x0] =	vst v14;
	v18 =	vor.u32 $0x100, v0  }
0x2ea: {  	s1 =	sor.u32 s1, s23;
	s3 =	sadd.s32 s10, s3;
	v12 =	vld.idx.msk [tilespmem:v12+s25+$0x0], $0xffff;
	[tilespmem:s16+$0x0] =	vst v9  }
0x2eb: {  	s17 =	sadd.s32 $0x10, s3;
	s5 =	sor.u32 s6, s5;
	v9 =	vld.idx.msk [tilespmem:v15+s25+$0x0], $0xffff;
	[tilespmem:s1+$0x0] =	vst v16  }
0x2ec: {  	s19 =	sor.u32 $0x180, s17;
	v14 =	vor.u32 $0x100, v11;
	v7 =	vld.idx.msk [tilespmem:v7+s25+$0x0], $0xffff;
	[tilespmem:s5+$0x0] =	vst v17  }
0x2ed: {  	[tilespmem:s19+$0xC800] =	vst v1;
	v15 =	vor.u32 $0x100, v10;
	v1 =	vld.idx.msk [tilespmem:v13+s25+$0x0], $0xffff  }
0x2ee: {  	[tilespmem:s18+$0xC800] =	vst v4;
	v4 =	vor.u32 $0x100, v8;
	v13 =	vld.idx.msk [tilespmem:v18+s25+$0x0], $0xffff  }
0x2ef: {  	v3 =	vld.idx.msk [tilespmem:v3+s25+$0x0], $0xffff;
	v0 =	vor.u32 $0x180, v0;
	[tilespmem:s11+$0x80] =	vst v12  }
0x2f0: {  	v5 =	vld.idx.msk [tilespmem:v5+s25+$0x0], $0xffff;
	[tilespmem:s16+$0x80] =	vst v9  }
0x2f1: {  	v6 =	vor.u32 $0x180, v6;
	v9 =	vld.idx.msk [tilespmem:v14+s25+$0x0], $0xffff;
	[tilespmem:s1+$0x80] =	vst v7  }
0x2f2: {  	v11 =	vor.u32 $0x180, v11;
	v7 =	vld.idx.msk [tilespmem:v15+s25+$0x0], $0xffff;
	[tilespmem:s5+$0x80] =	vst v1  }
0x2f3: {  	s2 =	sadd.s32 $0x1, s2;
	v1 =	vor.u32 $0x180, v10;
	[tilespmem:s4+$0x100] =	vst v13;
	v4 =	vld.idx.msk [tilespmem:v4+s25+$0x0], $0xffff  }
0x2f4: {  	s20 =	sand.u32 $0x3, s2;
	[tilespmem:s9+$0x100] =	vst v3;
	v3 =	vor.u32 $0x180, v8;
	v0 =	vld.idx.msk [tilespmem:v0+s25+$0x0], $0xffff  }
0x2f5: {  	v2 =	vld.idx.msk [tilespmem:v2+s25+$0x0], $0xffff;
	[tilespmem:s11+$0x100] =	vst v5;
	s4 =	sshll.u32 s20, $0x5  }
0x2f6: {  	s2 =	sadd.s32 $0x1, s2;
	v6 =	vld.idx.msk [tilespmem:v6+s25+$0x0], $0xffff;
	[tilespmem:s16+$0x100] =	vst v9;
	s4 =	sadd.s32 s4, s13  }
0x2f7: {  	s2 =	sand.u32 $0x3, s2;
	v5 =	vld.idx.msk [tilespmem:v11+s25+$0x0], $0xffff;
	s23 =	sadd.s32 $0x10, s4;
	[tilespmem:s1+$0x100] =	vst v7  }
0x2f8: {  	s2 =	sshll.u32 s2, $0x5;
	s8 =	sor.u32 $0x180, s23;
	v1 =	vld.idx.msk [tilespmem:v1+s25+$0x0], $0xffff;
	[tilespmem:s5+$0x100] =	vst v4  }
0x2f9: {  	s0 =	sor.u32 $0x180, s0;
	s2 =	sadd.s32 s2, s7;
	[tilespmem:s8+$0xC800] =	vst v0;
	v0 =	vld.idx.msk [tilespmem:v3+s25+$0x0], $0xffff  }
0x2fa: {  	s9 =	sadd.s32 $0x10, s2;
	[tilespmem:s0+$0xC800] =	vst v2;
	s11 =	sor.u32 $0x180, s3  }
0x2fb: {  	s10 =	sor.u32 $0x180, s9;
	[tilespmem:s11+$0xC800] =	vst v6  }
0x2fc: {  	s12 =	sor.u32 $0x180, s4;
	[tilespmem:s10+$0xC800] =	vst v5  }
0x2fd: {  	s13 =	sor.u32 $0x180, s2;
	[tilespmem:s12+$0xC800] =	vst v1  }
0x2fe: {  	[tilespmem:s13+$0xC800] =	vst v0  }
0x2ff: {  	s15 =	simm.s32 $0x2;
	s14 =	simm.s32 $0xC800;
	s0 =	rddreg [dreg:$0x12]  }
0x300: {  	[hbm4b:s0+s21] =	stream.strided.scatter [tilespmem:s14], [sflag:$0x7], $0x2000, s24, s21, $0x38;
	[tilespmem:$0x18800] =	vst v63  }
0x301: {  	_ =	swait.ge [sflag:s15], $0x2000  }
0x302: {  	[sflag:s15] =	ssyncset.done $0x0  }
0x303: {  	s17 =	simm.s32 $0x8;
	s16 =	simm.s32 $0x0;
	[sflag:s15] =	ssyncadd.s32 $0xFFFFE000  }
0x304: {  	s0 =	sand.u32 $0x60, s16;
	_ =	swait.ge [sflag:s17], $0x2000  }
0x305: {  	s1 =	sand.u32 $0x780, s16;
	s7 =	sor.u32 $0x10, s0;
	[sflag:s17] =	ssyncset.done $0x0  }
0x306: {  	s1 =	sor.u32 s7, s1;
	[sflag:s17] =	ssyncadd.s32 $0xFFFFE000  }
0x307: {  	v0 =	vld [tilespmem:s1+$0x0];
	_ =	sdelay $0x3  }
0x308: {  	s18 =	simm.s32 $0x20  }
0x309: {  	s4 =	sand.u32 $0x60, s18;
	v1 =	vshll.u32 v0, $0x2  }
0x30a: {  	s2 =	sor.u32 $0x10, s4;
	s1 =	sand.u32 $0x780, s18;
	v0 =	vand.u32 $0x7F, v0;
	v1 =	vand.u32 $0xFFFFFE00, v1  }
0x30b: {  	s1 =	sor.u32 s2, s1;
	v1 =	vor.u32 v0, v1  }
0x30c: {  	v0 =	vld [tilespmem:s1+$0x0];
	_ =	sdelay $0x3  }
0x30d: {  	s19 =	simm.s32 $0x0;
	v2 =	vld.idx.msk [tilespmem:v1+s26+$0x0], $0xffff  }
0x30e: {  	s20 =	simm.s32 $0x0;
	s21 =	simm.s32 $0x40;
	v5 =	vld [tilespmem:s19+$0x0];
	v3 =	vor.u32 $0x80, v1;
	v4 =	vshll.u32 v0, $0x2  }
0x30f: {  	s5 =	sand.u32 $0x1E00, s20;
	s1 =	sand.u32 $0x60, s21;
	v0 =	vand.u32 $0x7F, v0;
	v4 =	vand.u32 $0xFFFFFE00, v4  }
0x310: {  	s23 =	sadd.s32 $0xE800, s5;
	s13 =	sand.u32 $0x780, s21;
	s9 =	sor.u32 $0x10, s1;
	v4 =	vor.u32 v0, v4  }
0x311: {  	s14 =	sor.u32 s7, s23;
	s3 =	sor.u32 s9, s13  }
0x312: {  	v0 =	vld [tilespmem:s3+$0x0];
	[tilespmem:s14+$0x0] =	vst v2  }
0x313: {  	v2 =	vld.idx.msk [tilespmem:v3+s26+$0x0], $0xffff;
	v3 =	vshll.u32 v5, $0x2  }
0x314: {  	v6 =	vor.u32 $0x100, v1;
	v5 =	vand.u32 $0x7F, v5;
	v3 =	vand.u32 $0xFFFFFE00, v3  }
0x315: {  	v7 =	vld.idx.msk [tilespmem:v4+s26+$0x0], $0xffff;
	v3 =	vor.u32 v5, v3  }
0x316: {  	s10 =	sadd.s32 $0xE880, s5;
	s15 =	simm.s32 $0x80;
	v5 =	vor.u32 $0x80, v4  }
0x317: {  	s16 =	simm.s32 $0x20;
	s15 =	sand.u32 $0x1E00, s15;
	s17 =	sor.u32 s7, s10;
	v8 =	vshll.u32 v0, $0x2  }
0x318: {  	s12 =	sadd.s32 $0xE800, s15;
	v9 =	vld [tilespmem:s16+$0x0];
	v0 =	vand.u32 $0x7F, v0;
	[tilespmem:s17+$0x0] =	vst v2;
	v2 =	vand.u32 $0xFFFFFE00, v8  }
0x319: {  	s18 =	simm.s32 $0x60;
	s19 =	sor.u32 s2, s12;
	v6 =	vld.idx.msk [tilespmem:v6+s26+$0x0], $0xffff;
	v0 =	vor.u32 v0, v2  }
0x31a: {  	v1 =	vor.u32 $0x180, v1;
	s3 =	sand.u32 $0x60, s18;
	[tilespmem:s19+$0x0] =	vst v7;
	v2 =	vld.idx.msk [tilespmem:v3+s26+$0x0], $0xffff  }
0x31b: {  	s11 =	sand.u32 $0x780, s18;
	s6 =	sor.u32 $0x10, s3;
	v7 =	vor.u32 $0x80, v3;
	v5 =	vld.idx.msk [tilespmem:v5+s26+$0x0], $0xffff  }
0x31c: {  	s16 =	sadd.s32 $0xE900, s5;
	v11 =	vor.u32 $0x100, v4;
	s11 =	sor.u32 s6, s11  }
0x31d: {  	s20 =	sor.u32 s7, s16;
	v10 =	vshll.u32 v9, $0x2;
	v8 =	vld [tilespmem:s11+$0x0]  }
0x31e: {  	s8 =	sor.u32 s0, s23;
	v9 =	vand.u32 $0x7F, v9;
	v10 =	vand.u32 $0xFFFFFE00, v10;
	s18 =	sadd.s32 $0xE880, s15;
	[tilespmem:s20+$0x0] =	vst v6;
	v6 =	vld.idx.msk [tilespmem:v0+s26+$0x0], $0xffff  }
0x31f: {  	v12 =	vor.u32 v9, v10;
	s21 =	sor.u32 s2, s18;
	v13 =	vld.idx.msk [tilespmem:v1+s26+$0x0], $0xffff;
	[tilespmem:s8+$0x0] =	vst v2  }
0x320: {  	[tilespmem:s21+$0x0] =	vst v5;
	v7 =	vld.idx.msk [tilespmem:v7+s26+$0x0], $0xffff  }
0x321: {  	s23 =	simm.s32 $0x100;
	s13 =	simm.s32 $0x40;
	s17 =	simm.s32 $0x80;
	v2 =	vor.u32 $0x80, v0;
	v9 =	vld.idx.msk [tilespmem:v11+s26+$0x0], $0xffff  }
0x322: {  	s14 =	sand.u32 $0x1E00, s23;
	s11 =	sand.u32 $0x60, s17;
	v5 =	vor.u32 $0x100, v3;
	v1 =	vshll.u32 v8, $0x2;
	v11 =	vld [tilespmem:s13+$0x0]  }
0x323: {  	v4 =	vor.u32 $0x180, v4;
	s19 =	sadd.s32 $0xE800, s14;
	v8 =	vand.u32 $0x7F, v8;
	s21 =	sand.u32 $0x780, s17;
	v1 =	vand.u32 $0xFFFFFE00, v1;
	s13 =	sor.u32 $0x10, s11  }
0x324: {  	v14 =	vld.idx.msk [tilespmem:v12+s26+$0x0], $0xffff;
	s20 =	sor.u32 s9, s19;
	v1 =	vor.u32 v8, v1;
	s8 =	sor.u32 s13, s21  }
0x325: {  	s10 =	sor.u32 s0, s10;
	v8 =	vld [tilespmem:s8+$0x0];
	[tilespmem:s20+$0x0] =	vst v6;
	s20 =	sadd.s32 $0xE900, s15  }
0x326: {  	s23 =	sadd.s32 $0xE980, s5;
	v6 =	vor.u32 $0x80, v12;
	v2 =	vld.idx.msk [tilespmem:v2+s26+$0x0], $0xffff;
	s8 =	sor.u32 s2, s20;
	[tilespmem:s10+$0x0] =	vst v7  }
0x327: {  	s5 =	sor.u32 s4, s18;
	s18 =	sor.u32 s7, s23;
	v17 =	vor.u32 $0x100, v0;
	s7 =	sor.u32 s1, s19;
	[tilespmem:s8+$0x0] =	vst v9;
	v16 =	vld.idx.msk [tilespmem:v5+s26+$0x0], $0xffff;
	v5 =	vshll.u32 v11, $0x2  }
0x328: {  	s19 =	sadd.s32 $0xE880, s14;
	s21 =	sor.u32 s0, s16;
	s10 =	sor.u32 s4, s12;
	v10 =	vld.idx.msk [tilespmem:v4+s26+$0x0], $0xffff;
	v4 =	vand.u32 $0x7F, v11;
	v5 =	vand.u32 $0xFFFFFE00, v5  }
0x329: {  	s15 =	sadd.s32 $0xE980, s15;
	s12 =	sor.u32 s0, s23;
	s23 =	simm.s32 $0x60;
	v9 =	vld.idx.msk [tilespmem:v1+s26+$0x0], $0xffff;
	[tilespmem:s10+$0x0] =	vst v14;
	v14 =	vor.u32 v4, v5  }
0x32a: {  	s16 =	sor.u32 s4, s20;
	[tilespmem:s18+$0x0] =	vst v13;
	s20 =	sor.u32 s9, s19;
	v13 =	vor.u32 $0x80, v1;
	v7 =	vor.u32 $0x180, v3;
	s8 =	simm.s32 $0x180;
	v15 =	vld [tilespmem:s23+$0x0]  }
0x32b: {  	s2 =	sor.u32 s2, s15;
	v3 =	vor.u32 $0x100, v12;
	s0 =	sand.u32 $0x1E00, s8;
	v11 =	vld.idx.msk [tilespmem:v6+s26+$0x0], $0xffff;
	[tilespmem:s20+$0x0] =	vst v2;
	v2 =	vor.u32 $0x180, v12;
	v5 =	vor.u32 $0x80, v14  }
0x32c: {  	s4 =	sor.u32 s4, s15;
	s10 =	sor.u32 s1, s19;
	s15 =	sadd.s32 $0xE800, s0;
	v6 =	vor.u32 $0x100, v14;
	v4 =	vor.u32 $0x180, v14;
	v12 =	vld.idx.msk [tilespmem:v17+s26+$0x0], $0xffff;
	[tilespmem:s21+$0x0] =	vst v16;
	v16 =	vshll.u32 v8, $0x2  }
.LBB2_27:
0x32d: {  	s17 =	sadd.s32 $0x20, s17;
	s18 =	sor.u32 s3, s15;
	s15 =	sor.u32 s6, s15  }
0x32e: {  	v8 =	vand.u32 $0x7F, v8;
	v16 =	vand.u32 $0xFFFFFE00, v16;
	v17 =	vld.idx.msk [tilespmem:v14+s26+$0x0], $0xffff;
	v14 =	vor.u32 $0x180, v0;
	[tilespmem:s2+$0x0] =	vst v10;
	v0 =	vmovc v1;
	s2 =	smov.u32 s1;
	s1 =	smov.u32 s3;
	s3 =	smov.u32 s11  }
0x32f: {  	s19 =	smov.u32 s9;
	s11 =	sand.u32 $0x60, s17;
	p0 =	slt.u32 s17, $0x7E0;
	v1 =	vor.u32 v8, v16;
	[tilespmem:s15+$0x0] =	vst v9;
	v16 =	vld.idx.msk [tilespmem:v7+s26+$0x0], $0xffff;
	v7 =	vmov v2;
	v2 =	vmov v4  }
0x330: {  	s20 =	sadd.s32 $0xE900, s14;
	s9 =	sand.u32 $0x780, s17;
	s15 =	sor.u32 $0x10, s11;
	v18 =	vld.idx.msk [tilespmem:v13+s26+$0x0], $0xffff;
	[tilespmem:s5+$0x0] =	vst v11  }
0x331: {  	s21 =	sor.u32 s2, s20;
	s5 =	sor.u32 s15, s9;
	s9 =	sor.u32 s19, s20;
	v19 =	vld.idx.msk [tilespmem:v3+s26+$0x0], $0xffff;
	v3 =	vmov v6  }
0x332: {  	v8 =	vld [tilespmem:s5+$0x0];
	v4 =	vand.u32 $0x7F, v15;
	v6 =	vshll.u32 v15, $0x2;
	v15 =	vor.u32 $0x100, v0;
	[tilespmem:s9+$0x0] =	vst v12;
	s9 =	smov.u32 s6;
	s6 =	smov.u32 s13;
	s13 =	smov.u32 s15  }
0x333: {  	s15 =	smov.u32 s16;
	s16 =	smov.u32 s21;
	s5 =	smov.u32 s10;
	v6 =	vand.u32 $0xFFFFFE00, v6;
	v10 =	vld.idx.msk [tilespmem:v14+s26+$0x0], $0xffff  }
.Ltmp15:
0x334: {  	s20 =	sadd.s32 $0xE880, s0;
	v9 =	vld.idx.msk [tilespmem:v1+s26+$0x0], $0xffff;
	v14 =	vor.u32 v4, v6;
	[tilespmem:s7+$0x0] =	vst v17;
	s7 =	smov.u32 s18;
	(pc) =	sbr.rel @p0 .LBB2_27-.Ltmp15, $4  }
0x335: {  	s10 =	sor.u32 s1, s20;
	s18 =	sor.u32 s9, s20;
	s20 =	smov.u32 s14;
	v6 =	vor.u32 $0x100, v14;
	v4 =	vor.u32 $0x180, v14;
	v11 =	vld.idx.msk [tilespmem:v5+s26+$0x0], $0xffff;
	v5 =	vor.u32 $0x80, v14;
	[tilespmem:s12+$0x0] =	vst v16  }
0x336: {  	s8 =	sadd.s32 $0x80, s8;
	v13 =	vor.u32 $0x80, v1;
	s14 =	smov.u32 s0;
	s12 =	smov.u32 s4;
	[tilespmem:s18+$0x0] =	vst v18  }
0x337: {  	s0 =	sand.u32 $0x1E00, s8;
	s4 =	sshra.s32 s8, $0x2;
	s18 =	sadd.s32 $0xE980, s20;
	v12 =	vld.idx.msk [tilespmem:v15+s26+$0x0], $0xffff;
	[tilespmem:s15+$0x0] =	vst v19  }
0x338: {  	v16 =	vshll.u32 v8, $0x2;
	s15 =	sadd.s32 $0xE800, s0;
	v15 =	vld [tilespmem:s4+$0x0];
	s4 =	sor.u32 s2, s18;
	s2 =	sor.u32 s19, s18  }
0x339: {  	s8 =	sadd.s32 $0x80, s8  }
0x33a: {  	s17 =	sshra.s32 s8, $0x2  }
0x33b: {  	v17 =	vld [tilespmem:s17+$0x0];
	_ =	sdelay $0x2  }
0x33c: {  	v8 =	vand.u32 $0x7F, v8;
	v16 =	vand.u32 $0xFFFFFE00, v16  }
0x33d: {  	v8 =	vor.u32 v8, v16;
	v41 =	vshll.u32 v15, $0x2  }
0x33e: {  	v42 =	vand.u32 $0x7F, v15;
	v16 =	vand.u32 $0xFFFFFE00, v41;
	v18 =	vshll.u32 v17, $0x2  }
0x33f: {  	v15 =	vor.u32 v42, v16;
	v43 =	vand.u32 $0x7F, v17;
	v44 =	vand.u32 $0xFFFFFE00, v18  }
0x340: {  	v16 =	vor.u32 v43, v44  }
0x341: {  	v14 =	vld.idx.msk [tilespmem:v14+s26+$0x0], $0xffff  }
0x342: {  	[tilespmem:s2+$0x0] =	vst v10;
	s23 =	sor.u32 s6, s15;
	v7 =	vld.idx.msk [tilespmem:v7+s26+$0x0], $0xffff  }
0x343: {  	[tilespmem:s23+$0x0] =	vst v9;
	s17 =	sadd.s32 $0xE900, s14;
	v45 =	vld.idx.msk [tilespmem:v8+s26+$0x0], $0xffff  }
0x344: {  	[tilespmem:s5+$0x0] =	vst v11;
	v46 =	vor.u32 $0x80, v8;
	s5 =	sor.u32 s9, s17;
	v47 =	vld.idx.msk [tilespmem:v15+s26+$0x0], $0xffff  }
0x345: {  	s2 =	sand.u32 $0x1E00, s8;
	[tilespmem:s5+$0x0] =	vst v12;
	v48 =	vor.u32 $0x80, v15;
	v17 =	vld.idx.msk [tilespmem:v16+s26+$0x0], $0xffff  }
0x346: {  	v13 =	vld.idx.msk [tilespmem:v13+s26+$0x0], $0xffff;
	s8 =	sadd.s32 $0xE800, s2;
	[tilespmem:s7+$0x0] =	vst v14;
	v49 =	vor.u32 $0x80, v16  }
0x347: {  	v0 =	vor.u32 $0x180, v0;
	v3 =	vld.idx.msk [tilespmem:v3+s26+$0x0], $0xffff;
	s18 =	sor.u32 s13, s8;
	[tilespmem:s12+$0x0] =	vst v7  }
0x348: {  	s19 =	sor.u32 s3, s15;
	v50 =	vor.u32 $0x100, v1;
	v5 =	vld.idx.msk [tilespmem:v5+s26+$0x0], $0xffff;
	[tilespmem:s18+$0x0] =	vst v45  }
0x349: {  	s20 =	sadd.s32 $0xE880, s0;
	s5 =	sor.u32 s11, s8;
	v9 =	vld.idx.msk [tilespmem:v46+s26+$0x0], $0xffff;
	[tilespmem:s19+$0x0] =	vst v47  }
0x34a: {  	s21 =	sor.u32 s6, s20;
	v51 =	vor.u32 $0x100, v8;
	v11 =	vld.idx.msk [tilespmem:v48+s26+$0x0], $0xffff;
	[tilespmem:s5+$0x0] =	vst v17  }
0x34b: {  	[tilespmem:s21+$0x0] =	vst v13;
	v52 =	vor.u32 $0x100, v15;
	v53 =	vld.idx.msk [tilespmem:v49+s26+$0x0], $0xffff  }
0x34c: {  	s23 =	sadd.s32 $0xE880, s2;
	v0 =	vld.idx.msk [tilespmem:v0+s26+$0x0], $0xffff;
	[tilespmem:s16+$0x0] =	vst v3;
	v54 =	vor.u32 $0x100, v16  }
0x34d: {  	s12 =	sor.u32 s13, s23;
	v7 =	vld.idx.msk [tilespmem:v50+s26+$0x0], $0xffff;
	[tilespmem:s10+$0x0] =	vst v5  }
0x34e: {  	v55 =	vor.u32 $0x180, v1;
	s7 =	sor.u32 s3, s20;
	v5 =	vld.idx.msk [tilespmem:v6+s26+$0x0], $0xffff;
	[tilespmem:s12+$0x0] =	vst v9  }
0x34f: {  	s15 =	sadd.s32 $0xE980, s14;
	v56 =	vld.idx.msk [tilespmem:v51+s26+$0x0], $0xffff;
	s5 =	sor.u32 s11, s23;
	[tilespmem:s7+$0x0] =	vst v11  }
0x350: {  	v8 =	vor.u32 $0x180, v8;
	s16 =	sor.u32 s9, s15;
	s18 =	sadd.s32 $0xE900, s0;
	v57 =	vld.idx.msk [tilespmem:v52+s26+$0x0], $0xffff;
	[tilespmem:s5+$0x0] =	vst v53  }
0x351: {  	v58 =	vor.u32 $0x180, v15;
	[tilespmem:s16+$0x0] =	vst v0;
	s19 =	sor.u32 s6, s18;
	v59 =	vld.idx.msk [tilespmem:v54+s26+$0x0], $0xffff  }
0x352: {  	s20 =	sor.u32 s1, s17;
	s21 =	sadd.s32 $0xE900, s2;
	v2 =	vld.idx.msk [tilespmem:v2+s26+$0x0], $0xffff;
	v60 =	vor.u32 $0x180, v16;
	[tilespmem:s19+$0x0] =	vst v7  }
0x353: {  	[tilespmem:s20+$0x0] =	vst v5;
	v1 =	vld.idx.msk [tilespmem:v55+s26+$0x0], $0xffff;
	s23 =	sor.u32 s13, s21  }
0x354: {  	v4 =	vld.idx.msk [tilespmem:v4+s26+$0x0], $0xffff;
	[tilespmem:s23+$0x0] =	vst v56;
	s5 =	sor.u32 s3, s18  }
0x355: {  	s8 =	sor.u32 s11, s21;
	v61 =	vld.idx.msk [tilespmem:v8+s26+$0x0], $0xffff;
	[tilespmem:s5+$0x0] =	vst v57  }
0x356: {  	s9 =	sadd.s32 $0xE980, s0;
	v62 =	vld.idx.msk [tilespmem:v58+s26+$0x0], $0xffff;
	[tilespmem:s8+$0x0] =	vst v59  }
0x357: {  	s10 =	sor.u32 s6, s9;
	[tilespmem:s4+$0x0] =	vst v2;
	v63 =	vld.idx.msk [tilespmem:v60+s26+$0x0], $0xffff  }
0x358: {  	s2 =	sadd.s32 $0xE980, s2;
	s12 =	sor.u32 s1, s15;
	[tilespmem:s10+$0x0] =	vst v1  }
0x359: {  	s13 =	sor.u32 s13, s2;
	[tilespmem:s12+$0x0] =	vst v4  }
0x35a: {  	s0 =	sor.u32 s3, s9;
	[tilespmem:s13+$0x0] =	vst v61  }
0x35b: {  	s14 =	sor.u32 s11, s2;
	[tilespmem:s0+$0x0] =	vst v62  }
0x35c: {  	s16 =	simm.s32 $0x9;
	[tilespmem:s14+$0x0] =	vst v63  }
0x35d: {  	s20 =	simm.s32 $0x200;
	s15 =	simm.s32 $0xE800;
	s0 =	rddreg [dreg:$0x13]  }
0x35e: {  	[hbm4b:s0+s20] =	stream.strided.scatter [tilespmem:s15], [sflag:$0x8], $0x2000, s24, s20, $0x38;
	[tilespmem:$0x18800] =	vst v63  }
0x35f: {  	_ =	swait.ge [sflag:s16], $0x2000  }
0x360: {  	[sflag:s16] =	ssyncset.done $0x0  }
0x361: {  	s17 =	simm.s32 $0xA;
	[sflag:s16] =	ssyncadd.s32 $0xFFFFE000  }
0x362: {  	_ =	swait.ge [sflag:s17], $0x2000  }
0x363: {  	[sflag:s17] =	ssyncset.done $0x0  }
0x364: {  	s18 =	simm.s32 $0xB;
	[sflag:s17] =	ssyncadd.s32 $0xFFFFE000  }
0x365: {  	_ =	swait.ge [sflag:s18], $0x2000  }
0x366: {  	[sflag:s18] =	ssyncset.done $0x0  }
0x367: {  	s19 =	simm.s32 $0xC;
	[sflag:s18] =	ssyncadd.s32 $0xFFFFE000  }
0x368: {  	_ =	swait.ge [sflag:s19], $0x2000  }
0x369: {  	[sflag:s19] =	ssyncset.done $0x0  }
0x36a: {  	[sflag:s19] =	ssyncadd.s32 $0xFFFFE000  }
0x36b: {  	_ =	swait.ge [sflag:s22], $0x2000  }
0x36c: {  	[sflag:s22] =	ssyncset.done $0x0  }
0x36d: {  	s21 =	simm.s32 $0x8;
	[sflag:s22] =	ssyncadd.s32 $0xFFFFE000  }
0x36e: {  	_ =	swait.ge [sflag:s21], $0x2000  }
0x36f: {  	s22 =	rddreg [dreg:$0x15]  }
0x370: {  	s23 =	rddreg [dreg:$0x14];
	s2 =	sadd.s32 $0x1, s22  }
0x371: {  	p0 =	sne.s32 s2, s23  }
.Ltmp16:
0x372: {  	_ = 	snop;
	(pc) =	sbr.rel @p0 .LBB2_1-.Ltmp16, $3  }
0x373: {  	_ =	sdelay $0x1  }
0x374: {  	[sflag:s21] =	ssyncset.done $0x0  }
0x375: {  	[sflag:s21] =	ssyncadd.s32 $0xFFFFE000  }
0x376: {  	_ =	sfence.sel $0x180000  }
0x377: {  	[bflag:$0x0] =	sbarrier.arrive $0xFFFF  }
0x378: {  	_ =	strace $0x90000047  }
0x379: {  	s0 =	stileid.u32;
	[bflag:$0x2] =	sbarrier.arrive $0xFFFF  }
0x37a: {  	p0 =	sne.s32 s0, $0x0;
	s0 =	rddreg [dreg:$0x3]  }
0x37b: {  	s0 =	sadd.s32 @!p0 $0x100000, s0  }
0x37c: {  	[sflag:s0] =	ssyncadd.tile.s32 @!p0 $0x1;
	_ =	shalt  }
.Lfunc_end2:
_tile_overlayer_lowered:
.L_overlay_start_2:
0x37d: {  	(tag) =	ssettag $0x2  }
0x37e: {  	s0 =	rddreg [dreg:$0x0];
	s2 =	stileid.u32  }
0x37f: {  	s1 =	rddreg [dreg:$0x1];
	p0 =	sne.s32 s2, $0x0  }
0x380: {  	s3 =	rddreg [dreg:$0x2];
	[bflag:$0x3] =	sbarrier.arrive $0xFFFF;
	s2 =	simm.s32 @!p0 $0x1C0E  }
0x381: {  	[timem:s3], [sflag:s2] =	dma.local @!p0 [hbm:s0], s1  }
0x382: {  	s0 =	simm.s32 @!p0 $0xE  }
0x383: {  	_ =	swait.ge @!p0 [sflag:s0], s1  }
0x384: {  	s1 =	ssub.s32 @!p0 $0x0, s1;
	[sflag:s0] =	ssyncset.done @!p0 $0x0  }
0x385: {  	[sflag:s0] =	ssyncadd.s32 @!p0 s1  }
0x386: {  	[bflag:$0x3] =	sbarrier.arrive $0xFFFF  }
0x387: {  	_ =	shalt  }

</sc_bundles>
